<compile_context>
chip_gen: v7x
topology: tpu7x:2x2x1
jax: 0.10.2.dev20260603
libtpu: 0.0.44.dev20260713+nightly
codegen_flags: <defaults>
</compile_context>

<pallas_src>
import functools

import jax
import jax.numpy as jnp
from jax import lax
from jax.experimental import pallas as pl
from jax.experimental.pallas import tpu as pltpu
from jax.experimental.pallas import tpu_sc as plsc

NC = 2
NS = 16
CH = 128
K = 2
DK = 8
N0 = 96
N1 = 64


def _make_sc_agg(n_pad, d, e_pad):
    nw = NC * NS
    nchunk = max(N0, N1)
    assert (N0 + N1) * NS * CH == e_pad
    rows_per_tile = n_pad // NS
    nslab = rows_per_tile // CH
    mesh = plsc.VectorSubcoreMesh(core_axis_name="c", subcore_axis_name="s")

    @functools.partial(
        pl.kernel,
        mesh=mesh,
        out_type=(
            jax.ShapeDtypeStruct((NC * n_pad, d), jnp.float32),
            jax.ShapeDtypeStruct((NC * n_pad, d), jnp.float32),
        ),
        scratch_types=[
            pltpu.VMEM((2 * K, CH), jnp.int32),
            pltpu.VMEM((nchunk, CH), jnp.int32),
            pltpu.VMEM((CH,), jnp.int32),
            pltpu.VMEM((K * CH, d), jnp.float32),
            pltpu.VMEM_SHARED((n_pad, d), jnp.float32),
            pltpu.SemaphoreType.DMA,
            pltpu.SemaphoreType.DMA,
            pltpu.SemaphoreType.DMA,
        ],
    )
    def sc_agg(src_hbm, dst_hbm, x_hbm, pad_hbm, ones_hbm, agg_out, deg_out,
               src_v, dst_v, pad_v, rows_v, agg_sh, gsem, ssem, isem):
        c = lax.axis_index("c")
        s = lax.axis_index("s")
        wid = c * NS + s
        row0 = s * rows_per_tile
        slab0 = rows_v.at[pl.ds(0, CH)]

        pltpu.sync_copy(pad_hbm, pad_v)

        def fill_zeros():
            pltpu.async_copy(x_hbm.at[pad_v], slab0, gsem).wait()
            hs = [pltpu.async_copy(slab0, agg_sh.at[pl.ds(row0 + k * CH, CH)],
                                   ssem)
                  for k in range(nslab)]
            for h in hs:
                h.wait()

        def copy_out(out_hbm):
            hs = []
            for k in range(nslab):
                buf = rows_v.at[pl.ds((k % K) * CH, CH)]
                if k >= K:
                    hs[k - K].wait()
                pltpu.sync_copy(agg_sh.at[pl.ds(row0 + k * CH, CH)], buf)
                hs.append(pltpu.async_copy(
                    buf, out_hbm.at[pl.ds(c * n_pad + row0 + k * CH, CH)],
                    ssem))
            for h in hs[max(0, nslab - K):]:
                h.wait()

        chunk0 = lax.select(c == 0, s * N0, NS * N0 + s * N1)

        def phase_edges(my_nchunk):
            pltpu.sync_copy(src_hbm.at[pl.ds(chunk0, K)],
                            src_v.at[pl.ds(0, K)])
            plsc.subcore_barrier()

            def group_body(g, slot):
                ph = pltpu.async_copy(
                    src_hbm.at[pl.ds(chunk0 + (g + 1) * K, K)],
                    src_v.at[pl.ds((1 - slot) * K, K)], isem)
                gh = [pltpu.async_copy(x_hbm.at[src_v.at[slot * K + b]],
                                       rows_v.at[pl.ds(b * CH, CH)], gsem)
                      for b in range(K)]
                for h in gh:
                    h.wait()
                sh = [pltpu.async_copy(rows_v.at[pl.ds(b * CH, CH)],
                                       agg_sh.at[dst_v.at[g * K + b]],
                                       ssem, add=True)
                      for b in range(K)]
                for h in sh:
                    h.wait()
                ph.wait()

            def super_group(t, _):
                group_body(2 * t, 0)
                group_body(2 * t + 1, 1)
                return 0

            lax.fori_loop(0, my_nchunk // (2 * K), super_group, 0)

        def phase_deg(my_nchunk):
            def dgroup(g, _):
                hs = [pltpu.async_copy(slab0,
                                       agg_sh.at[dst_v.at[g * DK + b]],
                                       ssem, add=True)
                      for b in range(DK)]
                for h in hs:
                    h.wait()
                return 0

            lax.fori_loop(0, my_nchunk // DK, dgroup, 0)

        pltpu.sync_copy(dst_hbm.at[pl.ds(chunk0, max(N0, N1))], dst_v)
        fill_zeros()

        @pl.when(c == 0)
        def _():
            phase_edges(N0)

        @pl.when(c == 1)
        def _():
            phase_edges(N1)

        plsc.subcore_barrier()
        copy_out(agg_out)
        plsc.subcore_barrier()

        fill_zeros()
        plsc.subcore_barrier()
        pltpu.sync_copy(ones_hbm, slab0)

        @pl.when(c == 0)
        def _():
            phase_deg(N0)

        @pl.when(c == 1)
        def _():
            phase_deg(N1)

        plsc.subcore_barrier()
        copy_out(deg_out)

    return sc_agg


def _tc_body(x_ref, ap_ref, dp_ref, ws_ref, wn_ref, b_ref, o_ref):
    agg = ap_ref[0] + ap_ref[1]
    deg = dp_ref[0, :, 0:1] + dp_ref[1, :, 0:1]
    mean = agg / jnp.clip(deg, 1.0, None)
    h = lax.dot_general(x_ref[...], ws_ref[...], (((1,), (1,)), ((), ())),
                        preferred_element_type=jnp.float32)
    h = h + lax.dot_general(mean, wn_ref[...], (((1,), (1,)), ((), ())),
                            preferred_element_type=jnp.float32)
    o_ref[...] = jnp.maximum(h + b_ref[...], 0.0)


def kernel(x, edge_index, W_self, W_neigh, b):
    n, d = x.shape
    e = edge_index.shape[1]
    nw = NC * NS
    e_pad = (N0 + N1) * NS * CH
    assert e_pad >= e
    n_pad = ((n + 1 + NS * CH - 1) // (NS * CH)) * (NS * CH)

    src = edge_index[0].astype(jnp.int32)
    dst = edge_index[1].astype(jnp.int32)
    pad_idx = jnp.full((e_pad - e,), n, jnp.int32)
    src_p = jnp.concatenate(
        [src, pad_idx, jnp.full((K * CH,), n, jnp.int32)]).reshape(-1, CH)
    dst_p = jnp.concatenate(
        [dst, pad_idx,
         jnp.full((abs(N0 - N1) * NS * CH,), n, jnp.int32)]).reshape(-1, CH)
    x_pad = jnp.pad(x, ((0, n_pad - n), (0, 0)))
    pad_vec = jnp.full((CH,), n, jnp.int32)
    ones_blk = jnp.ones((CH, d), jnp.float32)

    agg_parts, deg_parts = _make_sc_agg(n_pad, d, e_pad)(
        src_p, dst_p, x_pad, pad_vec, ones_blk)
    agg_parts = agg_parts.reshape(NC, n_pad, d)
    deg_parts = deg_parts.reshape(NC, n_pad, d)

    blk = 1024
    grid = (n_pad // blk,)
    out = pl.pallas_call(
        _tc_body,
        grid=grid,
        in_specs=[
            pl.BlockSpec((blk, d), lambda i: (i, 0)),
            pl.BlockSpec((NC, blk, d), lambda i: (0, i, 0)),
            pl.BlockSpec((NC, blk, d), lambda i: (0, i, 0)),
            pl.BlockSpec((d, d), lambda i: (0, 0)),
            pl.BlockSpec((d, d), lambda i: (0, 0)),
            pl.BlockSpec((1, d), lambda i: (0, 0)),
        ],
        out_specs=pl.BlockSpec((blk, d), lambda i: (i, 0)),
        out_shape=jax.ShapeDtypeStruct((n_pad, d), jnp.float32),
    )(x_pad, agg_parts, deg_parts, W_self, W_neigh, b.reshape(1, d))
    return out[:n]

# --- scband reference (transcript-rebuilt; emitter-appended) ---
"""Pipeline reference for scband-supermodel-31937376813685 (READ-ONLY COPY).

The authoritative reference and input builder live on the scoring server;
editing this copy changes nothing except your own understanding.
"""

import jax, jax.numpy as jnp
import numpy as np

N_NODES = 10000
N_EDGES = 320000
D_IN = 128
D_OUT = 128

def setup_inputs(seed: int = 0) -> dict:
    key = jax.random.key(seed)
    k1, k2, k3, k4, k5 = jax.random.split(key, 5)
    x = jax.random.normal(k1, (N_NODES, D_IN), dtype=jnp.float32)
    edge_index = jax.random.randint(k2, (2, N_EDGES), 0, N_NODES, dtype=jnp.int64)
    # GraphSAGE-style parameters (self transform + neighbor transform + bias)
    scale = 1.0 / np.sqrt(D_IN)
    W_self = jax.random.normal(k3, (D_OUT, D_IN), dtype=jnp.float32) * scale
    W_neigh = jax.random.normal(k4, (D_OUT, D_IN), dtype=jnp.float32) * scale
    b = jax.random.normal(k5, (D_OUT,), dtype=jnp.float32) * 0.01
    return {"x": x, "edge_index": edge_index, "W_self": W_self, "W_neigh": W_neigh, "b": b}

def reference(x, edge_index, W_self, W_neigh, b):
    # GraphSAGE mean-aggregation message passing layer (dense-graph actor-critic
    # graphsage from the Supermodel, expressed as sparse edge-list message passing).
    src = edge_index[0]
    dst = edge_index[1]
    # gather messages from source nodes (SparseCore gather)
    msgs = jnp.take(x, src, axis=0)  # [E, D_IN]
    # scatter-add into destination nodes (SparseCore scatter-add)
    agg = jax.ops.segment_sum(msgs, dst, num_segments=N_NODES)  # [N, D_IN]
    deg = jax.ops.segment_sum(jnp.ones((N_EDGES,), dtype=jnp.float32), dst, num_segments=N_NODES)
    mean_neigh = agg / jnp.clip(deg, 1.0, None)[:, None]
    out = x @ W_self.T + mean_neigh @ W_neigh.T + b
    return jax.nn.relu(out)

if __name__ == "__main__":
    import jax
    _d = setup_inputs()
    print(jax.jit(kernel)(*tuple(_d.values())))

</pallas_src>

<mosaic_0001>
#map = affine_map<(d0, d1) -> (0, 0)>
#map1 = affine_map<(d0, d1) -> (0)>
module attributes {stable_mosaic.version = 14 : i64} {
  func.func @sc_agg(%arg0: i32, %arg1: i32, %arg2: memref<2562x128xi32, #tpu.memory_space<hbm>>, %arg3: memref<3072x128xi32, #tpu.memory_space<hbm>>, %arg4: memref<10240x128xf32, #tpu.memory_space<hbm>>, %arg5: memref<128xi32, #tpu.memory_space<hbm>>, %arg6: memref<128x128xf32, #tpu.memory_space<hbm>>, %arg7: memref<20480x128xf32, #tpu.memory_space<hbm>>, %arg8: memref<20480x128xf32, #tpu.memory_space<hbm>>, %arg9: memref<4x128xi32, #tpu.memory_space<vmem>>, %arg10: memref<96x128xi32, #tpu.memory_space<vmem>>, %arg11: memref<128xi32, #tpu.memory_space<vmem>>, %arg12: memref<256x128xf32, #tpu.memory_space<vmem>>, %arg13: memref<10240x128xf32, #tpu.memory_space<vmem_shared>>, %arg14: memref<!tpu.dma_semaphore, #tpu.memory_space<semaphore_mem>>, %arg15: memref<!tpu.dma_semaphore, #tpu.memory_space<semaphore_mem>>, %arg16: memref<!tpu.dma_semaphore, #tpu.memory_space<semaphore_mem>>) attributes {dimension_semantics = [#tpu.dimension_semantics<core_parallel>, #tpu.dimension_semantics<subcore_parallel>], iteration_bounds = array<i64: 2, 16>, scalar_prefetch = 0 : i64, scratch_operands = 8 : i64, tpu.core_type = #tpu.core_type<sc_vector_subcore>, window_params = [{transform_indices = #map}, {transform_indices = #map}, {transform_indices = #map}, {transform_indices = #map1}, {transform_indices = #map}, {transform_indices = #map}, {transform_indices = #map}]} {
    %mul3A = arith.constant 16 : i32
    %mul3A_0 = arith.muli %arg0, %mul3A : i32
    %add3A = arith.addi %mul3A_0, %arg1 : i32
    %mul3A_1 = arith.constant 640 : i32
    %mul3A_2 = arith.muli %arg1, %mul3A_1 : i32
    "tpu.region"() ({
      %run_scoped3A = tpu.sem_alloc : memref<!tpu.dma_semaphore, #tpu.memory_space<semaphore_mem>>
      tpu.enqueue_dma source(%arg5 : memref<128xi32, #tpu.memory_space<hbm>>) target(%arg11 : memref<128xi32, #tpu.memory_space<vmem>>) target_semaphore(%run_scoped3A : memref<!tpu.dma_semaphore, #tpu.memory_space<semaphore_mem>>)
      tpu.wait_dma2 semaphore(%run_scoped3A : memref<!tpu.dma_semaphore, #tpu.memory_space<semaphore_mem>>) src(%arg5 : memref<128xi32, #tpu.memory_space<hbm>>) dst(%arg11 : memref<128xi32, #tpu.memory_space<vmem>>)
      tpu.yield
    }) : () -> ()
    %eq3A = arith.constant 0 : i32
    %eq3A_3 = arith.cmpi eq, %arg0, %eq3A : i32
    %mul3A_4 = arith.constant 96 : i32
    %mul3A_5 = arith.muli %arg1, %mul3A_4 : i32
    %mul3A_6 = arith.constant 64 : i32
    %mul3A_7 = arith.muli %arg1, %mul3A_6 : i32
    %add3A_8 = arith.constant 1536 : i32
    %add3A_9 = arith.addi %add3A_8, %mul3A_7 : i32
    %select_n3A = arith.select %eq3A_3, %mul3A_5, %add3A_9 : i32
    "tpu.region"() ({
      %run_scoped3A = tpu.sem_alloc : memref<!tpu.dma_semaphore, #tpu.memory_space<semaphore_mem>>
      %dma_start3A_543 = arith.constant 0 : i32
      %dma_start3A_544 = tpu.memref_slice %arg3[%select_n3A, %dma_start3A_543] : memref<3072x128xi32, #tpu.memory_space<hbm>> -> memref<96x128xi32, #tpu.memory_space<hbm>>
      %dma_start3A_545 = arith.constant 0 : i32
      %dma_start3A_546 = tpu.memref_slice %arg3[%select_n3A, %dma_start3A_545] : memref<3072x128xi32, #tpu.memory_space<hbm>> -> memref<96x128xi32, #tpu.memory_space<hbm>>
      tpu.enqueue_dma source(%dma_start3A_546 : memref<96x128xi32, #tpu.memory_space<hbm>>) target(%arg10 : memref<96x128xi32, #tpu.memory_space<vmem>>) target_semaphore(%run_scoped3A : memref<!tpu.dma_semaphore, #tpu.memory_space<semaphore_mem>>)
      %dma_wait3A_547 = arith.constant 0 : i32
      %dma_wait3A_548 = tpu.memref_slice %arg3[%select_n3A, %dma_wait3A_547] : memref<3072x128xi32, #tpu.memory_space<hbm>> -> memref<96x128xi32, #tpu.memory_space<hbm>>
      %dma_wait3A_549 = arith.constant 0 : i32
      %dma_wait3A_550 = tpu.memref_slice %arg3[%select_n3A, %dma_wait3A_549] : memref<3072x128xi32, #tpu.memory_space<hbm>> -> memref<96x128xi32, #tpu.memory_space<hbm>>
      tpu.wait_dma2 semaphore(%run_scoped3A : memref<!tpu.dma_semaphore, #tpu.memory_space<semaphore_mem>>) src(%dma_wait3A_550 : memref<96x128xi32, #tpu.memory_space<hbm>>) dst(%arg10 : memref<96x128xi32, #tpu.memory_space<vmem>>)
      tpu.yield
    }) : () -> ()
    %dma_start3A = arith.constant 0 : i32
    %dma_start3A_10 = arith.constant 0 : i32
    %dma_start3A_11 = tpu.memref_slice %arg12[%dma_start3A, %dma_start3A_10] : memref<256x128xf32, #tpu.memory_space<vmem>> -> memref<128x128xf32, #tpu.memory_space<vmem>>
    %dma_start3A_12 = arith.constant 0 : i32
    %dma_start3A_13 = arith.constant 0 : i32
    %dma_start3A_14 = tpu.memref_slice %arg4[%dma_start3A_12, %dma_start3A_13] : memref<10240x128xf32, #tpu.memory_space<hbm>> -> memref<10240x128xf32, #tpu.memory_space<hbm>>
    tpu.enqueue_indirect_dma source(%dma_start3A_14 : memref<10240x128xf32, #tpu.memory_space<hbm>>) target(%dma_start3A_11 : memref<128x128xf32, #tpu.memory_space<vmem>>) offsets(%arg11 : memref<128xi32, #tpu.memory_space<vmem>>) semaphore(%arg14 : memref<!tpu.dma_semaphore, #tpu.memory_space<semaphore_mem>>)
    %dma_wait3A = arith.constant 0 : i32
    %dma_wait3A_15 = arith.constant 0 : i32
    %dma_wait3A_16 = tpu.memref_slice %arg12[%dma_wait3A, %dma_wait3A_15] : memref<256x128xf32, #tpu.memory_space<vmem>> -> memref<128x128xf32, #tpu.memory_space<vmem>>
    %dma_wait3A_17 = arith.constant 0 : i32
    %dma_wait3A_18 = arith.constant 0 : i32
    %dma_wait3A_19 = tpu.memref_slice %arg4[%dma_wait3A_17, %dma_wait3A_18] : memref<10240x128xf32, #tpu.memory_space<hbm>> -> memref<10240x128xf32, #tpu.memory_space<hbm>>
    tpu.wait_indirect_dma semaphore(%arg14 : memref<!tpu.dma_semaphore, #tpu.memory_space<semaphore_mem>>) src(%dma_wait3A_19 : memref<10240x128xf32, #tpu.memory_space<hbm>>) dst(%dma_wait3A_16 : memref<128x128xf32, #tpu.memory_space<vmem>>)
    %add3A_20 = arith.constant 0 : i32
    %add3A_21 = arith.addi %mul3A_2, %add3A_20 : i32
    %dma_start3A_22 = arith.constant 0 : i32
    %dma_start3A_23 = arith.constant 0 : i32
    %dma_start3A_24 = tpu.memref_slice %arg12[%dma_start3A_22, %dma_start3A_23] : memref<256x128xf32, #tpu.memory_space<vmem>> -> memref<128x128xf32, #tpu.memory_space<vmem>>
    %dma_start3A_25 = arith.constant 0 : i32
    %dma_start3A_26 = tpu.memref_slice %arg13[%add3A_21, %dma_start3A_25] : memref<10240x128xf32, #tpu.memory_space<vmem_shared>> -> memref<128x128xf32, #tpu.memory_space<vmem_shared>>
    %dma_start3A_27 = arith.constant 0 : i32
    %dma_start3A_28 = tpu.memref_slice %arg13[%add3A_21, %dma_start3A_27] : memref<10240x128xf32, #tpu.memory_space<vmem_shared>> -> memref<128x128xf32, #tpu.memory_space<vmem_shared>>
    %dma_start3A_29 = arith.constant 0 : i32
    %dma_start3A_30 = arith.constant 0 : i32
    %dma_start3A_31 = tpu.memref_slice %arg12[%dma_start3A_29, %dma_start3A_30] : memref<256x128xf32, #tpu.memory_space<vmem>> -> memref<128x128xf32, #tpu.memory_space<vmem>>
    tpu.enqueue_dma source(%dma_start3A_31 : memref<128x128xf32, #tpu.memory_space<vmem>>) target(%dma_start3A_28 : memref<128x128xf32, #tpu.memory_space<vmem_shared>>) target_semaphore(%arg15 : memref<!tpu.dma_semaphore, #tpu.memory_space<semaphore_mem>>)
    %add3A_32 = arith.constant 128 : i32
    %add3A_33 = arith.addi %mul3A_2, %add3A_32 : i32
    %dma_start3A_34 = arith.constant 0 : i32
    %dma_start3A_35 = arith.constant 0 : i32
    %dma_start3A_36 = tpu.memref_slice %arg12[%dma_start3A_34, %dma_start3A_35] : memref<256x128xf32, #tpu.memory_space<vmem>> -> memref<128x128xf32, #tpu.memory_space<vmem>>
    %dma_start3A_37 = arith.constant 0 : i32
    %dma_start3A_38 = tpu.memref_slice %arg13[%add3A_33, %dma_start3A_37] : memref<10240x128xf32, #tpu.memory_space<vmem_shared>> -> memref<128x128xf32, #tpu.memory_space<vmem_shared>>
    %dma_start3A_39 = arith.constant 0 : i32
    %dma_start3A_40 = tpu.memref_slice %arg13[%add3A_33, %dma_start3A_39] : memref<10240x128xf32, #tpu.memory_space<vmem_shared>> -> memref<128x128xf32, #tpu.memory_space<vmem_shared>>
    %dma_start3A_41 = arith.constant 0 : i32
    %dma_start3A_42 = arith.constant 0 : i32
    %dma_start3A_43 = tpu.memref_slice %arg12[%dma_start3A_41, %dma_start3A_42] : memref<256x128xf32, #tpu.memory_space<vmem>> -> memref<128x128xf32, #tpu.memory_space<vmem>>
    tpu.enqueue_dma source(%dma_start3A_43 : memref<128x128xf32, #tpu.memory_space<vmem>>) target(%dma_start3A_40 : memref<128x128xf32, #tpu.memory_space<vmem_shared>>) target_semaphore(%arg15 : memref<!tpu.dma_semaphore, #tpu.memory_space<semaphore_mem>>)
    %add3A_44 = arith.constant 256 : i32
    %add3A_45 = arith.addi %mul3A_2, %add3A_44 : i32
    %dma_start3A_46 = arith.constant 0 : i32
    %dma_start3A_47 = arith.constant 0 : i32
    %dma_start3A_48 = tpu.memref_slice %arg12[%dma_start3A_46, %dma_start3A_47] : memref<256x128xf32, #tpu.memory_space<vmem>> -> memref<128x128xf32, #tpu.memory_space<vmem>>
    %dma_start3A_49 = arith.constant 0 : i32
    %dma_start3A_50 = tpu.memref_slice %arg13[%add3A_45, %dma_start3A_49] : memref<10240x128xf32, #tpu.memory_space<vmem_shared>> -> memref<128x128xf32, #tpu.memory_space<vmem_shared>>
    %dma_start3A_51 = arith.constant 0 : i32
    %dma_start3A_52 = tpu.memref_slice %arg13[%add3A_45, %dma_start3A_51] : memref<10240x128xf32, #tpu.memory_space<vmem_shared>> -> memref<128x128xf32, #tpu.memory_space<vmem_shared>>
    %dma_start3A_53 = arith.constant 0 : i32
    %dma_start3A_54 = arith.constant 0 : i32
    %dma_start3A_55 = tpu.memref_slice %arg12[%dma_start3A_53, %dma_start3A_54] : memref<256x128xf32, #tpu.memory_space<vmem>> -> memref<128x128xf32, #tpu.memory_space<vmem>>
    tpu.enqueue_dma source(%dma_start3A_55 : memref<128x128xf32, #tpu.memory_space<vmem>>) target(%dma_start3A_52 : memref<128x128xf32, #tpu.memory_space<vmem_shared>>) target_semaphore(%arg15 : memref<!tpu.dma_semaphore, #tpu.memory_space<semaphore_mem>>)
    %add3A_56 = arith.constant 384 : i32
    %add3A_57 = arith.addi %mul3A_2, %add3A_56 : i32
    %dma_start3A_58 = arith.constant 0 : i32
    %dma_start3A_59 = arith.constant 0 : i32
    %dma_start3A_60 = tpu.memref_slice %arg12[%dma_start3A_58, %dma_start3A_59] : memref<256x128xf32, #tpu.memory_space<vmem>> -> memref<128x128xf32, #tpu.memory_space<vmem>>
    %dma_start3A_61 = arith.constant 0 : i32
    %dma_start3A_62 = tpu.memref_slice %arg13[%add3A_57, %dma_start3A_61] : memref<10240x128xf32, #tpu.memory_space<vmem_shared>> -> memref<128x128xf32, #tpu.memory_space<vmem_shared>>
    %dma_start3A_63 = arith.constant 0 : i32
    %dma_start3A_64 = tpu.memref_slice %arg13[%add3A_57, %dma_start3A_63] : memref<10240x128xf32, #tpu.memory_space<vmem_shared>> -> memref<128x128xf32, #tpu.memory_space<vmem_shared>>
    %dma_start3A_65 = arith.constant 0 : i32
    %dma_start3A_66 = arith.constant 0 : i32
    %dma_start3A_67 = tpu.memref_slice %arg12[%dma_start3A_65, %dma_start3A_66] : memref<256x128xf32, #tpu.memory_space<vmem>> -> memref<128x128xf32, #tpu.memory_space<vmem>>
    tpu.enqueue_dma source(%dma_start3A_67 : memref<128x128xf32, #tpu.memory_space<vmem>>) target(%dma_start3A_64 : memref<128x128xf32, #tpu.memory_space<vmem_shared>>) target_semaphore(%arg15 : memref<!tpu.dma_semaphore, #tpu.memory_space<semaphore_mem>>)
    %add3A_68 = arith.constant 512 : i32
    %add3A_69 = arith.addi %mul3A_2, %add3A_68 : i32
    %dma_start3A_70 = arith.constant 0 : i32
    %dma_start3A_71 = arith.constant 0 : i32
    %dma_start3A_72 = tpu.memref_slice %arg12[%dma_start3A_70, %dma_start3A_71] : memref<256x128xf32, #tpu.memory_space<vmem>> -> memref<128x128xf32, #tpu.memory_space<vmem>>
    %dma_start3A_73 = arith.constant 0 : i32
    %dma_start3A_74 = tpu.memref_slice %arg13[%add3A_69, %dma_start3A_73] : memref<10240x128xf32, #tpu.memory_space<vmem_shared>> -> memref<128x128xf32, #tpu.memory_space<vmem_shared>>
    %dma_start3A_75 = arith.constant 0 : i32
    %dma_start3A_76 = tpu.memref_slice %arg13[%add3A_69, %dma_start3A_75] : memref<10240x128xf32, #tpu.memory_space<vmem_shared>> -> memref<128x128xf32, #tpu.memory_space<vmem_shared>>
    %dma_start3A_77 = arith.constant 0 : i32
    %dma_start3A_78 = arith.constant 0 : i32
    %dma_start3A_79 = tpu.memref_slice %arg12[%dma_start3A_77, %dma_start3A_78] : memref<256x128xf32, #tpu.memory_space<vmem>> -> memref<128x128xf32, #tpu.memory_space<vmem>>
    tpu.enqueue_dma source(%dma_start3A_79 : memref<128x128xf32, #tpu.memory_space<vmem>>) target(%dma_start3A_76 : memref<128x128xf32, #tpu.memory_space<vmem_shared>>) target_semaphore(%arg15 : memref<!tpu.dma_semaphore, #tpu.memory_space<semaphore_mem>>)
    %dma_wait3A_80 = arith.constant 0 : i32
    %dma_wait3A_81 = arith.constant 0 : i32
    %dma_wait3A_82 = tpu.memref_slice %arg12[%dma_wait3A_80, %dma_wait3A_81] : memref<256x128xf32, #tpu.memory_space<vmem>> -> memref<128x128xf32, #tpu.memory_space<vmem>>
    %dma_wait3A_83 = arith.constant 0 : i32
    %dma_wait3A_84 = tpu.memref_slice %arg13[%add3A_21, %dma_wait3A_83] : memref<10240x128xf32, #tpu.memory_space<vmem_shared>> -> memref<128x128xf32, #tpu.memory_space<vmem_shared>>
    %dma_wait3A_85 = arith.constant 0 : i32
    %dma_wait3A_86 = tpu.memref_slice %arg13[%add3A_21, %dma_wait3A_85] : memref<10240x128xf32, #tpu.memory_space<vmem_shared>> -> memref<128x128xf32, #tpu.memory_space<vmem_shared>>
    %dma_wait3A_87 = arith.constant 0 : i32
    %dma_wait3A_88 = arith.constant 0 : i32
    %dma_wait3A_89 = tpu.memref_slice %arg12[%dma_wait3A_87, %dma_wait3A_88] : memref<256x128xf32, #tpu.memory_space<vmem>> -> memref<128x128xf32, #tpu.memory_space<vmem>>
    tpu.wait_dma2 semaphore(%arg15 : memref<!tpu.dma_semaphore, #tpu.memory_space<semaphore_mem>>) src(%dma_wait3A_89 : memref<128x128xf32, #tpu.memory_space<vmem>>) dst(%dma_wait3A_86 : memref<128x128xf32, #tpu.memory_space<vmem_shared>>)
    %dma_wait3A_90 = arith.constant 0 : i32
    %dma_wait3A_91 = arith.constant 0 : i32
    %dma_wait3A_92 = tpu.memref_slice %arg12[%dma_wait3A_90, %dma_wait3A_91] : memref<256x128xf32, #tpu.memory_space<vmem>> -> memref<128x128xf32, #tpu.memory_space<vmem>>
    %dma_wait3A_93 = arith.constant 0 : i32
    %dma_wait3A_94 = tpu.memref_slice %arg13[%add3A_33, %dma_wait3A_93] : memref<10240x128xf32, #tpu.memory_space<vmem_shared>> -> memref<128x128xf32, #tpu.memory_space<vmem_shared>>
    %dma_wait3A_95 = arith.constant 0 : i32
    %dma_wait3A_96 = tpu.memref_slice %arg13[%add3A_33, %dma_wait3A_95] : memref<10240x128xf32, #tpu.memory_space<vmem_shared>> -> memref<128x128xf32, #tpu.memory_space<vmem_shared>>
    %dma_wait3A_97 = arith.constant 0 : i32
    %dma_wait3A_98 = arith.constant 0 : i32
    %dma_wait3A_99 = tpu.memref_slice %arg12[%dma_wait3A_97, %dma_wait3A_98] : memref<256x128xf32, #tpu.memory_space<vmem>> -> memref<128x128xf32, #tpu.memory_space<vmem>>
    tpu.wait_dma2 semaphore(%arg15 : memref<!tpu.dma_semaphore, #tpu.memory_space<semaphore_mem>>) src(%dma_wait3A_99 : memref<128x128xf32, #tpu.memory_space<vmem>>) dst(%dma_wait3A_96 : memref<128x128xf32, #tpu.memory_space<vmem_shared>>)
    %dma_wait3A_100 = arith.constant 0 : i32
    %dma_wait3A_101 = arith.constant 0 : i32
    %dma_wait3A_102 = tpu.memref_slice %arg12[%dma_wait3A_100, %dma_wait3A_101] : memref<256x128xf32, #tpu.memory_space<vmem>> -> memref<128x128xf32, #tpu.memory_space<vmem>>
    %dma_wait3A_103 = arith.constant 0 : i32
    %dma_wait3A_104 = tpu.memref_slice %arg13[%add3A_45, %dma_wait3A_103] : memref<10240x128xf32, #tpu.memory_space<vmem_shared>> -> memref<128x128xf32, #tpu.memory_space<vmem_shared>>
    %dma_wait3A_105 = arith.constant 0 : i32
    %dma_wait3A_106 = tpu.memref_slice %arg13[%add3A_45, %dma_wait3A_105] : memref<10240x128xf32, #tpu.memory_space<vmem_shared>> -> memref<128x128xf32, #tpu.memory_space<vmem_shared>>
    %dma_wait3A_107 = arith.constant 0 : i32
    %dma_wait3A_108 = arith.constant 0 : i32
    %dma_wait3A_109 = tpu.memref_slice %arg12[%dma_wait3A_107, %dma_wait3A_108] : memref<256x128xf32, #tpu.memory_space<vmem>> -> memref<128x128xf32, #tpu.memory_space<vmem>>
    tpu.wait_dma2 semaphore(%arg15 : memref<!tpu.dma_semaphore, #tpu.memory_space<semaphore_mem>>) src(%dma_wait3A_109 : memref<128x128xf32, #tpu.memory_space<vmem>>) dst(%dma_wait3A_106 : memref<128x128xf32, #tpu.memory_space<vmem_shared>>)
    %dma_wait3A_110 = arith.constant 0 : i32
    %dma_wait3A_111 = arith.constant 0 : i32
    %dma_wait3A_112 = tpu.memref_slice %arg12[%dma_wait3A_110, %dma_wait3A_111] : memref<256x128xf32, #tpu.memory_space<vmem>> -> memref<128x128xf32, #tpu.memory_space<vmem>>
    %dma_wait3A_113 = arith.constant 0 : i32
    %dma_wait3A_114 = tpu.memref_slice %arg13[%add3A_57, %dma_wait3A_113] : memref<10240x128xf32, #tpu.memory_space<vmem_shared>> -> memref<128x128xf32, #tpu.memory_space<vmem_shared>>
    %dma_wait3A_115 = arith.constant 0 : i32
    %dma_wait3A_116 = tpu.memref_slice %arg13[%add3A_57, %dma_wait3A_115] : memref<10240x128xf32, #tpu.memory_space<vmem_shared>> -> memref<128x128xf32, #tpu.memory_space<vmem_shared>>
    %dma_wait3A_117 = arith.constant 0 : i32
    %dma_wait3A_118 = arith.constant 0 : i32
    %dma_wait3A_119 = tpu.memref_slice %arg12[%dma_wait3A_117, %dma_wait3A_118] : memref<256x128xf32, #tpu.memory_space<vmem>> -> memref<128x128xf32, #tpu.memory_space<vmem>>
    tpu.wait_dma2 semaphore(%arg15 : memref<!tpu.dma_semaphore, #tpu.memory_space<semaphore_mem>>) src(%dma_wait3A_119 : memref<128x128xf32, #tpu.memory_space<vmem>>) dst(%dma_wait3A_116 : memref<128x128xf32, #tpu.memory_space<vmem_shared>>)
    %dma_wait3A_120 = arith.constant 0 : i32
    %dma_wait3A_121 = arith.constant 0 : i32
    %dma_wait3A_122 = tpu.memref_slice %arg12[%dma_wait3A_120, %dma_wait3A_121] : memref<256x128xf32, #tpu.memory_space<vmem>> -> memref<128x128xf32, #tpu.memory_space<vmem>>
    %dma_wait3A_123 = arith.constant 0 : i32
    %dma_wait3A_124 = tpu.memref_slice %arg13[%add3A_69, %dma_wait3A_123] : memref<10240x128xf32, #tpu.memory_space<vmem_shared>> -> memref<128x128xf32, #tpu.memory_space<vmem_shared>>
    %dma_wait3A_125 = arith.constant 0 : i32
    %dma_wait3A_126 = tpu.memref_slice %arg13[%add3A_69, %dma_wait3A_125] : memref<10240x128xf32, #tpu.memory_space<vmem_shared>> -> memref<128x128xf32, #tpu.memory_space<vmem_shared>>
    %dma_wait3A_127 = arith.constant 0 : i32
    %dma_wait3A_128 = arith.constant 0 : i32
    %dma_wait3A_129 = tpu.memref_slice %arg12[%dma_wait3A_127, %dma_wait3A_128] : memref<256x128xf32, #tpu.memory_space<vmem>> -> memref<128x128xf32, #tpu.memory_space<vmem>>
    tpu.wait_dma2 semaphore(%arg15 : memref<!tpu.dma_semaphore, #tpu.memory_space<semaphore_mem>>) src(%dma_wait3A_129 : memref<128x128xf32, #tpu.memory_space<vmem>>) dst(%dma_wait3A_126 : memref<128x128xf32, #tpu.memory_space<vmem_shared>>)
    %eq3A_130 = arith.constant 0 : i32
    %eq3A_131 = arith.cmpi eq, %arg0, %eq3A_130 : i32
    %convert_element_type3A = arith.extui %eq3A_131 : i1 to i32
    %cond3A = arith.constant 0 : i32
    %cond3A_132 = arith.cmpi ne, %convert_element_type3A, %cond3A : i32
    scf.if %cond3A_132 {
      "tpu.region"() ({
        %run_scoped3A = tpu.sem_alloc : memref<!tpu.dma_semaphore, #tpu.memory_space<semaphore_mem>>
        %dma_start3A_550 = arith.constant 0 : i32
        %dma_start3A_551 = arith.constant 0 : i32
        %dma_start3A_552 = tpu.memref_slice %arg9[%dma_start3A_550, %dma_start3A_551] : memref<4x128xi32, #tpu.memory_space<vmem>> -> memref<2x128xi32, #tpu.memory_space<vmem>>
        %dma_start3A_553 = arith.constant 0 : i32
        %dma_start3A_554 = tpu.memref_slice %arg2[%select_n3A, %dma_start3A_553] : memref<2562x128xi32, #tpu.memory_space<hbm>> -> memref<2x128xi32, #tpu.memory_space<hbm>>
        %dma_start3A_555 = arith.constant 0 : i32
        %dma_start3A_556 = arith.constant 0 : i32
        %dma_start3A_557 = tpu.memref_slice %arg9[%dma_start3A_555, %dma_start3A_556] : memref<4x128xi32, #tpu.memory_space<vmem>> -> memref<2x128xi32, #tpu.memory_space<vmem>>
        %dma_start3A_558 = arith.constant 0 : i32
        %dma_start3A_559 = tpu.memref_slice %arg2[%select_n3A, %dma_start3A_558] : memref<2562x128xi32, #tpu.memory_space<hbm>> -> memref<2x128xi32, #tpu.memory_space<hbm>>
        tpu.enqueue_dma source(%dma_start3A_559 : memref<2x128xi32, #tpu.memory_space<hbm>>) target(%dma_start3A_557 : memref<2x128xi32, #tpu.memory_space<vmem>>) target_semaphore(%run_scoped3A : memref<!tpu.dma_semaphore, #tpu.memory_space<semaphore_mem>>)
        %dma_wait3A_560 = arith.constant 0 : i32
        %dma_wait3A_561 = arith.constant 0 : i32
        %dma_wait3A_562 = tpu.memref_slice %arg9[%dma_wait3A_560, %dma_wait3A_561] : memref<4x128xi32, #tpu.memory_space<vmem>> -> memref<2x128xi32, #tpu.memory_space<vmem>>
        %dma_wait3A_563 = arith.constant 0 : i32
        %dma_wait3A_564 = tpu.memref_slice %arg2[%select_n3A, %dma_wait3A_563] : memref<2562x128xi32, #tpu.memory_space<hbm>> -> memref<2x128xi32, #tpu.memory_space<hbm>>
        %dma_wait3A_565 = arith.constant 0 : i32
        %dma_wait3A_566 = arith.constant 0 : i32
        %dma_wait3A_567 = tpu.memref_slice %arg9[%dma_wait3A_565, %dma_wait3A_566] : memref<4x128xi32, #tpu.memory_space<vmem>> -> memref<2x128xi32, #tpu.memory_space<vmem>>
        %dma_wait3A_568 = arith.constant 0 : i32
        %dma_wait3A_569 = tpu.memref_slice %arg2[%select_n3A, %dma_wait3A_568] : memref<2562x128xi32, #tpu.memory_space<hbm>> -> memref<2x128xi32, #tpu.memory_space<hbm>>
        tpu.wait_dma2 semaphore(%run_scoped3A : memref<!tpu.dma_semaphore, #tpu.memory_space<semaphore_mem>>) src(%dma_wait3A_569 : memref<2x128xi32, #tpu.memory_space<hbm>>) dst(%dma_wait3A_567 : memref<2x128xi32, #tpu.memory_space<vmem>>)
        tpu.yield
      }) : () -> ()
      %barrier3A_543 = arith.constant 0 : index
      tpu.barrier barrier_id(%barrier3A_543)
      %scan3A = arith.constant 0 : i32
      %scan3A_544 = arith.constant 0 : i32
      %scan3A_545 = arith.constant 24 : i32
      %scan3A_546 = arith.addi %scan3A_544, %scan3A_545 : i32
      %scan3A_547 = arith.constant 1 : i32
      %scan3A_548 = scf.for %scan3A_550 = %scan3A_544 to %scan3A_546 step %scan3A_547 iter_args(%scan3A_551 = %scan3A) -> (i32)  : i32 {
        %mul3A_552 = arith.constant 2 : i32
        %mul3A_553 = arith.muli %mul3A_552, %scan3A_550 : i32
        %add3A_554 = arith.constant 1 : i32
        %add3A_555 = arith.addi %mul3A_553, %add3A_554 : i32
        %mul3A_556 = arith.constant 2 : i32
        %mul3A_557 = arith.muli %add3A_555, %mul3A_556 : i32
        %add3A_558 = arith.addi %select_n3A, %mul3A_557 : i32
        %dma_start3A_559 = arith.constant 2 : i32
        %dma_start3A_560 = arith.constant 0 : i32
        %dma_start3A_561 = tpu.memref_slice %arg9[%dma_start3A_559, %dma_start3A_560] : memref<4x128xi32, #tpu.memory_space<vmem>> -> memref<2x128xi32, #tpu.memory_space<vmem>>
        %dma_start3A_562 = arith.constant 0 : i32
        %dma_start3A_563 = tpu.memref_slice %arg2[%add3A_558, %dma_start3A_562] : memref<2562x128xi32, #tpu.memory_space<hbm>> -> memref<2x128xi32, #tpu.memory_space<hbm>>
        %dma_start3A_564 = arith.constant 2 : i32
        %dma_start3A_565 = arith.constant 0 : i32
        %dma_start3A_566 = tpu.memref_slice %arg9[%dma_start3A_564, %dma_start3A_565] : memref<4x128xi32, #tpu.memory_space<vmem>> -> memref<2x128xi32, #tpu.memory_space<vmem>>
        %dma_start3A_567 = arith.constant 0 : i32
        %dma_start3A_568 = tpu.memref_slice %arg2[%add3A_558, %dma_start3A_567] : memref<2562x128xi32, #tpu.memory_space<hbm>> -> memref<2x128xi32, #tpu.memory_space<hbm>>
        tpu.enqueue_dma source(%dma_start3A_568 : memref<2x128xi32, #tpu.memory_space<hbm>>) target(%dma_start3A_566 : memref<2x128xi32, #tpu.memory_space<vmem>>) target_semaphore(%arg16 : memref<!tpu.dma_semaphore, #tpu.memory_space<semaphore_mem>>)
        %dma_start3A_569 = arith.constant 0 : i32
        %dma_start3A_570 = arith.constant 0 : i32
        %dma_start3A_571 = arith.constant 0 : i32
        %dma_start3A_572 = tpu.memref_slice %arg12[%dma_start3A_570, %dma_start3A_571] : memref<256x128xf32, #tpu.memory_space<vmem>> -> memref<128x128xf32, #tpu.memory_space<vmem>>
        %dma_start3A_573 = arith.constant 0 : i32
        %dma_start3A_574 = tpu.memref_slice %arg9[%dma_start3A_569, %dma_start3A_573] : memref<4x128xi32, #tpu.memory_space<vmem>> -> memref<1x128xi32, #tpu.memory_space<vmem>>
        %dma_start3A_575 = tpu.memref_squeeze %dma_start3A_574 : memref<1x128xi32, #tpu.memory_space<vmem>> -> memref<128xi32, #tpu.memory_space<vmem>>
        %dma_start3A_576 = arith.constant 0 : i32
        %dma_start3A_577 = arith.constant 0 : i32
        %dma_start3A_578 = tpu.memref_slice %arg4[%dma_start3A_576, %dma_start3A_577] : memref<10240x128xf32, #tpu.memory_space<hbm>> -> memref<10240x128xf32, #tpu.memory_space<hbm>>
        tpu.enqueue_indirect_dma source(%dma_start3A_578 : memref<10240x128xf32, #tpu.memory_space<hbm>>) target(%dma_start3A_572 : memref<128x128xf32, #tpu.memory_space<vmem>>) offsets(%dma_start3A_575 : memref<128xi32, #tpu.memory_space<vmem>>) semaphore(%arg14 : memref<!tpu.dma_semaphore, #tpu.memory_space<semaphore_mem>>)
        %dma_start3A_579 = arith.constant 1 : i32
        %dma_start3A_580 = arith.constant 128 : i32
        %dma_start3A_581 = arith.constant 0 : i32
        %dma_start3A_582 = tpu.memref_slice %arg12[%dma_start3A_580, %dma_start3A_581] : memref<256x128xf32, #tpu.memory_space<vmem>> -> memref<128x128xf32, #tpu.memory_space<vmem>>
        %dma_start3A_583 = arith.constant 0 : i32
        %dma_start3A_584 = tpu.memref_slice %arg9[%dma_start3A_579, %dma_start3A_583] : memref<4x128xi32, #tpu.memory_space<vmem>> -> memref<1x128xi32, #tpu.memory_space<vmem>>
        %dma_start3A_585 = tpu.memref_squeeze %dma_start3A_584 : memref<1x128xi32, #tpu.memory_space<vmem>> -> memref<128xi32, #tpu.memory_space<vmem>>
        %dma_start3A_586 = arith.constant 0 : i32
        %dma_start3A_587 = arith.constant 0 : i32
        %dma_start3A_588 = tpu.memref_slice %arg4[%dma_start3A_586, %dma_start3A_587] : memref<10240x128xf32, #tpu.memory_space<hbm>> -> memref<10240x128xf32, #tpu.memory_space<hbm>>
        tpu.enqueue_indirect_dma source(%dma_start3A_588 : memref<10240x128xf32, #tpu.memory_space<hbm>>) target(%dma_start3A_582 : memref<128x128xf32, #tpu.memory_space<vmem>>) offsets(%dma_start3A_585 : memref<128xi32, #tpu.memory_space<vmem>>) semaphore(%arg14 : memref<!tpu.dma_semaphore, #tpu.memory_space<semaphore_mem>>)
        %dma_wait3A_589 = arith.constant 0 : i32
        %dma_wait3A_590 = arith.constant 0 : i32
        %dma_wait3A_591 = arith.constant 0 : i32
        %dma_wait3A_592 = tpu.memref_slice %arg12[%dma_wait3A_590, %dma_wait3A_591] : memref<256x128xf32, #tpu.memory_space<vmem>> -> memref<128x128xf32, #tpu.memory_space<vmem>>
        %dma_wait3A_593 = arith.constant 0 : i32
        %dma_wait3A_594 = tpu.memref_slice %arg9[%dma_wait3A_589, %dma_wait3A_593] : memref<4x128xi32, #tpu.memory_space<vmem>> -> memref<1x128xi32, #tpu.memory_space<vmem>>
        %dma_wait3A_595 = tpu.memref_squeeze %dma_wait3A_594 : memref<1x128xi32, #tpu.memory_space<vmem>> -> memref<128xi32, #tpu.memory_space<vmem>>
        %dma_wait3A_596 = arith.constant 0 : i32
        %dma_wait3A_597 = arith.constant 0 : i32
        %dma_wait3A_598 = tpu.memref_slice %arg4[%dma_wait3A_596, %dma_wait3A_597] : memref<10240x128xf32, #tpu.memory_space<hbm>> -> memref<10240x128xf32, #tpu.memory_space<hbm>>
        tpu.wait_indirect_dma semaphore(%arg14 : memref<!tpu.dma_semaphore, #tpu.memory_space<semaphore_mem>>) src(%dma_wait3A_598 : memref<10240x128xf32, #tpu.memory_space<hbm>>) dst(%dma_wait3A_592 : memref<128x128xf32, #tpu.memory_space<vmem>>)
        %dma_wait3A_599 = arith.constant 1 : i32
        %dma_wait3A_600 = arith.constant 128 : i32
        %dma_wait3A_601 = arith.constant 0 : i32
        %dma_wait3A_602 = tpu.memref_slice %arg12[%dma_wait3A_600, %dma_wait3A_601] : memref<256x128xf32, #tpu.memory_space<vmem>> -> memref<128x128xf32, #tpu.memory_space<vmem>>
        %dma_wait3A_603 = arith.constant 0 : i32
        %dma_wait3A_604 = tpu.memref_slice %arg9[%dma_wait3A_599, %dma_wait3A_603] : memref<4x128xi32, #tpu.memory_space<vmem>> -> memref<1x128xi32, #tpu.memory_space<vmem>>
        %dma_wait3A_605 = tpu.memref_squeeze %dma_wait3A_604 : memref<1x128xi32, #tpu.memory_space<vmem>> -> memref<128xi32, #tpu.memory_space<vmem>>
        %dma_wait3A_606 = arith.constant 0 : i32
        %dma_wait3A_607 = arith.constant 0 : i32
        %dma_wait3A_608 = tpu.memref_slice %arg4[%dma_wait3A_606, %dma_wait3A_607] : memref<10240x128xf32, #tpu.memory_space<hbm>> -> memref<10240x128xf32, #tpu.memory_space<hbm>>
        tpu.wait_indirect_dma semaphore(%arg14 : memref<!tpu.dma_semaphore, #tpu.memory_space<semaphore_mem>>) src(%dma_wait3A_608 : memref<10240x128xf32, #tpu.memory_space<hbm>>) dst(%dma_wait3A_602 : memref<128x128xf32, #tpu.memory_space<vmem>>)
        %mul3A_609 = arith.constant 2 : i32
        %mul3A_610 = arith.muli %mul3A_553, %mul3A_609 : i32
        %add3A_611 = arith.constant 0 : i32
        %add3A_612 = arith.addi %mul3A_610, %add3A_611 : i32
        %dma_start3A_613 = arith.constant 0 : i32
        %dma_start3A_614 = arith.constant 0 : i32
        %dma_start3A_615 = tpu.memref_slice %arg12[%dma_start3A_613, %dma_start3A_614] : memref<256x128xf32, #tpu.memory_space<vmem>> -> memref<128x128xf32, #tpu.memory_space<vmem>>
        %dma_start3A_616 = arith.constant 0 : i32
        %dma_start3A_617 = tpu.memref_slice %arg10[%add3A_612, %dma_start3A_616] : memref<96x128xi32, #tpu.memory_space<vmem>> -> memref<1x128xi32, #tpu.memory_space<vmem>>
        %dma_start3A_618 = tpu.memref_squeeze %dma_start3A_617 : memref<1x128xi32, #tpu.memory_space<vmem>> -> memref<128xi32, #tpu.memory_space<vmem>>
        %dma_start3A_619 = arith.constant 0 : i32
        %dma_start3A_620 = arith.constant 0 : i32
        %dma_start3A_621 = tpu.memref_slice %arg13[%dma_start3A_619, %dma_start3A_620] : memref<10240x128xf32, #tpu.memory_space<vmem_shared>> -> memref<10240x128xf32, #tpu.memory_space<vmem_shared>>
        tpu.enqueue_indirect_dma source(%dma_start3A_615 : memref<128x128xf32, #tpu.memory_space<vmem>>) target(%dma_start3A_621 : memref<10240x128xf32, #tpu.memory_space<vmem_shared>>) offsets(%dma_start3A_618 : memref<128xi32, #tpu.memory_space<vmem>>) semaphore(%arg15 : memref<!tpu.dma_semaphore, #tpu.memory_space<semaphore_mem>>) {add = true}
        %mul3A_622 = arith.constant 2 : i32
        %mul3A_623 = arith.muli %mul3A_553, %mul3A_622 : i32
        %add3A_624 = arith.constant 1 : i32
        %add3A_625 = arith.addi %mul3A_623, %add3A_624 : i32
        %dma_start3A_626 = arith.constant 128 : i32
        %dma_start3A_627 = arith.constant 0 : i32
        %dma_start3A_628 = tpu.memref_slice %arg12[%dma_start3A_626, %dma_start3A_627] : memref<256x128xf32, #tpu.memory_space<vmem>> -> memref<128x128xf32, #tpu.memory_space<vmem>>
        %dma_start3A_629 = arith.constant 0 : i32
        %dma_start3A_630 = tpu.memref_slice %arg10[%add3A_625, %dma_start3A_629] : memref<96x128xi32, #tpu.memory_space<vmem>> -> memref<1x128xi32, #tpu.memory_space<vmem>>
        %dma_start3A_631 = tpu.memref_squeeze %dma_start3A_630 : memref<1x128xi32, #tpu.memory_space<vmem>> -> memref<128xi32, #tpu.memory_space<vmem>>
        %dma_start3A_632 = arith.constant 0 : i32
        %dma_start3A_633 = arith.constant 0 : i32
        %dma_start3A_634 = tpu.memref_slice %arg13[%dma_start3A_632, %dma_start3A_633] : memref<10240x128xf32, #tpu.memory_space<vmem_shared>> -> memref<10240x128xf32, #tpu.memory_space<vmem_shared>>
        tpu.enqueue_indirect_dma source(%dma_start3A_628 : memref<128x128xf32, #tpu.memory_space<vmem>>) target(%dma_start3A_634 : memref<10240x128xf32, #tpu.memory_space<vmem_shared>>) offsets(%dma_start3A_631 : memref<128xi32, #tpu.memory_space<vmem>>) semaphore(%arg15 : memref<!tpu.dma_semaphore, #tpu.memory_space<semaphore_mem>>) {add = true}
        %dma_wait3A_635 = arith.constant 0 : i32
        %dma_wait3A_636 = arith.constant 0 : i32
        %dma_wait3A_637 = tpu.memref_slice %arg12[%dma_wait3A_635, %dma_wait3A_636] : memref<256x128xf32, #tpu.memory_space<vmem>> -> memref<128x128xf32, #tpu.memory_space<vmem>>
        %dma_wait3A_638 = arith.constant 0 : i32
        %dma_wait3A_639 = tpu.memref_slice %arg10[%add3A_612, %dma_wait3A_638] : memref<96x128xi32, #tpu.memory_space<vmem>> -> memref<1x128xi32, #tpu.memory_space<vmem>>
        %dma_wait3A_640 = tpu.memref_squeeze %dma_wait3A_639 : memref<1x128xi32, #tpu.memory_space<vmem>> -> memref<128xi32, #tpu.memory_space<vmem>>
        %dma_wait3A_641 = arith.constant 0 : i32
        %dma_wait3A_642 = arith.constant 0 : i32
        %dma_wait3A_643 = tpu.memref_slice %arg13[%dma_wait3A_641, %dma_wait3A_642] : memref<10240x128xf32, #tpu.memory_space<vmem_shared>> -> memref<10240x128xf32, #tpu.memory_space<vmem_shared>>
        tpu.wait_indirect_dma semaphore(%arg15 : memref<!tpu.dma_semaphore, #tpu.memory_space<semaphore_mem>>) src(%dma_wait3A_637 : memref<128x128xf32, #tpu.memory_space<vmem>>) dst(%dma_wait3A_643 : memref<10240x128xf32, #tpu.memory_space<vmem_shared>>)
        %dma_wait3A_644 = arith.constant 128 : i32
        %dma_wait3A_645 = arith.constant 0 : i32
        %dma_wait3A_646 = tpu.memref_slice %arg12[%dma_wait3A_644, %dma_wait3A_645] : memref<256x128xf32, #tpu.memory_space<vmem>> -> memref<128x128xf32, #tpu.memory_space<vmem>>
        %dma_wait3A_647 = arith.constant 0 : i32
        %dma_wait3A_648 = tpu.memref_slice %arg10[%add3A_625, %dma_wait3A_647] : memref<96x128xi32, #tpu.memory_space<vmem>> -> memref<1x128xi32, #tpu.memory_space<vmem>>
        %dma_wait3A_649 = tpu.memref_squeeze %dma_wait3A_648 : memref<1x128xi32, #tpu.memory_space<vmem>> -> memref<128xi32, #tpu.memory_space<vmem>>
        %dma_wait3A_650 = arith.constant 0 : i32
        %dma_wait3A_651 = arith.constant 0 : i32
        %dma_wait3A_652 = tpu.memref_slice %arg13[%dma_wait3A_650, %dma_wait3A_651] : memref<10240x128xf32, #tpu.memory_space<vmem_shared>> -> memref<10240x128xf32, #tpu.memory_space<vmem_shared>>
        tpu.wait_indirect_dma semaphore(%arg15 : memref<!tpu.dma_semaphore, #tpu.memory_space<semaphore_mem>>) src(%dma_wait3A_646 : memref<128x128xf32, #tpu.memory_space<vmem>>) dst(%dma_wait3A_652 : memref<10240x128xf32, #tpu.memory_space<vmem_shared>>)
        %dma_wait3A_653 = arith.constant 2 : i32
        %dma_wait3A_654 = arith.constant 0 : i32
        %dma_wait3A_655 = tpu.memref_slice %arg9[%dma_wait3A_653, %dma_wait3A_654] : memref<4x128xi32, #tpu.memory_space<vmem>> -> memref<2x128xi32, #tpu.memory_space<vmem>>
        %dma_wait3A_656 = arith.constant 0 : i32
        %dma_wait3A_657 = tpu.memref_slice %arg2[%add3A_558, %dma_wait3A_656] : memref<2562x128xi32, #tpu.memory_space<hbm>> -> memref<2x128xi32, #tpu.memory_space<hbm>>
        %dma_wait3A_658 = arith.constant 2 : i32
        %dma_wait3A_659 = arith.constant 0 : i32
        %dma_wait3A_660 = tpu.memref_slice %arg9[%dma_wait3A_658, %dma_wait3A_659] : memref<4x128xi32, #tpu.memory_space<vmem>> -> memref<2x128xi32, #tpu.memory_space<vmem>>
        %dma_wait3A_661 = arith.constant 0 : i32
        %dma_wait3A_662 = tpu.memref_slice %arg2[%add3A_558, %dma_wait3A_661] : memref<2562x128xi32, #tpu.memory_space<hbm>> -> memref<2x128xi32, #tpu.memory_space<hbm>>
        tpu.wait_dma2 semaphore(%arg16 : memref<!tpu.dma_semaphore, #tpu.memory_space<semaphore_mem>>) src(%dma_wait3A_662 : memref<2x128xi32, #tpu.memory_space<hbm>>) dst(%dma_wait3A_660 : memref<2x128xi32, #tpu.memory_space<vmem>>)
        %mul3A_663 = arith.constant 2 : i32
        %mul3A_664 = arith.muli %mul3A_663, %scan3A_550 : i32
        %add3A_665 = arith.constant 1 : i32
        %add3A_666 = arith.addi %mul3A_664, %add3A_665 : i32
        %add3A_667 = arith.constant 1 : i32
        %add3A_668 = arith.addi %add3A_666, %add3A_667 : i32
        %mul3A_669 = arith.constant 2 : i32
        %mul3A_670 = arith.muli %add3A_668, %mul3A_669 : i32
        %add3A_671 = arith.addi %select_n3A, %mul3A_670 : i32
        %dma_start3A_672 = arith.constant 0 : i32
        %dma_start3A_673 = arith.constant 0 : i32
        %dma_start3A_674 = tpu.memref_slice %arg9[%dma_start3A_672, %dma_start3A_673] : memref<4x128xi32, #tpu.memory_space<vmem>> -> memref<2x128xi32, #tpu.memory_space<vmem>>
        %dma_start3A_675 = arith.constant 0 : i32
        %dma_start3A_676 = tpu.memref_slice %arg2[%add3A_671, %dma_start3A_675] : memref<2562x128xi32, #tpu.memory_space<hbm>> -> memref<2x128xi32, #tpu.memory_space<hbm>>
        %dma_start3A_677 = arith.constant 0 : i32
        %dma_start3A_678 = arith.constant 0 : i32
        %dma_start3A_679 = tpu.memref_slice %arg9[%dma_start3A_677, %dma_start3A_678] : memref<4x128xi32, #tpu.memory_space<vmem>> -> memref<2x128xi32, #tpu.memory_space<vmem>>
        %dma_start3A_680 = arith.constant 0 : i32
        %dma_start3A_681 = tpu.memref_slice %arg2[%add3A_671, %dma_start3A_680] : memref<2562x128xi32, #tpu.memory_space<hbm>> -> memref<2x128xi32, #tpu.memory_space<hbm>>
        tpu.enqueue_dma source(%dma_start3A_681 : memref<2x128xi32, #tpu.memory_space<hbm>>) target(%dma_start3A_679 : memref<2x128xi32, #tpu.memory_space<vmem>>) target_semaphore(%arg16 : memref<!tpu.dma_semaphore, #tpu.memory_space<semaphore_mem>>)
        %dma_start3A_682 = arith.constant 2 : i32
        %dma_start3A_683 = arith.constant 0 : i32
        %dma_start3A_684 = arith.constant 0 : i32
        %dma_start3A_685 = tpu.memref_slice %arg12[%dma_start3A_683, %dma_start3A_684] : memref<256x128xf32, #tpu.memory_space<vmem>> -> memref<128x128xf32, #tpu.memory_space<vmem>>
        %dma_start3A_686 = arith.constant 0 : i32
        %dma_start3A_687 = tpu.memref_slice %arg9[%dma_start3A_682, %dma_start3A_686] : memref<4x128xi32, #tpu.memory_space<vmem>> -> memref<1x128xi32, #tpu.memory_space<vmem>>
        %dma_start3A_688 = tpu.memref_squeeze %dma_start3A_687 : memref<1x128xi32, #tpu.memory_space<vmem>> -> memref<128xi32, #tpu.memory_space<vmem>>
        %dma_start3A_689 = arith.constant 0 : i32
        %dma_start3A_690 = arith.constant 0 : i32
        %dma_start3A_691 = tpu.memref_slice %arg4[%dma_start3A_689, %dma_start3A_690] : memref<10240x128xf32, #tpu.memory_space<hbm>> -> memref<10240x128xf32, #tpu.memory_space<hbm>>
        tpu.enqueue_indirect_dma source(%dma_start3A_691 : memref<10240x128xf32, #tpu.memory_space<hbm>>) target(%dma_start3A_685 : memref<128x128xf32, #tpu.memory_space<vmem>>) offsets(%dma_start3A_688 : memref<128xi32, #tpu.memory_space<vmem>>) semaphore(%arg14 : memref<!tpu.dma_semaphore, #tpu.memory_space<semaphore_mem>>)
        %dma_start3A_692 = arith.constant 3 : i32
        %dma_start3A_693 = arith.constant 128 : i32
        %dma_start3A_694 = arith.constant 0 : i32
        %dma_start3A_695 = tpu.memref_slice %arg12[%dma_start3A_693, %dma_start3A_694] : memref<256x128xf32, #tpu.memory_space<vmem>> -> memref<128x128xf32, #tpu.memory_space<vmem>>
        %dma_start3A_696 = arith.constant 0 : i32
        %dma_start3A_697 = tpu.memref_slice %arg9[%dma_start3A_692, %dma_start3A_696] : memref<4x128xi32, #tpu.memory_space<vmem>> -> memref<1x128xi32, #tpu.memory_space<vmem>>
        %dma_start3A_698 = tpu.memref_squeeze %dma_start3A_697 : memref<1x128xi32, #tpu.memory_space<vmem>> -> memref<128xi32, #tpu.memory_space<vmem>>
        %dma_start3A_699 = arith.constant 0 : i32
        %dma_start3A_700 = arith.constant 0 : i32
        %dma_start3A_701 = tpu.memref_slice %arg4[%dma_start3A_699, %dma_start3A_700] : memref<10240x128xf32, #tpu.memory_space<hbm>> -> memref<10240x128xf32, #tpu.memory_space<hbm>>
        tpu.enqueue_indirect_dma source(%dma_start3A_701 : memref<10240x128xf32, #tpu.memory_space<hbm>>) target(%dma_start3A_695 : memref<128x128xf32, #tpu.memory_space<vmem>>) offsets(%dma_start3A_698 : memref<128xi32, #tpu.memory_space<vmem>>) semaphore(%arg14 : memref<!tpu.dma_semaphore, #tpu.memory_space<semaphore_mem>>)
        %dma_wait3A_702 = arith.constant 2 : i32
        %dma_wait3A_703 = arith.constant 0 : i32
        %dma_wait3A_704 = arith.constant 0 : i32
        %dma_wait3A_705 = tpu.memref_slice %arg12[%dma_wait3A_703, %dma_wait3A_704] : memref<256x128xf32, #tpu.memory_space<vmem>> -> memref<128x128xf32, #tpu.memory_space<vmem>>
        %dma_wait3A_706 = arith.constant 0 : i32
        %dma_wait3A_707 = tpu.memref_slice %arg9[%dma_wait3A_702, %dma_wait3A_706] : memref<4x128xi32, #tpu.memory_space<vmem>> -> memref<1x128xi32, #tpu.memory_space<vmem>>
        %dma_wait3A_708 = tpu.memref_squeeze %dma_wait3A_707 : memref<1x128xi32, #tpu.memory_space<vmem>> -> memref<128xi32, #tpu.memory_space<vmem>>
        %dma_wait3A_709 = arith.constant 0 : i32
        %dma_wait3A_710 = arith.constant 0 : i32
        %dma_wait3A_711 = tpu.memref_slice %arg4[%dma_wait3A_709, %dma_wait3A_710] : memref<10240x128xf32, #tpu.memory_space<hbm>> -> memref<10240x128xf32, #tpu.memory_space<hbm>>
        tpu.wait_indirect_dma semaphore(%arg14 : memref<!tpu.dma_semaphore, #tpu.memory_space<semaphore_mem>>) src(%dma_wait3A_711 : memref<10240x128xf32, #tpu.memory_space<hbm>>) dst(%dma_wait3A_705 : memref<128x128xf32, #tpu.memory_space<vmem>>)
        %dma_wait3A_712 = arith.constant 3 : i32
        %dma_wait3A_713 = arith.constant 128 : i32
        %dma_wait3A_714 = arith.constant 0 : i32
        %dma_wait3A_715 = tpu.memref_slice %arg12[%dma_wait3A_713, %dma_wait3A_714] : memref<256x128xf32, #tpu.memory_space<vmem>> -> memref<128x128xf32, #tpu.memory_space<vmem>>
        %dma_wait3A_716 = arith.constant 0 : i32
        %dma_wait3A_717 = tpu.memref_slice %arg9[%dma_wait3A_712, %dma_wait3A_716] : memref<4x128xi32, #tpu.memory_space<vmem>> -> memref<1x128xi32, #tpu.memory_space<vmem>>
        %dma_wait3A_718 = tpu.memref_squeeze %dma_wait3A_717 : memref<1x128xi32, #tpu.memory_space<vmem>> -> memref<128xi32, #tpu.memory_space<vmem>>
        %dma_wait3A_719 = arith.constant 0 : i32
        %dma_wait3A_720 = arith.constant 0 : i32
        %dma_wait3A_721 = tpu.memref_slice %arg4[%dma_wait3A_719, %dma_wait3A_720] : memref<10240x128xf32, #tpu.memory_space<hbm>> -> memref<10240x128xf32, #tpu.memory_space<hbm>>
        tpu.wait_indirect_dma semaphore(%arg14 : memref<!tpu.dma_semaphore, #tpu.memory_space<semaphore_mem>>) src(%dma_wait3A_721 : memref<10240x128xf32, #tpu.memory_space<hbm>>) dst(%dma_wait3A_715 : memref<128x128xf32, #tpu.memory_space<vmem>>)
        %mul3A_722 = arith.constant 2 : i32
        %mul3A_723 = arith.muli %add3A_666, %mul3A_722 : i32
        %add3A_724 = arith.constant 0 : i32
        %add3A_725 = arith.addi %mul3A_723, %add3A_724 : i32
        %dma_start3A_726 = arith.constant 0 : i32
        %dma_start3A_727 = arith.constant 0 : i32
        %dma_start3A_728 = tpu.memref_slice %arg12[%dma_start3A_726, %dma_start3A_727] : memref<256x128xf32, #tpu.memory_space<vmem>> -> memref<128x128xf32, #tpu.memory_space<vmem>>
        %dma_start3A_729 = arith.constant 0 : i32
        %dma_start3A_730 = tpu.memref_slice %arg10[%add3A_725, %dma_start3A_729] : memref<96x128xi32, #tpu.memory_space<vmem>> -> memref<1x128xi32, #tpu.memory_space<vmem>>
        %dma_start3A_731 = tpu.memref_squeeze %dma_start3A_730 : memref<1x128xi32, #tpu.memory_space<vmem>> -> memref<128xi32, #tpu.memory_space<vmem>>
        %dma_start3A_732 = arith.constant 0 : i32
        %dma_start3A_733 = arith.constant 0 : i32
        %dma_start3A_734 = tpu.memref_slice %arg13[%dma_start3A_732, %dma_start3A_733] : memref<10240x128xf32, #tpu.memory_space<vmem_shared>> -> memref<10240x128xf32, #tpu.memory_space<vmem_shared>>
        tpu.enqueue_indirect_dma source(%dma_start3A_728 : memref<128x128xf32, #tpu.memory_space<vmem>>) target(%dma_start3A_734 : memref<10240x128xf32, #tpu.memory_space<vmem_shared>>) offsets(%dma_start3A_731 : memref<128xi32, #tpu.memory_space<vmem>>) semaphore(%arg15 : memref<!tpu.dma_semaphore, #tpu.memory_space<semaphore_mem>>) {add = true}
        %mul3A_735 = arith.constant 2 : i32
        %mul3A_736 = arith.muli %add3A_666, %mul3A_735 : i32
        %add3A_737 = arith.constant 1 : i32
        %add3A_738 = arith.addi %mul3A_736, %add3A_737 : i32
        %dma_start3A_739 = arith.constant 128 : i32
        %dma_start3A_740 = arith.constant 0 : i32
        %dma_start3A_741 = tpu.memref_slice %arg12[%dma_start3A_739, %dma_start3A_740] : memref<256x128xf32, #tpu.memory_space<vmem>> -> memref<128x128xf32, #tpu.memory_space<vmem>>
        %dma_start3A_742 = arith.constant 0 : i32
        %dma_start3A_743 = tpu.memref_slice %arg10[%add3A_738, %dma_start3A_742] : memref<96x128xi32, #tpu.memory_space<vmem>> -> memref<1x128xi32, #tpu.memory_space<vmem>>
        %dma_start3A_744 = tpu.memref_squeeze %dma_start3A_743 : memref<1x128xi32, #tpu.memory_space<vmem>> -> memref<128xi32, #tpu.memory_space<vmem>>
        %dma_start3A_745 = arith.constant 0 : i32
        %dma_start3A_746 = arith.constant 0 : i32
        %dma_start3A_747 = tpu.memref_slice %arg13[%dma_start3A_745, %dma_start3A_746] : memref<10240x128xf32, #tpu.memory_space<vmem_shared>> -> memref<10240x128xf32, #tpu.memory_space<vmem_shared>>
        tpu.enqueue_indirect_dma source(%dma_start3A_741 : memref<128x128xf32, #tpu.memory_space<vmem>>) target(%dma_start3A_747 : memref<10240x128xf32, #tpu.memory_space<vmem_shared>>) offsets(%dma_start3A_744 : memref<128xi32, #tpu.memory_space<vmem>>) semaphore(%arg15 : memref<!tpu.dma_semaphore, #tpu.memory_space<semaphore_mem>>) {add = true}
        %dma_wait3A_748 = arith.constant 0 : i32
        %dma_wait3A_749 = arith.constant 0 : i32
        %dma_wait3A_750 = tpu.memref_slice %arg12[%dma_wait3A_748, %dma_wait3A_749] : memref<256x128xf32, #tpu.memory_space<vmem>> -> memref<128x128xf32, #tpu.memory_space<vmem>>
        %dma_wait3A_751 = arith.constant 0 : i32
        %dma_wait3A_752 = tpu.memref_slice %arg10[%add3A_725, %dma_wait3A_751] : memref<96x128xi32, #tpu.memory_space<vmem>> -> memref<1x128xi32, #tpu.memory_space<vmem>>
        %dma_wait3A_753 = tpu.memref_squeeze %dma_wait3A_752 : memref<1x128xi32, #tpu.memory_space<vmem>> -> memref<128xi32, #tpu.memory_space<vmem>>
        %dma_wait3A_754 = arith.constant 0 : i32
        %dma_wait3A_755 = arith.constant 0 : i32
        %dma_wait3A_756 = tpu.memref_slice %arg13[%dma_wait3A_754, %dma_wait3A_755] : memref<10240x128xf32, #tpu.memory_space<vmem_shared>> -> memref<10240x128xf32, #tpu.memory_space<vmem_shared>>
        tpu.wait_indirect_dma semaphore(%arg15 : memref<!tpu.dma_semaphore, #tpu.memory_space<semaphore_mem>>) src(%dma_wait3A_750 : memref<128x128xf32, #tpu.memory_space<vmem>>) dst(%dma_wait3A_756 : memref<10240x128xf32, #tpu.memory_space<vmem_shared>>)
        %dma_wait3A_757 = arith.constant 128 : i32
        %dma_wait3A_758 = arith.constant 0 : i32
        %dma_wait3A_759 = tpu.memref_slice %arg12[%dma_wait3A_757, %dma_wait3A_758] : memref<256x128xf32, #tpu.memory_space<vmem>> -> memref<128x128xf32, #tpu.memory_space<vmem>>
        %dma_wait3A_760 = arith.constant 0 : i32
        %dma_wait3A_761 = tpu.memref_slice %arg10[%add3A_738, %dma_wait3A_760] : memref<96x128xi32, #tpu.memory_space<vmem>> -> memref<1x128xi32, #tpu.memory_space<vmem>>
        %dma_wait3A_762 = tpu.memref_squeeze %dma_wait3A_761 : memref<1x128xi32, #tpu.memory_space<vmem>> -> memref<128xi32, #tpu.memory_space<vmem>>
        %dma_wait3A_763 = arith.constant 0 : i32
        %dma_wait3A_764 = arith.constant 0 : i32
        %dma_wait3A_765 = tpu.memref_slice %arg13[%dma_wait3A_763, %dma_wait3A_764] : memref<10240x128xf32, #tpu.memory_space<vmem_shared>> -> memref<10240x128xf32, #tpu.memory_space<vmem_shared>>
        tpu.wait_indirect_dma semaphore(%arg15 : memref<!tpu.dma_semaphore, #tpu.memory_space<semaphore_mem>>) src(%dma_wait3A_759 : memref<128x128xf32, #tpu.memory_space<vmem>>) dst(%dma_wait3A_765 : memref<10240x128xf32, #tpu.memory_space<vmem_shared>>)
        %dma_wait3A_766 = arith.constant 0 : i32
        %dma_wait3A_767 = arith.constant 0 : i32
        %dma_wait3A_768 = tpu.memref_slice %arg9[%dma_wait3A_766, %dma_wait3A_767] : memref<4x128xi32, #tpu.memory_space<vmem>> -> memref<2x128xi32, #tpu.memory_space<vmem>>
        %dma_wait3A_769 = arith.constant 0 : i32
        %dma_wait3A_770 = tpu.memref_slice %arg2[%add3A_671, %dma_wait3A_769] : memref<2562x128xi32, #tpu.memory_space<hbm>> -> memref<2x128xi32, #tpu.memory_space<hbm>>
        %dma_wait3A_771 = arith.constant 0 : i32
        %dma_wait3A_772 = arith.constant 0 : i32
        %dma_wait3A_773 = tpu.memref_slice %arg9[%dma_wait3A_771, %dma_wait3A_772] : memref<4x128xi32, #tpu.memory_space<vmem>> -> memref<2x128xi32, #tpu.memory_space<vmem>>
        %dma_wait3A_774 = arith.constant 0 : i32
        %dma_wait3A_775 = tpu.memref_slice %arg2[%add3A_671, %dma_wait3A_774] : memref<2562x128xi32, #tpu.memory_space<hbm>> -> memref<2x128xi32, #tpu.memory_space<hbm>>
        tpu.wait_dma2 semaphore(%arg16 : memref<!tpu.dma_semaphore, #tpu.memory_space<semaphore_mem>>) src(%dma_wait3A_775 : memref<2x128xi32, #tpu.memory_space<hbm>>) dst(%dma_wait3A_773 : memref<2x128xi32, #tpu.memory_space<vmem>>)
        %scan3A_776 = arith.constant 0 : i32
        scf.yield %scan3A_776 : i32
      }
      %scan3A_549 = arith.constant 24 : i32
    } else {
    }
    %eq3A_133 = arith.constant 1 : i32
    %eq3A_134 = arith.cmpi eq, %arg0, %eq3A_133 : i32
    %convert_element_type3A_135 = arith.extui %eq3A_134 : i1 to i32
    %cond3A_136 = arith.constant 0 : i32
    %cond3A_137 = arith.cmpi ne, %convert_element_type3A_135, %cond3A_136 : i32
    scf.if %cond3A_137 {
      "tpu.region"() ({
        %run_scoped3A = tpu.sem_alloc : memref<!tpu.dma_semaphore, #tpu.memory_space<semaphore_mem>>
        %dma_start3A_550 = arith.constant 0 : i32
        %dma_start3A_551 = arith.constant 0 : i32
        %dma_start3A_552 = tpu.memref_slice %arg9[%dma_start3A_550, %dma_start3A_551] : memref<4x128xi32, #tpu.memory_space<vmem>> -> memref<2x128xi32, #tpu.memory_space<vmem>>
        %dma_start3A_553 = arith.constant 0 : i32
        %dma_start3A_554 = tpu.memref_slice %arg2[%select_n3A, %dma_start3A_553] : memref<2562x128xi32, #tpu.memory_space<hbm>> -> memref<2x128xi32, #tpu.memory_space<hbm>>
        %dma_start3A_555 = arith.constant 0 : i32
        %dma_start3A_556 = arith.constant 0 : i32
        %dma_start3A_557 = tpu.memref_slice %arg9[%dma_start3A_555, %dma_start3A_556] : memref<4x128xi32, #tpu.memory_space<vmem>> -> memref<2x128xi32, #tpu.memory_space<vmem>>
        %dma_start3A_558 = arith.constant 0 : i32
        %dma_start3A_559 = tpu.memref_slice %arg2[%select_n3A, %dma_start3A_558] : memref<2562x128xi32, #tpu.memory_space<hbm>> -> memref<2x128xi32, #tpu.memory_space<hbm>>
        tpu.enqueue_dma source(%dma_start3A_559 : memref<2x128xi32, #tpu.memory_space<hbm>>) target(%dma_start3A_557 : memref<2x128xi32, #tpu.memory_space<vmem>>) target_semaphore(%run_scoped3A : memref<!tpu.dma_semaphore, #tpu.memory_space<semaphore_mem>>)
        %dma_wait3A_560 = arith.constant 0 : i32
        %dma_wait3A_561 = arith.constant 0 : i32
        %dma_wait3A_562 = tpu.memref_slice %arg9[%dma_wait3A_560, %dma_wait3A_561] : memref<4x128xi32, #tpu.memory_space<vmem>> -> memref<2x128xi32, #tpu.memory_space<vmem>>
        %dma_wait3A_563 = arith.constant 0 : i32
        %dma_wait3A_564 = tpu.memref_slice %arg2[%select_n3A, %dma_wait3A_563] : memref<2562x128xi32, #tpu.memory_space<hbm>> -> memref<2x128xi32, #tpu.memory_space<hbm>>
        %dma_wait3A_565 = arith.constant 0 : i32
        %dma_wait3A_566 = arith.constant 0 : i32
        %dma_wait3A_567 = tpu.memref_slice %arg9[%dma_wait3A_565, %dma_wait3A_566] : memref<4x128xi32, #tpu.memory_space<vmem>> -> memref<2x128xi32, #tpu.memory_space<vmem>>
        %dma_wait3A_568 = arith.constant 0 : i32
        %dma_wait3A_569 = tpu.memref_slice %arg2[%select_n3A, %dma_wait3A_568] : memref<2562x128xi32, #tpu.memory_space<hbm>> -> memref<2x128xi32, #tpu.memory_space<hbm>>
        tpu.wait_dma2 semaphore(%run_scoped3A : memref<!tpu.dma_semaphore, #tpu.memory_space<semaphore_mem>>) src(%dma_wait3A_569 : memref<2x128xi32, #tpu.memory_space<hbm>>) dst(%dma_wait3A_567 : memref<2x128xi32, #tpu.memory_space<vmem>>)
        tpu.yield
      }) : () -> ()
      %barrier3A_543 = arith.constant 0 : index
      tpu.barrier barrier_id(%barrier3A_543)
      %scan3A = arith.constant 0 : i32
      %scan3A_544 = arith.constant 0 : i32
      %scan3A_545 = arith.constant 16 : i32
      %scan3A_546 = arith.addi %scan3A_544, %scan3A_545 : i32
      %scan3A_547 = arith.constant 1 : i32
      %scan3A_548 = scf.for %scan3A_550 = %scan3A_544 to %scan3A_546 step %scan3A_547 iter_args(%scan3A_551 = %scan3A) -> (i32)  : i32 {
        %mul3A_552 = arith.constant 2 : i32
        %mul3A_553 = arith.muli %mul3A_552, %scan3A_550 : i32
        %add3A_554 = arith.constant 1 : i32
        %add3A_555 = arith.addi %mul3A_553, %add3A_554 : i32
        %mul3A_556 = arith.constant 2 : i32
        %mul3A_557 = arith.muli %add3A_555, %mul3A_556 : i32
        %add3A_558 = arith.addi %select_n3A, %mul3A_557 : i32
        %dma_start3A_559 = arith.constant 2 : i32
        %dma_start3A_560 = arith.constant 0 : i32
        %dma_start3A_561 = tpu.memref_slice %arg9[%dma_start3A_559, %dma_start3A_560] : memref<4x128xi32, #tpu.memory_space<vmem>> -> memref<2x128xi32, #tpu.memory_space<vmem>>
        %dma_start3A_562 = arith.constant 0 : i32
        %dma_start3A_563 = tpu.memref_slice %arg2[%add3A_558, %dma_start3A_562] : memref<2562x128xi32, #tpu.memory_space<hbm>> -> memref<2x128xi32, #tpu.memory_space<hbm>>
        %dma_start3A_564 = arith.constant 2 : i32
        %dma_start3A_565 = arith.constant 0 : i32
        %dma_start3A_566 = tpu.memref_slice %arg9[%dma_start3A_564, %dma_start3A_565] : memref<4x128xi32, #tpu.memory_space<vmem>> -> memref<2x128xi32, #tpu.memory_space<vmem>>
        %dma_start3A_567 = arith.constant 0 : i32
        %dma_start3A_568 = tpu.memref_slice %arg2[%add3A_558, %dma_start3A_567] : memref<2562x128xi32, #tpu.memory_space<hbm>> -> memref<2x128xi32, #tpu.memory_space<hbm>>
        tpu.enqueue_dma source(%dma_start3A_568 : memref<2x128xi32, #tpu.memory_space<hbm>>) target(%dma_start3A_566 : memref<2x128xi32, #tpu.memory_space<vmem>>) target_semaphore(%arg16 : memref<!tpu.dma_semaphore, #tpu.memory_space<semaphore_mem>>)
        %dma_start3A_569 = arith.constant 0 : i32
        %dma_start3A_570 = arith.constant 0 : i32
        %dma_start3A_571 = arith.constant 0 : i32
        %dma_start3A_572 = tpu.memref_slice %arg12[%dma_start3A_570, %dma_start3A_571] : memref<256x128xf32, #tpu.memory_space<vmem>> -> memref<128x128xf32, #tpu.memory_space<vmem>>
        %dma_start3A_573 = arith.constant 0 : i32
        %dma_start3A_574 = tpu.memref_slice %arg9[%dma_start3A_569, %dma_start3A_573] : memref<4x128xi32, #tpu.memory_space<vmem>> -> memref<1x128xi32, #tpu.memory_space<vmem>>
        %dma_start3A_575 = tpu.memref_squeeze %dma_start3A_574 : memref<1x128xi32, #tpu.memory_space<vmem>> -> memref<128xi32, #tpu.memory_space<vmem>>
        %dma_start3A_576 = arith.constant 0 : i32
        %dma_start3A_577 = arith.constant 0 : i32
        %dma_start3A_578 = tpu.memref_slice %arg4[%dma_start3A_576, %dma_start3A_577] : memref<10240x128xf32, #tpu.memory_space<hbm>> -> memref<10240x128xf32, #tpu.memory_space<hbm>>
        tpu.enqueue_indirect_dma source(%dma_start3A_578 : memref<10240x128xf32, #tpu.memory_space<hbm>>) target(%dma_start3A_572 : memref<128x128xf32, #tpu.memory_space<vmem>>) offsets(%dma_start3A_575 : memref<128xi32, #tpu.memory_space<vmem>>) semaphore(%arg14 : memref<!tpu.dma_semaphore, #tpu.memory_space<semaphore_mem>>)
        %dma_start3A_579 = arith.constant 1 : i32
        %dma_start3A_580 = arith.constant 128 : i32
        %dma_start3A_581 = arith.constant 0 : i32
        %dma_start3A_582 = tpu.memref_slice %arg12[%dma_start3A_580, %dma_start3A_581] : memref<256x128xf32, #tpu.memory_space<vmem>> -> memref<128x128xf32, #tpu.memory_space<vmem>>
        %dma_start3A_583 = arith.constant 0 : i32
        %dma_start3A_584 = tpu.memref_slice %arg9[%dma_start3A_579, %dma_start3A_583] : memref<4x128xi32, #tpu.memory_space<vmem>> -> memref<1x128xi32, #tpu.memory_space<vmem>>
        %dma_start3A_585 = tpu.memref_squeeze %dma_start3A_584 : memref<1x128xi32, #tpu.memory_space<vmem>> -> memref<128xi32, #tpu.memory_space<vmem>>
        %dma_start3A_586 = arith.constant 0 : i32
        %dma_start3A_587 = arith.constant 0 : i32
        %dma_start3A_588 = tpu.memref_slice %arg4[%dma_start3A_586, %dma_start3A_587] : memref<10240x128xf32, #tpu.memory_space<hbm>> -> memref<10240x128xf32, #tpu.memory_space<hbm>>
        tpu.enqueue_indirect_dma source(%dma_start3A_588 : memref<10240x128xf32, #tpu.memory_space<hbm>>) target(%dma_start3A_582 : memref<128x128xf32, #tpu.memory_space<vmem>>) offsets(%dma_start3A_585 : memref<128xi32, #tpu.memory_space<vmem>>) semaphore(%arg14 : memref<!tpu.dma_semaphore, #tpu.memory_space<semaphore_mem>>)
        %dma_wait3A_589 = arith.constant 0 : i32
        %dma_wait3A_590 = arith.constant 0 : i32
        %dma_wait3A_591 = arith.constant 0 : i32
        %dma_wait3A_592 = tpu.memref_slice %arg12[%dma_wait3A_590, %dma_wait3A_591] : memref<256x128xf32, #tpu.memory_space<vmem>> -> memref<128x128xf32, #tpu.memory_space<vmem>>
        %dma_wait3A_593 = arith.constant 0 : i32
        %dma_wait3A_594 = tpu.memref_slice %arg9[%dma_wait3A_589, %dma_wait3A_593] : memref<4x128xi32, #tpu.memory_space<vmem>> -> memref<1x128xi32, #tpu.memory_space<vmem>>
        %dma_wait3A_595 = tpu.memref_squeeze %dma_wait3A_594 : memref<1x128xi32, #tpu.memory_space<vmem>> -> memref<128xi32, #tpu.memory_space<vmem>>
        %dma_wait3A_596 = arith.constant 0 : i32
        %dma_wait3A_597 = arith.constant 0 : i32
        %dma_wait3A_598 = tpu.memref_slice %arg4[%dma_wait3A_596, %dma_wait3A_597] : memref<10240x128xf32, #tpu.memory_space<hbm>> -> memref<10240x128xf32, #tpu.memory_space<hbm>>
        tpu.wait_indirect_dma semaphore(%arg14 : memref<!tpu.dma_semaphore, #tpu.memory_space<semaphore_mem>>) src(%dma_wait3A_598 : memref<10240x128xf32, #tpu.memory_space<hbm>>) dst(%dma_wait3A_592 : memref<128x128xf32, #tpu.memory_space<vmem>>)
        %dma_wait3A_599 = arith.constant 1 : i32
        %dma_wait3A_600 = arith.constant 128 : i32
        %dma_wait3A_601 = arith.constant 0 : i32
        %dma_wait3A_602 = tpu.memref_slice %arg12[%dma_wait3A_600, %dma_wait3A_601] : memref<256x128xf32, #tpu.memory_space<vmem>> -> memref<128x128xf32, #tpu.memory_space<vmem>>
        %dma_wait3A_603 = arith.constant 0 : i32
        %dma_wait3A_604 = tpu.memref_slice %arg9[%dma_wait3A_599, %dma_wait3A_603] : memref<4x128xi32, #tpu.memory_space<vmem>> -> memref<1x128xi32, #tpu.memory_space<vmem>>
        %dma_wait3A_605 = tpu.memref_squeeze %dma_wait3A_604 : memref<1x128xi32, #tpu.memory_space<vmem>> -> memref<128xi32, #tpu.memory_space<vmem>>
        %dma_wait3A_606 = arith.constant 0 : i32
        %dma_wait3A_607 = arith.constant 0 : i32
        %dma_wait3A_608 = tpu.memref_slice %arg4[%dma_wait3A_606, %dma_wait3A_607] : memref<10240x128xf32, #tpu.memory_space<hbm>> -> memref<10240x128xf32, #tpu.memory_space<hbm>>
        tpu.wait_indirect_dma semaphore(%arg14 : memref<!tpu.dma_semaphore, #tpu.memory_space<semaphore_mem>>) src(%dma_wait3A_608 : memref<10240x128xf32, #tpu.memory_space<hbm>>) dst(%dma_wait3A_602 : memref<128x128xf32, #tpu.memory_space<vmem>>)
        %mul3A_609 = arith.constant 2 : i32
        %mul3A_610 = arith.muli %mul3A_553, %mul3A_609 : i32
        %add3A_611 = arith.constant 0 : i32
        %add3A_612 = arith.addi %mul3A_610, %add3A_611 : i32
        %dma_start3A_613 = arith.constant 0 : i32
        %dma_start3A_614 = arith.constant 0 : i32
        %dma_start3A_615 = tpu.memref_slice %arg12[%dma_start3A_613, %dma_start3A_614] : memref<256x128xf32, #tpu.memory_space<vmem>> -> memref<128x128xf32, #tpu.memory_space<vmem>>
        %dma_start3A_616 = arith.constant 0 : i32
        %dma_start3A_617 = tpu.memref_slice %arg10[%add3A_612, %dma_start3A_616] : memref<96x128xi32, #tpu.memory_space<vmem>> -> memref<1x128xi32, #tpu.memory_space<vmem>>
        %dma_start3A_618 = tpu.memref_squeeze %dma_start3A_617 : memref<1x128xi32, #tpu.memory_space<vmem>> -> memref<128xi32, #tpu.memory_space<vmem>>
        %dma_start3A_619 = arith.constant 0 : i32
        %dma_start3A_620 = arith.constant 0 : i32
        %dma_start3A_621 = tpu.memref_slice %arg13[%dma_start3A_619, %dma_start3A_620] : memref<10240x128xf32, #tpu.memory_space<vmem_shared>> -> memref<10240x128xf32, #tpu.memory_space<vmem_shared>>
        tpu.enqueue_indirect_dma source(%dma_start3A_615 : memref<128x128xf32, #tpu.memory_space<vmem>>) target(%dma_start3A_621 : memref<10240x128xf32, #tpu.memory_space<vmem_shared>>) offsets(%dma_start3A_618 : memref<128xi32, #tpu.memory_space<vmem>>) semaphore(%arg15 : memref<!tpu.dma_semaphore, #tpu.memory_space<semaphore_mem>>) {add = true}
        %mul3A_622 = arith.constant 2 : i32
        %mul3A_623 = arith.muli %mul3A_553, %mul3A_622 : i32
        %add3A_624 = arith.constant 1 : i32
        %add3A_625 = arith.addi %mul3A_623, %add3A_624 : i32
        %dma_start3A_626 = arith.constant 128 : i32
        %dma_start3A_627 = arith.constant 0 : i32
        %dma_start3A_628 = tpu.memref_slice %arg12[%dma_start3A_626, %dma_start3A_627] : memref<256x128xf32, #tpu.memory_space<vmem>> -> memref<128x128xf32, #tpu.memory_space<vmem>>
        %dma_start3A_629 = arith.constant 0 : i32
        %dma_start3A_630 = tpu.memref_slice %arg10[%add3A_625, %dma_start3A_629] : memref<96x128xi32, #tpu.memory_space<vmem>> -> memref<1x128xi32, #tpu.memory_space<vmem>>
        %dma_start3A_631 = tpu.memref_squeeze %dma_start3A_630 : memref<1x128xi32, #tpu.memory_space<vmem>> -> memref<128xi32, #tpu.memory_space<vmem>>
        %dma_start3A_632 = arith.constant 0 : i32
        %dma_start3A_633 = arith.constant 0 : i32
        %dma_start3A_634 = tpu.memref_slice %arg13[%dma_start3A_632, %dma_start3A_633] : memref<10240x128xf32, #tpu.memory_space<vmem_shared>> -> memref<10240x128xf32, #tpu.memory_space<vmem_shared>>
        tpu.enqueue_indirect_dma source(%dma_start3A_628 : memref<128x128xf32, #tpu.memory_space<vmem>>) target(%dma_start3A_634 : memref<10240x128xf32, #tpu.memory_space<vmem_shared>>) offsets(%dma_start3A_631 : memref<128xi32, #tpu.memory_space<vmem>>) semaphore(%arg15 : memref<!tpu.dma_semaphore, #tpu.memory_space<semaphore_mem>>) {add = true}
        %dma_wait3A_635 = arith.constant 0 : i32
        %dma_wait3A_636 = arith.constant 0 : i32
        %dma_wait3A_637 = tpu.memref_slice %arg12[%dma_wait3A_635, %dma_wait3A_636] : memref<256x128xf32, #tpu.memory_space<vmem>> -> memref<128x128xf32, #tpu.memory_space<vmem>>
        %dma_wait3A_638 = arith.constant 0 : i32
        %dma_wait3A_639 = tpu.memref_slice %arg10[%add3A_612, %dma_wait3A_638] : memref<96x128xi32, #tpu.memory_space<vmem>> -> memref<1x128xi32, #tpu.memory_space<vmem>>
        %dma_wait3A_640 = tpu.memref_squeeze %dma_wait3A_639 : memref<1x128xi32, #tpu.memory_space<vmem>> -> memref<128xi32, #tpu.memory_space<vmem>>
        %dma_wait3A_641 = arith.constant 0 : i32
        %dma_wait3A_642 = arith.constant 0 : i32
        %dma_wait3A_643 = tpu.memref_slice %arg13[%dma_wait3A_641, %dma_wait3A_642] : memref<10240x128xf32, #tpu.memory_space<vmem_shared>> -> memref<10240x128xf32, #tpu.memory_space<vmem_shared>>
        tpu.wait_indirect_dma semaphore(%arg15 : memref<!tpu.dma_semaphore, #tpu.memory_space<semaphore_mem>>) src(%dma_wait3A_637 : memref<128x128xf32, #tpu.memory_space<vmem>>) dst(%dma_wait3A_643 : memref<10240x128xf32, #tpu.memory_space<vmem_shared>>)
        %dma_wait3A_644 = arith.constant 128 : i32
        %dma_wait3A_645 = arith.constant 0 : i32
        %dma_wait3A_646 = tpu.memref_slice %arg12[%dma_wait3A_644, %dma_wait3A_645] : memref<256x128xf32, #tpu.memory_space<vmem>> -> memref<128x128xf32, #tpu.memory_space<vmem>>
        %dma_wait3A_647 = arith.constant 0 : i32
        %dma_wait3A_648 = tpu.memref_slice %arg10[%add3A_625, %dma_wait3A_647] : memref<96x128xi32, #tpu.memory_space<vmem>> -> memref<1x128xi32, #tpu.memory_space<vmem>>
        %dma_wait3A_649 = tpu.memref_squeeze %dma_wait3A_648 : memref<1x128xi32, #tpu.memory_space<vmem>> -> memref<128xi32, #tpu.memory_space<vmem>>
        %dma_wait3A_650 = arith.constant 0 : i32
        %dma_wait3A_651 = arith.constant 0 : i32
        %dma_wait3A_652 = tpu.memref_slice %arg13[%dma_wait3A_650, %dma_wait3A_651] : memref<10240x128xf32, #tpu.memory_space<vmem_shared>> -> memref<10240x128xf32, #tpu.memory_space<vmem_shared>>
        tpu.wait_indirect_dma semaphore(%arg15 : memref<!tpu.dma_semaphore, #tpu.memory_space<semaphore_mem>>) src(%dma_wait3A_646 : memref<128x128xf32, #tpu.memory_space<vmem>>) dst(%dma_wait3A_652 : memref<10240x128xf32, #tpu.memory_space<vmem_shared>>)
        %dma_wait3A_653 = arith.constant 2 : i32
        %dma_wait3A_654 = arith.constant 0 : i32
        %dma_wait3A_655 = tpu.memref_slice %arg9[%dma_wait3A_653, %dma_wait3A_654] : memref<4x128xi32, #tpu.memory_space<vmem>> -> memref<2x128xi32, #tpu.memory_space<vmem>>
        %dma_wait3A_656 = arith.constant 0 : i32
        %dma_wait3A_657 = tpu.memref_slice %arg2[%add3A_558, %dma_wait3A_656] : memref<2562x128xi32, #tpu.memory_space<hbm>> -> memref<2x128xi32, #tpu.memory_space<hbm>>
        %dma_wait3A_658 = arith.constant 2 : i32
        %dma_wait3A_659 = arith.constant 0 : i32
        %dma_wait3A_660 = tpu.memref_slice %arg9[%dma_wait3A_658, %dma_wait3A_659] : memref<4x128xi32, #tpu.memory_space<vmem>> -> memref<2x128xi32, #tpu.memory_space<vmem>>
        %dma_wait3A_661 = arith.constant 0 : i32
        %dma_wait3A_662 = tpu.memref_slice %arg2[%add3A_558, %dma_wait3A_661] : memref<2562x128xi32, #tpu.memory_space<hbm>> -> memref<2x128xi32, #tpu.memory_space<hbm>>
        tpu.wait_dma2 semaphore(%arg16 : memref<!tpu.dma_semaphore, #tpu.memory_space<semaphore_mem>>) src(%dma_wait3A_662 : memref<2x128xi32, #tpu.memory_space<hbm>>) dst(%dma_wait3A_660 : memref<2x128xi32, #tpu.memory_space<vmem>>)
        %mul3A_663 = arith.constant 2 : i32
        %mul3A_664 = arith.muli %mul3A_663, %scan3A_550 : i32
        %add3A_665 = arith.constant 1 : i32
        %add3A_666 = arith.addi %mul3A_664, %add3A_665 : i32
        %add3A_667 = arith.constant 1 : i32
        %add3A_668 = arith.addi %add3A_666, %add3A_667 : i32
        %mul3A_669 = arith.constant 2 : i32
        %mul3A_670 = arith.muli %add3A_668, %mul3A_669 : i32
        %add3A_671 = arith.addi %select_n3A, %mul3A_670 : i32
        %dma_start3A_672 = arith.constant 0 : i32
        %dma_start3A_673 = arith.constant 0 : i32
        %dma_start3A_674 = tpu.memref_slice %arg9[%dma_start3A_672, %dma_start3A_673] : memref<4x128xi32, #tpu.memory_space<vmem>> -> memref<2x128xi32, #tpu.memory_space<vmem>>
        %dma_start3A_675 = arith.constant 0 : i32
        %dma_start3A_676 = tpu.memref_slice %arg2[%add3A_671, %dma_start3A_675] : memref<2562x128xi32, #tpu.memory_space<hbm>> -> memref<2x128xi32, #tpu.memory_space<hbm>>
        %dma_start3A_677 = arith.constant 0 : i32
        %dma_start3A_678 = arith.constant 0 : i32
        %dma_start3A_679 = tpu.memref_slice %arg9[%dma_start3A_677, %dma_start3A_678] : memref<4x128xi32, #tpu.memory_space<vmem>> -> memref<2x128xi32, #tpu.memory_space<vmem>>
        %dma_start3A_680 = arith.constant 0 : i32
        %dma_start3A_681 = tpu.memref_slice %arg2[%add3A_671, %dma_start3A_680] : memref<2562x128xi32, #tpu.memory_space<hbm>> -> memref<2x128xi32, #tpu.memory_space<hbm>>
        tpu.enqueue_dma source(%dma_start3A_681 : memref<2x128xi32, #tpu.memory_space<hbm>>) target(%dma_start3A_679 : memref<2x128xi32, #tpu.memory_space<vmem>>) target_semaphore(%arg16 : memref<!tpu.dma_semaphore, #tpu.memory_space<semaphore_mem>>)
        %dma_start3A_682 = arith.constant 2 : i32
        %dma_start3A_683 = arith.constant 0 : i32
        %dma_start3A_684 = arith.constant 0 : i32
        %dma_start3A_685 = tpu.memref_slice %arg12[%dma_start3A_683, %dma_start3A_684] : memref<256x128xf32, #tpu.memory_space<vmem>> -> memref<128x128xf32, #tpu.memory_space<vmem>>
        %dma_start3A_686 = arith.constant 0 : i32
        %dma_start3A_687 = tpu.memref_slice %arg9[%dma_start3A_682, %dma_start3A_686] : memref<4x128xi32, #tpu.memory_space<vmem>> -> memref<1x128xi32, #tpu.memory_space<vmem>>
        %dma_start3A_688 = tpu.memref_squeeze %dma_start3A_687 : memref<1x128xi32, #tpu.memory_space<vmem>> -> memref<128xi32, #tpu.memory_space<vmem>>
        %dma_start3A_689 = arith.constant 0 : i32
        %dma_start3A_690 = arith.constant 0 : i32
        %dma_start3A_691 = tpu.memref_slice %arg4[%dma_start3A_689, %dma_start3A_690] : memref<10240x128xf32, #tpu.memory_space<hbm>> -> memref<10240x128xf32, #tpu.memory_space<hbm>>
        tpu.enqueue_indirect_dma source(%dma_start3A_691 : memref<10240x128xf32, #tpu.memory_space<hbm>>) target(%dma_start3A_685 : memref<128x128xf32, #tpu.memory_space<vmem>>) offsets(%dma_start3A_688 : memref<128xi32, #tpu.memory_space<vmem>>) semaphore(%arg14 : memref<!tpu.dma_semaphore, #tpu.memory_space<semaphore_mem>>)
        %dma_start3A_692 = arith.constant 3 : i32
        %dma_start3A_693 = arith.constant 128 : i32
        %dma_start3A_694 = arith.constant 0 : i32
        %dma_start3A_695 = tpu.memref_slice %arg12[%dma_start3A_693, %dma_start3A_694] : memref<256x128xf32, #tpu.memory_space<vmem>> -> memref<128x128xf32, #tpu.memory_space<vmem>>
        %dma_start3A_696 = arith.constant 0 : i32
        %dma_start3A_697 = tpu.memref_slice %arg9[%dma_start3A_692, %dma_start3A_696] : memref<4x128xi32, #tpu.memory_space<vmem>> -> memref<1x128xi32, #tpu.memory_space<vmem>>
        %dma_start3A_698 = tpu.memref_squeeze %dma_start3A_697 : memref<1x128xi32, #tpu.memory_space<vmem>> -> memref<128xi32, #tpu.memory_space<vmem>>
        %dma_start3A_699 = arith.constant 0 : i32
        %dma_start3A_700 = arith.constant 0 : i32
        %dma_start3A_701 = tpu.memref_slice %arg4[%dma_start3A_699, %dma_start3A_700] : memref<10240x128xf32, #tpu.memory_space<hbm>> -> memref<10240x128xf32, #tpu.memory_space<hbm>>
        tpu.enqueue_indirect_dma source(%dma_start3A_701 : memref<10240x128xf32, #tpu.memory_space<hbm>>) target(%dma_start3A_695 : memref<128x128xf32, #tpu.memory_space<vmem>>) offsets(%dma_start3A_698 : memref<128xi32, #tpu.memory_space<vmem>>) semaphore(%arg14 : memref<!tpu.dma_semaphore, #tpu.memory_space<semaphore_mem>>)
        %dma_wait3A_702 = arith.constant 2 : i32
        %dma_wait3A_703 = arith.constant 0 : i32
        %dma_wait3A_704 = arith.constant 0 : i32
        %dma_wait3A_705 = tpu.memref_slice %arg12[%dma_wait3A_703, %dma_wait3A_704] : memref<256x128xf32, #tpu.memory_space<vmem>> -> memref<128x128xf32, #tpu.memory_space<vmem>>
        %dma_wait3A_706 = arith.constant 0 : i32
        %dma_wait3A_707 = tpu.memref_slice %arg9[%dma_wait3A_702, %dma_wait3A_706] : memref<4x128xi32, #tpu.memory_space<vmem>> -> memref<1x128xi32, #tpu.memory_space<vmem>>
        %dma_wait3A_708 = tpu.memref_squeeze %dma_wait3A_707 : memref<1x128xi32, #tpu.memory_space<vmem>> -> memref<128xi32, #tpu.memory_space<vmem>>
        %dma_wait3A_709 = arith.constant 0 : i32
        %dma_wait3A_710 = arith.constant 0 : i32
        %dma_wait3A_711 = tpu.memref_slice %arg4[%dma_wait3A_709, %dma_wait3A_710] : memref<10240x128xf32, #tpu.memory_space<hbm>> -> memref<10240x128xf32, #tpu.memory_space<hbm>>
        tpu.wait_indirect_dma semaphore(%arg14 : memref<!tpu.dma_semaphore, #tpu.memory_space<semaphore_mem>>) src(%dma_wait3A_711 : memref<10240x128xf32, #tpu.memory_space<hbm>>) dst(%dma_wait3A_705 : memref<128x128xf32, #tpu.memory_space<vmem>>)
        %dma_wait3A_712 = arith.constant 3 : i32
        %dma_wait3A_713 = arith.constant 128 : i32
        %dma_wait3A_714 = arith.constant 0 : i32
        %dma_wait3A_715 = tpu.memref_slice %arg12[%dma_wait3A_713, %dma_wait3A_714] : memref<256x128xf32, #tpu.memory_space<vmem>> -> memref<128x128xf32, #tpu.memory_space<vmem>>
        %dma_wait3A_716 = arith.constant 0 : i32
        %dma_wait3A_717 = tpu.memref_slice %arg9[%dma_wait3A_712, %dma_wait3A_716] : memref<4x128xi32, #tpu.memory_space<vmem>> -> memref<1x128xi32, #tpu.memory_space<vmem>>
        %dma_wait3A_718 = tpu.memref_squeeze %dma_wait3A_717 : memref<1x128xi32, #tpu.memory_space<vmem>> -> memref<128xi32, #tpu.memory_space<vmem>>
        %dma_wait3A_719 = arith.constant 0 : i32
        %dma_wait3A_720 = arith.constant 0 : i32
        %dma_wait3A_721 = tpu.memref_slice %arg4[%dma_wait3A_719, %dma_wait3A_720] : memref<10240x128xf32, #tpu.memory_space<hbm>> -> memref<10240x128xf32, #tpu.memory_space<hbm>>
        tpu.wait_indirect_dma semaphore(%arg14 : memref<!tpu.dma_semaphore, #tpu.memory_space<semaphore_mem>>) src(%dma_wait3A_721 : memref<10240x128xf32, #tpu.memory_space<hbm>>) dst(%dma_wait3A_715 : memref<128x128xf32, #tpu.memory_space<vmem>>)
        %mul3A_722 = arith.constant 2 : i32
        %mul3A_723 = arith.muli %add3A_666, %mul3A_722 : i32
        %add3A_724 = arith.constant 0 : i32
        %add3A_725 = arith.addi %mul3A_723, %add3A_724 : i32
        %dma_start3A_726 = arith.constant 0 : i32
        %dma_start3A_727 = arith.constant 0 : i32
        %dma_start3A_728 = tpu.memref_slice %arg12[%dma_start3A_726, %dma_start3A_727] : memref<256x128xf32, #tpu.memory_space<vmem>> -> memref<128x128xf32, #tpu.memory_space<vmem>>
        %dma_start3A_729 = arith.constant 0 : i32
        %dma_start3A_730 = tpu.memref_slice %arg10[%add3A_725, %dma_start3A_729] : memref<96x128xi32, #tpu.memory_space<vmem>> -> memref<1x128xi32, #tpu.memory_space<vmem>>
        %dma_start3A_731 = tpu.memref_squeeze %dma_start3A_730 : memref<1x128xi32, #tpu.memory_space<vmem>> -> memref<128xi32, #tpu.memory_space<vmem>>
        %dma_start3A_732 = arith.constant 0 : i32
        %dma_start3A_733 = arith.constant 0 : i32
        %dma_start3A_734 = tpu.memref_slice %arg13[%dma_start3A_732, %dma_start3A_733] : memref<10240x128xf32, #tpu.memory_space<vmem_shared>> -> memref<10240x128xf32, #tpu.memory_space<vmem_shared>>
        tpu.enqueue_indirect_dma source(%dma_start3A_728 : memref<128x128xf32, #tpu.memory_space<vmem>>) target(%dma_start3A_734 : memref<10240x128xf32, #tpu.memory_space<vmem_shared>>) offsets(%dma_start3A_731 : memref<128xi32, #tpu.memory_space<vmem>>) semaphore(%arg15 : memref<!tpu.dma_semaphore, #tpu.memory_space<semaphore_mem>>) {add = true}
        %mul3A_735 = arith.constant 2 : i32
        %mul3A_736 = arith.muli %add3A_666, %mul3A_735 : i32
        %add3A_737 = arith.constant 1 : i32
        %add3A_738 = arith.addi %mul3A_736, %add3A_737 : i32
        %dma_start3A_739 = arith.constant 128 : i32
        %dma_start3A_740 = arith.constant 0 : i32
        %dma_start3A_741 = tpu.memref_slice %arg12[%dma_start3A_739, %dma_start3A_740] : memref<256x128xf32, #tpu.memory_space<vmem>> -> memref<128x128xf32, #tpu.memory_space<vmem>>
        %dma_start3A_742 = arith.constant 0 : i32
        %dma_start3A_743 = tpu.memref_slice %arg10[%add3A_738, %dma_start3A_742] : memref<96x128xi32, #tpu.memory_space<vmem>> -> memref<1x128xi32, #tpu.memory_space<vmem>>
        %dma_start3A_744 = tpu.memref_squeeze %dma_start3A_743 : memref<1x128xi32, #tpu.memory_space<vmem>> -> memref<128xi32, #tpu.memory_space<vmem>>
        %dma_start3A_745 = arith.constant 0 : i32
        %dma_start3A_746 = arith.constant 0 : i32
        %dma_start3A_747 = tpu.memref_slice %arg13[%dma_start3A_745, %dma_start3A_746] : memref<10240x128xf32, #tpu.memory_space<vmem_shared>> -> memref<10240x128xf32, #tpu.memory_space<vmem_shared>>
        tpu.enqueue_indirect_dma source(%dma_start3A_741 : memref<128x128xf32, #tpu.memory_space<vmem>>) target(%dma_start3A_747 : memref<10240x128xf32, #tpu.memory_space<vmem_shared>>) offsets(%dma_start3A_744 : memref<128xi32, #tpu.memory_space<vmem>>) semaphore(%arg15 : memref<!tpu.dma_semaphore, #tpu.memory_space<semaphore_mem>>) {add = true}
        %dma_wait3A_748 = arith.constant 0 : i32
        %dma_wait3A_749 = arith.constant 0 : i32
        %dma_wait3A_750 = tpu.memref_slice %arg12[%dma_wait3A_748, %dma_wait3A_749] : memref<256x128xf32, #tpu.memory_space<vmem>> -> memref<128x128xf32, #tpu.memory_space<vmem>>
        %dma_wait3A_751 = arith.constant 0 : i32
        %dma_wait3A_752 = tpu.memref_slice %arg10[%add3A_725, %dma_wait3A_751] : memref<96x128xi32, #tpu.memory_space<vmem>> -> memref<1x128xi32, #tpu.memory_space<vmem>>
        %dma_wait3A_753 = tpu.memref_squeeze %dma_wait3A_752 : memref<1x128xi32, #tpu.memory_space<vmem>> -> memref<128xi32, #tpu.memory_space<vmem>>
        %dma_wait3A_754 = arith.constant 0 : i32
        %dma_wait3A_755 = arith.constant 0 : i32
        %dma_wait3A_756 = tpu.memref_slice %arg13[%dma_wait3A_754, %dma_wait3A_755] : memref<10240x128xf32, #tpu.memory_space<vmem_shared>> -> memref<10240x128xf32, #tpu.memory_space<vmem_shared>>
        tpu.wait_indirect_dma semaphore(%arg15 : memref<!tpu.dma_semaphore, #tpu.memory_space<semaphore_mem>>) src(%dma_wait3A_750 : memref<128x128xf32, #tpu.memory_space<vmem>>) dst(%dma_wait3A_756 : memref<10240x128xf32, #tpu.memory_space<vmem_shared>>)
        %dma_wait3A_757 = arith.constant 128 : i32
        %dma_wait3A_758 = arith.constant 0 : i32
        %dma_wait3A_759 = tpu.memref_slice %arg12[%dma_wait3A_757, %dma_wait3A_758] : memref<256x128xf32, #tpu.memory_space<vmem>> -> memref<128x128xf32, #tpu.memory_space<vmem>>
        %dma_wait3A_760 = arith.constant 0 : i32
        %dma_wait3A_761 = tpu.memref_slice %arg10[%add3A_738, %dma_wait3A_760] : memref<96x128xi32, #tpu.memory_space<vmem>> -> memref<1x128xi32, #tpu.memory_space<vmem>>
        %dma_wait3A_762 = tpu.memref_squeeze %dma_wait3A_761 : memref<1x128xi32, #tpu.memory_space<vmem>> -> memref<128xi32, #tpu.memory_space<vmem>>
        %dma_wait3A_763 = arith.constant 0 : i32
        %dma_wait3A_764 = arith.constant 0 : i32
        %dma_wait3A_765 = tpu.memref_slice %arg13[%dma_wait3A_763, %dma_wait3A_764] : memref<10240x128xf32, #tpu.memory_space<vmem_shared>> -> memref<10240x128xf32, #tpu.memory_space<vmem_shared>>
        tpu.wait_indirect_dma semaphore(%arg15 : memref<!tpu.dma_semaphore, #tpu.memory_space<semaphore_mem>>) src(%dma_wait3A_759 : memref<128x128xf32, #tpu.memory_space<vmem>>) dst(%dma_wait3A_765 : memref<10240x128xf32, #tpu.memory_space<vmem_shared>>)
        %dma_wait3A_766 = arith.constant 0 : i32
        %dma_wait3A_767 = arith.constant 0 : i32
        %dma_wait3A_768 = tpu.memref_slice %arg9[%dma_wait3A_766, %dma_wait3A_767] : memref<4x128xi32, #tpu.memory_space<vmem>> -> memref<2x128xi32, #tpu.memory_space<vmem>>
        %dma_wait3A_769 = arith.constant 0 : i32
        %dma_wait3A_770 = tpu.memref_slice %arg2[%add3A_671, %dma_wait3A_769] : memref<2562x128xi32, #tpu.memory_space<hbm>> -> memref<2x128xi32, #tpu.memory_space<hbm>>
        %dma_wait3A_771 = arith.constant 0 : i32
        %dma_wait3A_772 = arith.constant 0 : i32
        %dma_wait3A_773 = tpu.memref_slice %arg9[%dma_wait3A_771, %dma_wait3A_772] : memref<4x128xi32, #tpu.memory_space<vmem>> -> memref<2x128xi32, #tpu.memory_space<vmem>>
        %dma_wait3A_774 = arith.constant 0 : i32
        %dma_wait3A_775 = tpu.memref_slice %arg2[%add3A_671, %dma_wait3A_774] : memref<2562x128xi32, #tpu.memory_space<hbm>> -> memref<2x128xi32, #tpu.memory_space<hbm>>
        tpu.wait_dma2 semaphore(%arg16 : memref<!tpu.dma_semaphore, #tpu.memory_space<semaphore_mem>>) src(%dma_wait3A_775 : memref<2x128xi32, #tpu.memory_space<hbm>>) dst(%dma_wait3A_773 : memref<2x128xi32, #tpu.memory_space<vmem>>)
        %scan3A_776 = arith.constant 0 : i32
        scf.yield %scan3A_776 : i32
      }
      %scan3A_549 = arith.constant 16 : i32
    } else {
    }
    %barrier3A = arith.constant 0 : index
    tpu.barrier barrier_id(%barrier3A)
    %add3A_138 = arith.constant 0 : i32
    %add3A_139 = arith.addi %mul3A_2, %add3A_138 : i32
    "tpu.region"() ({
      %run_scoped3A = tpu.sem_alloc : memref<!tpu.dma_semaphore, #tpu.memory_space<semaphore_mem>>
      %dma_start3A_543 = arith.constant 0 : i32
      %dma_start3A_544 = arith.constant 0 : i32
      %dma_start3A_545 = tpu.memref_slice %arg12[%dma_start3A_543, %dma_start3A_544] : memref<256x128xf32, #tpu.memory_space<vmem>> -> memref<128x128xf32, #tpu.memory_space<vmem>>
      %dma_start3A_546 = arith.constant 0 : i32
      %dma_start3A_547 = tpu.memref_slice %arg13[%add3A_139, %dma_start3A_546] : memref<10240x128xf32, #tpu.memory_space<vmem_shared>> -> memref<128x128xf32, #tpu.memory_space<vmem_shared>>
      %dma_start3A_548 = arith.constant 0 : i32
      %dma_start3A_549 = arith.constant 0 : i32
      %dma_start3A_550 = tpu.memref_slice %arg12[%dma_start3A_548, %dma_start3A_549] : memref<256x128xf32, #tpu.memory_space<vmem>> -> memref<128x128xf32, #tpu.memory_space<vmem>>
      %dma_start3A_551 = arith.constant 0 : i32
      %dma_start3A_552 = tpu.memref_slice %arg13[%add3A_139, %dma_start3A_551] : memref<10240x128xf32, #tpu.memory_space<vmem_shared>> -> memref<128x128xf32, #tpu.memory_space<vmem_shared>>
      tpu.enqueue_dma source(%dma_start3A_552 : memref<128x128xf32, #tpu.memory_space<vmem_shared>>) target(%dma_start3A_550 : memref<128x128xf32, #tpu.memory_space<vmem>>) target_semaphore(%run_scoped3A : memref<!tpu.dma_semaphore, #tpu.memory_space<semaphore_mem>>)
      %dma_wait3A_553 = arith.constant 0 : i32
      %dma_wait3A_554 = arith.constant 0 : i32
      %dma_wait3A_555 = tpu.memref_slice %arg12[%dma_wait3A_553, %dma_wait3A_554] : memref<256x128xf32, #tpu.memory_space<vmem>> -> memref<128x128xf32, #tpu.memory_space<vmem>>
      %dma_wait3A_556 = arith.constant 0 : i32
      %dma_wait3A_557 = tpu.memref_slice %arg13[%add3A_139, %dma_wait3A_556] : memref<10240x128xf32, #tpu.memory_space<vmem_shared>> -> memref<128x128xf32, #tpu.memory_space<vmem_shared>>
      %dma_wait3A_558 = arith.constant 0 : i32
      %dma_wait3A_559 = arith.constant 0 : i32
      %dma_wait3A_560 = tpu.memref_slice %arg12[%dma_wait3A_558, %dma_wait3A_559] : memref<256x128xf32, #tpu.memory_space<vmem>> -> memref<128x128xf32, #tpu.memory_space<vmem>>
      %dma_wait3A_561 = arith.constant 0 : i32
      %dma_wait3A_562 = tpu.memref_slice %arg13[%add3A_139, %dma_wait3A_561] : memref<10240x128xf32, #tpu.memory_space<vmem_shared>> -> memref<128x128xf32, #tpu.memory_space<vmem_shared>>
      tpu.wait_dma2 semaphore(%run_scoped3A : memref<!tpu.dma_semaphore, #tpu.memory_space<semaphore_mem>>) src(%dma_wait3A_562 : memref<128x128xf32, #tpu.memory_space<vmem_shared>>) dst(%dma_wait3A_560 : memref<128x128xf32, #tpu.memory_space<vmem>>)
      tpu.yield
    }) : () -> ()
    %mul3A_140 = arith.constant 10240 : i32
    %mul3A_141 = arith.muli %arg0, %mul3A_140 : i32
    %add3A_142 = arith.addi %mul3A_141, %mul3A_2 : i32
    %add3A_143 = arith.constant 0 : i32
    %add3A_144 = arith.addi %add3A_142, %add3A_143 : i32
    %dma_start3A_145 = arith.constant 0 : i32
    %dma_start3A_146 = arith.constant 0 : i32
    %dma_start3A_147 = tpu.memref_slice %arg12[%dma_start3A_145, %dma_start3A_146] : memref<256x128xf32, #tpu.memory_space<vmem>> -> memref<128x128xf32, #tpu.memory_space<vmem>>
    %dma_start3A_148 = arith.constant 0 : i32
    %dma_start3A_149 = tpu.memref_slice %arg7[%add3A_144, %dma_start3A_148] : memref<20480x128xf32, #tpu.memory_space<hbm>> -> memref<128x128xf32, #tpu.memory_space<hbm>>
    %dma_start3A_150 = arith.constant 0 : i32
    %dma_start3A_151 = tpu.memref_slice %arg7[%add3A_144, %dma_start3A_150] : memref<20480x128xf32, #tpu.memory_space<hbm>> -> memref<128x128xf32, #tpu.memory_space<hbm>>
    %dma_start3A_152 = arith.constant 0 : i32
    %dma_start3A_153 = arith.constant 0 : i32
    %dma_start3A_154 = tpu.memref_slice %arg12[%dma_start3A_152, %dma_start3A_153] : memref<256x128xf32, #tpu.memory_space<vmem>> -> memref<128x128xf32, #tpu.memory_space<vmem>>
    tpu.enqueue_dma source(%dma_start3A_154 : memref<128x128xf32, #tpu.memory_space<vmem>>) target(%dma_start3A_151 : memref<128x128xf32, #tpu.memory_space<hbm>>) target_semaphore(%arg15 : memref<!tpu.dma_semaphore, #tpu.memory_space<semaphore_mem>>)
    %add3A_155 = arith.constant 128 : i32
    %add3A_156 = arith.addi %mul3A_2, %add3A_155 : i32
    "tpu.region"() ({
      %run_scoped3A = tpu.sem_alloc : memref<!tpu.dma_semaphore, #tpu.memory_space<semaphore_mem>>
      %dma_start3A_543 = arith.constant 128 : i32
      %dma_start3A_544 = arith.constant 0 : i32
      %dma_start3A_545 = tpu.memref_slice %arg12[%dma_start3A_543, %dma_start3A_544] : memref<256x128xf32, #tpu.memory_space<vmem>> -> memref<128x128xf32, #tpu.memory_space<vmem>>
      %dma_start3A_546 = arith.constant 0 : i32
      %dma_start3A_547 = tpu.memref_slice %arg13[%add3A_156, %dma_start3A_546] : memref<10240x128xf32, #tpu.memory_space<vmem_shared>> -> memref<128x128xf32, #tpu.memory_space<vmem_shared>>
      %dma_start3A_548 = arith.constant 128 : i32
      %dma_start3A_549 = arith.constant 0 : i32
      %dma_start3A_550 = tpu.memref_slice %arg12[%dma_start3A_548, %dma_start3A_549] : memref<256x128xf32, #tpu.memory_space<vmem>> -> memref<128x128xf32, #tpu.memory_space<vmem>>
      %dma_start3A_551 = arith.constant 0 : i32
      %dma_start3A_552 = tpu.memref_slice %arg13[%add3A_156, %dma_start3A_551] : memref<10240x128xf32, #tpu.memory_space<vmem_shared>> -> memref<128x128xf32, #tpu.memory_space<vmem_shared>>
      tpu.enqueue_dma source(%dma_start3A_552 : memref<128x128xf32, #tpu.memory_space<vmem_shared>>) target(%dma_start3A_550 : memref<128x128xf32, #tpu.memory_space<vmem>>) target_semaphore(%run_scoped3A : memref<!tpu.dma_semaphore, #tpu.memory_space<semaphore_mem>>)
      %dma_wait3A_553 = arith.constant 128 : i32
      %dma_wait3A_554 = arith.constant 0 : i32
      %dma_wait3A_555 = tpu.memref_slice %arg12[%dma_wait3A_553, %dma_wait3A_554] : memref<256x128xf32, #tpu.memory_space<vmem>> -> memref<128x128xf32, #tpu.memory_space<vmem>>
      %dma_wait3A_556 = arith.constant 0 : i32
      %dma_wait3A_557 = tpu.memref_slice %arg13[%add3A_156, %dma_wait3A_556] : memref<10240x128xf32, #tpu.memory_space<vmem_shared>> -> memref<128x128xf32, #tpu.memory_space<vmem_shared>>
      %dma_wait3A_558 = arith.constant 128 : i32
      %dma_wait3A_559 = arith.constant 0 : i32
      %dma_wait3A_560 = tpu.memref_slice %arg12[%dma_wait3A_558, %dma_wait3A_559] : memref<256x128xf32, #tpu.memory_space<vmem>> -> memref<128x128xf32, #tpu.memory_space<vmem>>
      %dma_wait3A_561 = arith.constant 0 : i32
      %dma_wait3A_562 = tpu.memref_slice %arg13[%add3A_156, %dma_wait3A_561] : memref<10240x128xf32, #tpu.memory_space<vmem_shared>> -> memref<128x128xf32, #tpu.memory_space<vmem_shared>>
      tpu.wait_dma2 semaphore(%run_scoped3A : memref<!tpu.dma_semaphore, #tpu.memory_space<semaphore_mem>>) src(%dma_wait3A_562 : memref<128x128xf32, #tpu.memory_space<vmem_shared>>) dst(%dma_wait3A_560 : memref<128x128xf32, #tpu.memory_space<vmem>>)
      tpu.yield
    }) : () -> ()
    %mul3A_157 = arith.constant 10240 : i32
    %mul3A_158 = arith.muli %arg0, %mul3A_157 : i32
    %add3A_159 = arith.addi %mul3A_158, %mul3A_2 : i32
    %add3A_160 = arith.constant 128 : i32
    %add3A_161 = arith.addi %add3A_159, %add3A_160 : i32
    %dma_start3A_162 = arith.constant 128 : i32
    %dma_start3A_163 = arith.constant 0 : i32
    %dma_start3A_164 = tpu.memref_slice %arg12[%dma_start3A_162, %dma_start3A_163] : memref<256x128xf32, #tpu.memory_space<vmem>> -> memref<128x128xf32, #tpu.memory_space<vmem>>
    %dma_start3A_165 = arith.constant 0 : i32
    %dma_start3A_166 = tpu.memref_slice %arg7[%add3A_161, %dma_start3A_165] : memref<20480x128xf32, #tpu.memory_space<hbm>> -> memref<128x128xf32, #tpu.memory_space<hbm>>
    %dma_start3A_167 = arith.constant 0 : i32
    %dma_start3A_168 = tpu.memref_slice %arg7[%add3A_161, %dma_start3A_167] : memref<20480x128xf32, #tpu.memory_space<hbm>> -> memref<128x128xf32, #tpu.memory_space<hbm>>
    %dma_start3A_169 = arith.constant 128 : i32
    %dma_start3A_170 = arith.constant 0 : i32
    %dma_start3A_171 = tpu.memref_slice %arg12[%dma_start3A_169, %dma_start3A_170] : memref<256x128xf32, #tpu.memory_space<vmem>> -> memref<128x128xf32, #tpu.memory_space<vmem>>
    tpu.enqueue_dma source(%dma_start3A_171 : memref<128x128xf32, #tpu.memory_space<vmem>>) target(%dma_start3A_168 : memref<128x128xf32, #tpu.memory_space<hbm>>) target_semaphore(%arg15 : memref<!tpu.dma_semaphore, #tpu.memory_space<semaphore_mem>>)
    %dma_wait3A_172 = arith.constant 0 : i32
    %dma_wait3A_173 = arith.constant 0 : i32
    %dma_wait3A_174 = tpu.memref_slice %arg12[%dma_wait3A_172, %dma_wait3A_173] : memref<256x128xf32, #tpu.memory_space<vmem>> -> memref<128x128xf32, #tpu.memory_space<vmem>>
    %dma_wait3A_175 = arith.constant 0 : i32
    %dma_wait3A_176 = tpu.memref_slice %arg7[%add3A_144, %dma_wait3A_175] : memref<20480x128xf32, #tpu.memory_space<hbm>> -> memref<128x128xf32, #tpu.memory_space<hbm>>
    %dma_wait3A_177 = arith.constant 0 : i32
    %dma_wait3A_178 = tpu.memref_slice %arg7[%add3A_144, %dma_wait3A_177] : memref<20480x128xf32, #tpu.memory_space<hbm>> -> memref<128x128xf32, #tpu.memory_space<hbm>>
    %dma_wait3A_179 = arith.constant 0 : i32
    %dma_wait3A_180 = arith.constant 0 : i32
    %dma_wait3A_181 = tpu.memref_slice %arg12[%dma_wait3A_179, %dma_wait3A_180] : memref<256x128xf32, #tpu.memory_space<vmem>> -> memref<128x128xf32, #tpu.memory_space<vmem>>
    tpu.wait_dma2 semaphore(%arg15 : memref<!tpu.dma_semaphore, #tpu.memory_space<semaphore_mem>>) src(%dma_wait3A_181 : memref<128x128xf32, #tpu.memory_space<vmem>>) dst(%dma_wait3A_178 : memref<128x128xf32, #tpu.memory_space<hbm>>)
    %add3A_182 = arith.constant 256 : i32
    %add3A_183 = arith.addi %mul3A_2, %add3A_182 : i32
    "tpu.region"() ({
      %run_scoped3A = tpu.sem_alloc : memref<!tpu.dma_semaphore, #tpu.memory_space<semaphore_mem>>
      %dma_start3A_543 = arith.constant 0 : i32
      %dma_start3A_544 = arith.constant 0 : i32
      %dma_start3A_545 = tpu.memref_slice %arg12[%dma_start3A_543, %dma_start3A_544] : memref<256x128xf32, #tpu.memory_space<vmem>> -> memref<128x128xf32, #tpu.memory_space<vmem>>
      %dma_start3A_546 = arith.constant 0 : i32
      %dma_start3A_547 = tpu.memref_slice %arg13[%add3A_183, %dma_start3A_546] : memref<10240x128xf32, #tpu.memory_space<vmem_shared>> -> memref<128x128xf32, #tpu.memory_space<vmem_shared>>
      %dma_start3A_548 = arith.constant 0 : i32
      %dma_start3A_549 = arith.constant 0 : i32
      %dma_start3A_550 = tpu.memref_slice %arg12[%dma_start3A_548, %dma_start3A_549] : memref<256x128xf32, #tpu.memory_space<vmem>> -> memref<128x128xf32, #tpu.memory_space<vmem>>
      %dma_start3A_551 = arith.constant 0 : i32
      %dma_start3A_552 = tpu.memref_slice %arg13[%add3A_183, %dma_start3A_551] : memref<10240x128xf32, #tpu.memory_space<vmem_shared>> -> memref<128x128xf32, #tpu.memory_space<vmem_shared>>
      tpu.enqueue_dma source(%dma_start3A_552 : memref<128x128xf32, #tpu.memory_space<vmem_shared>>) target(%dma_start3A_550 : memref<128x128xf32, #tpu.memory_space<vmem>>) target_semaphore(%run_scoped3A : memref<!tpu.dma_semaphore, #tpu.memory_space<semaphore_mem>>)
      %dma_wait3A_553 = arith.constant 0 : i32
      %dma_wait3A_554 = arith.constant 0 : i32
      %dma_wait3A_555 = tpu.memref_slice %arg12[%dma_wait3A_553, %dma_wait3A_554] : memref<256x128xf32, #tpu.memory_space<vmem>> -> memref<128x128xf32, #tpu.memory_space<vmem>>
      %dma_wait3A_556 = arith.constant 0 : i32
      %dma_wait3A_557 = tpu.memref_slice %arg13[%add3A_183, %dma_wait3A_556] : memref<10240x128xf32, #tpu.memory_space<vmem_shared>> -> memref<128x128xf32, #tpu.memory_space<vmem_shared>>
      %dma_wait3A_558 = arith.constant 0 : i32
      %dma_wait3A_559 = arith.constant 0 : i32
      %dma_wait3A_560 = tpu.memref_slice %arg12[%dma_wait3A_558, %dma_wait3A_559] : memref<256x128xf32, #tpu.memory_space<vmem>> -> memref<128x128xf32, #tpu.memory_space<vmem>>
      %dma_wait3A_561 = arith.constant 0 : i32
      %dma_wait3A_562 = tpu.memref_slice %arg13[%add3A_183, %dma_wait3A_561] : memref<10240x128xf32, #tpu.memory_space<vmem_shared>> -> memref<128x128xf32, #tpu.memory_space<vmem_shared>>
      tpu.wait_dma2 semaphore(%run_scoped3A : memref<!tpu.dma_semaphore, #tpu.memory_space<semaphore_mem>>) src(%dma_wait3A_562 : memref<128x128xf32, #tpu.memory_space<vmem_shared>>) dst(%dma_wait3A_560 : memref<128x128xf32, #tpu.memory_space<vmem>>)
      tpu.yield
    }) : () -> ()
    %mul3A_184 = arith.constant 10240 : i32
    %mul3A_185 = arith.muli %arg0, %mul3A_184 : i32
    %add3A_186 = arith.addi %mul3A_185, %mul3A_2 : i32
    %add3A_187 = arith.constant 256 : i32
    %add3A_188 = arith.addi %add3A_186, %add3A_187 : i32
    %dma_start3A_189 = arith.constant 0 : i32
    %dma_start3A_190 = arith.constant 0 : i32
    %dma_start3A_191 = tpu.memref_slice %arg12[%dma_start3A_189, %dma_start3A_190] : memref<256x128xf32, #tpu.memory_space<vmem>> -> memref<128x128xf32, #tpu.memory_space<vmem>>
    %dma_start3A_192 = arith.constant 0 : i32
    %dma_start3A_193 = tpu.memref_slice %arg7[%add3A_188, %dma_start3A_192] : memref<20480x128xf32, #tpu.memory_space<hbm>> -> memref<128x128xf32, #tpu.memory_space<hbm>>
    %dma_start3A_194 = arith.constant 0 : i32
    %dma_start3A_195 = tpu.memref_slice %arg7[%add3A_188, %dma_start3A_194] : memref<20480x128xf32, #tpu.memory_space<hbm>> -> memref<128x128xf32, #tpu.memory_space<hbm>>
    %dma_start3A_196 = arith.constant 0 : i32
    %dma_start3A_197 = arith.constant 0 : i32
    %dma_start3A_198 = tpu.memref_slice %arg12[%dma_start3A_196, %dma_start3A_197] : memref<256x128xf32, #tpu.memory_space<vmem>> -> memref<128x128xf32, #tpu.memory_space<vmem>>
    tpu.enqueue_dma source(%dma_start3A_198 : memref<128x128xf32, #tpu.memory_space<vmem>>) target(%dma_start3A_195 : memref<128x128xf32, #tpu.memory_space<hbm>>) target_semaphore(%arg15 : memref<!tpu.dma_semaphore, #tpu.memory_space<semaphore_mem>>)
    %dma_wait3A_199 = arith.constant 128 : i32
    %dma_wait3A_200 = arith.constant 0 : i32
    %dma_wait3A_201 = tpu.memref_slice %arg12[%dma_wait3A_199, %dma_wait3A_200] : memref<256x128xf32, #tpu.memory_space<vmem>> -> memref<128x128xf32, #tpu.memory_space<vmem>>
    %dma_wait3A_202 = arith.constant 0 : i32
    %dma_wait3A_203 = tpu.memref_slice %arg7[%add3A_161, %dma_wait3A_202] : memref<20480x128xf32, #tpu.memory_space<hbm>> -> memref<128x128xf32, #tpu.memory_space<hbm>>
    %dma_wait3A_204 = arith.constant 0 : i32
    %dma_wait3A_205 = tpu.memref_slice %arg7[%add3A_161, %dma_wait3A_204] : memref<20480x128xf32, #tpu.memory_space<hbm>> -> memref<128x128xf32, #tpu.memory_space<hbm>>
    %dma_wait3A_206 = arith.constant 128 : i32
    %dma_wait3A_207 = arith.constant 0 : i32
    %dma_wait3A_208 = tpu.memref_slice %arg12[%dma_wait3A_206, %dma_wait3A_207] : memref<256x128xf32, #tpu.memory_space<vmem>> -> memref<128x128xf32, #tpu.memory_space<vmem>>
    tpu.wait_dma2 semaphore(%arg15 : memref<!tpu.dma_semaphore, #tpu.memory_space<semaphore_mem>>) src(%dma_wait3A_208 : memref<128x128xf32, #tpu.memory_space<vmem>>) dst(%dma_wait3A_205 : memref<128x128xf32, #tpu.memory_space<hbm>>)
    %add3A_209 = arith.constant 384 : i32
    %add3A_210 = arith.addi %mul3A_2, %add3A_209 : i32
    "tpu.region"() ({
      %run_scoped3A = tpu.sem_alloc : memref<!tpu.dma_semaphore, #tpu.memory_space<semaphore_mem>>
      %dma_start3A_543 = arith.constant 128 : i32
      %dma_start3A_544 = arith.constant 0 : i32
      %dma_start3A_545 = tpu.memref_slice %arg12[%dma_start3A_543, %dma_start3A_544] : memref<256x128xf32, #tpu.memory_space<vmem>> -> memref<128x128xf32, #tpu.memory_space<vmem>>
      %dma_start3A_546 = arith.constant 0 : i32
      %dma_start3A_547 = tpu.memref_slice %arg13[%add3A_210, %dma_start3A_546] : memref<10240x128xf32, #tpu.memory_space<vmem_shared>> -> memref<128x128xf32, #tpu.memory_space<vmem_shared>>
      %dma_start3A_548 = arith.constant 128 : i32
      %dma_start3A_549 = arith.constant 0 : i32
      %dma_start3A_550 = tpu.memref_slice %arg12[%dma_start3A_548, %dma_start3A_549] : memref<256x128xf32, #tpu.memory_space<vmem>> -> memref<128x128xf32, #tpu.memory_space<vmem>>
      %dma_start3A_551 = arith.constant 0 : i32
      %dma_start3A_552 = tpu.memref_slice %arg13[%add3A_210, %dma_start3A_551] : memref<10240x128xf32, #tpu.memory_space<vmem_shared>> -> memref<128x128xf32, #tpu.memory_space<vmem_shared>>
      tpu.enqueue_dma source(%dma_start3A_552 : memref<128x128xf32, #tpu.memory_space<vmem_shared>>) target(%dma_start3A_550 : memref<128x128xf32, #tpu.memory_space<vmem>>) target_semaphore(%run_scoped3A : memref<!tpu.dma_semaphore, #tpu.memory_space<semaphore_mem>>)
      %dma_wait3A_553 = arith.constant 128 : i32
      %dma_wait3A_554 = arith.constant 0 : i32
      %dma_wait3A_555 = tpu.memref_slice %arg12[%dma_wait3A_553, %dma_wait3A_554] : memref<256x128xf32, #tpu.memory_space<vmem>> -> memref<128x128xf32, #tpu.memory_space<vmem>>
      %dma_wait3A_556 = arith.constant 0 : i32
      %dma_wait3A_557 = tpu.memref_slice %arg13[%add3A_210, %dma_wait3A_556] : memref<10240x128xf32, #tpu.memory_space<vmem_shared>> -> memref<128x128xf32, #tpu.memory_space<vmem_shared>>
      %dma_wait3A_558 = arith.constant 128 : i32
      %dma_wait3A_559 = arith.constant 0 : i32
      %dma_wait3A_560 = tpu.memref_slice %arg12[%dma_wait3A_558, %dma_wait3A_559] : memref<256x128xf32, #tpu.memory_space<vmem>> -> memref<128x128xf32, #tpu.memory_space<vmem>>
      %dma_wait3A_561 = arith.constant 0 : i32
      %dma_wait3A_562 = tpu.memref_slice %arg13[%add3A_210, %dma_wait3A_561] : memref<10240x128xf32, #tpu.memory_space<vmem_shared>> -> memref<128x128xf32, #tpu.memory_space<vmem_shared>>
      tpu.wait_dma2 semaphore(%run_scoped3A : memref<!tpu.dma_semaphore, #tpu.memory_space<semaphore_mem>>) src(%dma_wait3A_562 : memref<128x128xf32, #tpu.memory_space<vmem_shared>>) dst(%dma_wait3A_560 : memref<128x128xf32, #tpu.memory_space<vmem>>)
      tpu.yield
    }) : () -> ()
    %mul3A_211 = arith.constant 10240 : i32
    %mul3A_212 = arith.muli %arg0, %mul3A_211 : i32
    %add3A_213 = arith.addi %mul3A_212, %mul3A_2 : i32
    %add3A_214 = arith.constant 384 : i32
    %add3A_215 = arith.addi %add3A_213, %add3A_214 : i32
    %dma_start3A_216 = arith.constant 128 : i32
    %dma_start3A_217 = arith.constant 0 : i32
    %dma_start3A_218 = tpu.memref_slice %arg12[%dma_start3A_216, %dma_start3A_217] : memref<256x128xf32, #tpu.memory_space<vmem>> -> memref<128x128xf32, #tpu.memory_space<vmem>>
    %dma_start3A_219 = arith.constant 0 : i32
    %dma_start3A_220 = tpu.memref_slice %arg7[%add3A_215, %dma_start3A_219] : memref<20480x128xf32, #tpu.memory_space<hbm>> -> memref<128x128xf32, #tpu.memory_space<hbm>>
    %dma_start3A_221 = arith.constant 0 : i32
    %dma_start3A_222 = tpu.memref_slice %arg7[%add3A_215, %dma_start3A_221] : memref<20480x128xf32, #tpu.memory_space<hbm>> -> memref<128x128xf32, #tpu.memory_space<hbm>>
    %dma_start3A_223 = arith.constant 128 : i32
    %dma_start3A_224 = arith.constant 0 : i32
    %dma_start3A_225 = tpu.memref_slice %arg12[%dma_start3A_223, %dma_start3A_224] : memref<256x128xf32, #tpu.memory_space<vmem>> -> memref<128x128xf32, #tpu.memory_space<vmem>>
    tpu.enqueue_dma source(%dma_start3A_225 : memref<128x128xf32, #tpu.memory_space<vmem>>) target(%dma_start3A_222 : memref<128x128xf32, #tpu.memory_space<hbm>>) target_semaphore(%arg15 : memref<!tpu.dma_semaphore, #tpu.memory_space<semaphore_mem>>)
    %dma_wait3A_226 = arith.constant 0 : i32
    %dma_wait3A_227 = arith.constant 0 : i32
    %dma_wait3A_228 = tpu.memref_slice %arg12[%dma_wait3A_226, %dma_wait3A_227] : memref<256x128xf32, #tpu.memory_space<vmem>> -> memref<128x128xf32, #tpu.memory_space<vmem>>
    %dma_wait3A_229 = arith.constant 0 : i32
    %dma_wait3A_230 = tpu.memref_slice %arg7[%add3A_188, %dma_wait3A_229] : memref<20480x128xf32, #tpu.memory_space<hbm>> -> memref<128x128xf32, #tpu.memory_space<hbm>>
    %dma_wait3A_231 = arith.constant 0 : i32
    %dma_wait3A_232 = tpu.memref_slice %arg7[%add3A_188, %dma_wait3A_231] : memref<20480x128xf32, #tpu.memory_space<hbm>> -> memref<128x128xf32, #tpu.memory_space<hbm>>
    %dma_wait3A_233 = arith.constant 0 : i32
    %dma_wait3A_234 = arith.constant 0 : i32
    %dma_wait3A_235 = tpu.memref_slice %arg12[%dma_wait3A_233, %dma_wait3A_234] : memref<256x128xf32, #tpu.memory_space<vmem>> -> memref<128x128xf32, #tpu.memory_space<vmem>>
    tpu.wait_dma2 semaphore(%arg15 : memref<!tpu.dma_semaphore, #tpu.memory_space<semaphore_mem>>) src(%dma_wait3A_235 : memref<128x128xf32, #tpu.memory_space<vmem>>) dst(%dma_wait3A_232 : memref<128x128xf32, #tpu.memory_space<hbm>>)
    %add3A_236 = arith.constant 512 : i32
    %add3A_237 = arith.addi %mul3A_2, %add3A_236 : i32
    "tpu.region"() ({
      %run_scoped3A = tpu.sem_alloc : memref<!tpu.dma_semaphore, #tpu.memory_space<semaphore_mem>>
      %dma_start3A_543 = arith.constant 0 : i32
      %dma_start3A_544 = arith.constant 0 : i32
      %dma_start3A_545 = tpu.memref_slice %arg12[%dma_start3A_543, %dma_start3A_544] : memref<256x128xf32, #tpu.memory_space<vmem>> -> memref<128x128xf32, #tpu.memory_space<vmem>>
      %dma_start3A_546 = arith.constant 0 : i32
      %dma_start3A_547 = tpu.memref_slice %arg13[%add3A_237, %dma_start3A_546] : memref<10240x128xf32, #tpu.memory_space<vmem_shared>> -> memref<128x128xf32, #tpu.memory_space<vmem_shared>>
      %dma_start3A_548 = arith.constant 0 : i32
      %dma_start3A_549 = arith.constant 0 : i32
      %dma_start3A_550 = tpu.memref_slice %arg12[%dma_start3A_548, %dma_start3A_549] : memref<256x128xf32, #tpu.memory_space<vmem>> -> memref<128x128xf32, #tpu.memory_space<vmem>>
      %dma_start3A_551 = arith.constant 0 : i32
      %dma_start3A_552 = tpu.memref_slice %arg13[%add3A_237, %dma_start3A_551] : memref<10240x128xf32, #tpu.memory_space<vmem_shared>> -> memref<128x128xf32, #tpu.memory_space<vmem_shared>>
      tpu.enqueue_dma source(%dma_start3A_552 : memref<128x128xf32, #tpu.memory_space<vmem_shared>>) target(%dma_start3A_550 : memref<128x128xf32, #tpu.memory_space<vmem>>) target_semaphore(%run_scoped3A : memref<!tpu.dma_semaphore, #tpu.memory_space<semaphore_mem>>)
      %dma_wait3A_553 = arith.constant 0 : i32
      %dma_wait3A_554 = arith.constant 0 : i32
      %dma_wait3A_555 = tpu.memref_slice %arg12[%dma_wait3A_553, %dma_wait3A_554] : memref<256x128xf32, #tpu.memory_space<vmem>> -> memref<128x128xf32, #tpu.memory_space<vmem>>
      %dma_wait3A_556 = arith.constant 0 : i32
      %dma_wait3A_557 = tpu.memref_slice %arg13[%add3A_237, %dma_wait3A_556] : memref<10240x128xf32, #tpu.memory_space<vmem_shared>> -> memref<128x128xf32, #tpu.memory_space<vmem_shared>>
      %dma_wait3A_558 = arith.constant 0 : i32
      %dma_wait3A_559 = arith.constant 0 : i32
      %dma_wait3A_560 = tpu.memref_slice %arg12[%dma_wait3A_558, %dma_wait3A_559] : memref<256x128xf32, #tpu.memory_space<vmem>> -> memref<128x128xf32, #tpu.memory_space<vmem>>
      %dma_wait3A_561 = arith.constant 0 : i32
      %dma_wait3A_562 = tpu.memref_slice %arg13[%add3A_237, %dma_wait3A_561] : memref<10240x128xf32, #tpu.memory_space<vmem_shared>> -> memref<128x128xf32, #tpu.memory_space<vmem_shared>>
      tpu.wait_dma2 semaphore(%run_scoped3A : memref<!tpu.dma_semaphore, #tpu.memory_space<semaphore_mem>>) src(%dma_wait3A_562 : memref<128x128xf32, #tpu.memory_space<vmem_shared>>) dst(%dma_wait3A_560 : memref<128x128xf32, #tpu.memory_space<vmem>>)
      tpu.yield
    }) : () -> ()
    %mul3A_238 = arith.constant 10240 : i32
    %mul3A_239 = arith.muli %arg0, %mul3A_238 : i32
    %add3A_240 = arith.addi %mul3A_239, %mul3A_2 : i32
    %add3A_241 = arith.constant 512 : i32
    %add3A_242 = arith.addi %add3A_240, %add3A_241 : i32
    %dma_start3A_243 = arith.constant 0 : i32
    %dma_start3A_244 = arith.constant 0 : i32
    %dma_start3A_245 = tpu.memref_slice %arg12[%dma_start3A_243, %dma_start3A_244] : memref<256x128xf32, #tpu.memory_space<vmem>> -> memref<128x128xf32, #tpu.memory_space<vmem>>
    %dma_start3A_246 = arith.constant 0 : i32
    %dma_start3A_247 = tpu.memref_slice %arg7[%add3A_242, %dma_start3A_246] : memref<20480x128xf32, #tpu.memory_space<hbm>> -> memref<128x128xf32, #tpu.memory_space<hbm>>
    %dma_start3A_248 = arith.constant 0 : i32
    %dma_start3A_249 = tpu.memref_slice %arg7[%add3A_242, %dma_start3A_248] : memref<20480x128xf32, #tpu.memory_space<hbm>> -> memref<128x128xf32, #tpu.memory_space<hbm>>
    %dma_start3A_250 = arith.constant 0 : i32
    %dma_start3A_251 = arith.constant 0 : i32
    %dma_start3A_252 = tpu.memref_slice %arg12[%dma_start3A_250, %dma_start3A_251] : memref<256x128xf32, #tpu.memory_space<vmem>> -> memref<128x128xf32, #tpu.memory_space<vmem>>
    tpu.enqueue_dma source(%dma_start3A_252 : memref<128x128xf32, #tpu.memory_space<vmem>>) target(%dma_start3A_249 : memref<128x128xf32, #tpu.memory_space<hbm>>) target_semaphore(%arg15 : memref<!tpu.dma_semaphore, #tpu.memory_space<semaphore_mem>>)
    %dma_wait3A_253 = arith.constant 128 : i32
    %dma_wait3A_254 = arith.constant 0 : i32
    %dma_wait3A_255 = tpu.memref_slice %arg12[%dma_wait3A_253, %dma_wait3A_254] : memref<256x128xf32, #tpu.memory_space<vmem>> -> memref<128x128xf32, #tpu.memory_space<vmem>>
    %dma_wait3A_256 = arith.constant 0 : i32
    %dma_wait3A_257 = tpu.memref_slice %arg7[%add3A_215, %dma_wait3A_256] : memref<20480x128xf32, #tpu.memory_space<hbm>> -> memref<128x128xf32, #tpu.memory_space<hbm>>
    %dma_wait3A_258 = arith.constant 0 : i32
    %dma_wait3A_259 = tpu.memref_slice %arg7[%add3A_215, %dma_wait3A_258] : memref<20480x128xf32, #tpu.memory_space<hbm>> -> memref<128x128xf32, #tpu.memory_space<hbm>>
    %dma_wait3A_260 = arith.constant 128 : i32
    %dma_wait3A_261 = arith.constant 0 : i32
    %dma_wait3A_262 = tpu.memref_slice %arg12[%dma_wait3A_260, %dma_wait3A_261] : memref<256x128xf32, #tpu.memory_space<vmem>> -> memref<128x128xf32, #tpu.memory_space<vmem>>
    tpu.wait_dma2 semaphore(%arg15 : memref<!tpu.dma_semaphore, #tpu.memory_space<semaphore_mem>>) src(%dma_wait3A_262 : memref<128x128xf32, #tpu.memory_space<vmem>>) dst(%dma_wait3A_259 : memref<128x128xf32, #tpu.memory_space<hbm>>)
    %dma_wait3A_263 = arith.constant 0 : i32
    %dma_wait3A_264 = arith.constant 0 : i32
    %dma_wait3A_265 = tpu.memref_slice %arg12[%dma_wait3A_263, %dma_wait3A_264] : memref<256x128xf32, #tpu.memory_space<vmem>> -> memref<128x128xf32, #tpu.memory_space<vmem>>
    %dma_wait3A_266 = arith.constant 0 : i32
    %dma_wait3A_267 = tpu.memref_slice %arg7[%add3A_242, %dma_wait3A_266] : memref<20480x128xf32, #tpu.memory_space<hbm>> -> memref<128x128xf32, #tpu.memory_space<hbm>>
    %dma_wait3A_268 = arith.constant 0 : i32
    %dma_wait3A_269 = tpu.memref_slice %arg7[%add3A_242, %dma_wait3A_268] : memref<20480x128xf32, #tpu.memory_space<hbm>> -> memref<128x128xf32, #tpu.memory_space<hbm>>
    %dma_wait3A_270 = arith.constant 0 : i32
    %dma_wait3A_271 = arith.constant 0 : i32
    %dma_wait3A_272 = tpu.memref_slice %arg12[%dma_wait3A_270, %dma_wait3A_271] : memref<256x128xf32, #tpu.memory_space<vmem>> -> memref<128x128xf32, #tpu.memory_space<vmem>>
    tpu.wait_dma2 semaphore(%arg15 : memref<!tpu.dma_semaphore, #tpu.memory_space<semaphore_mem>>) src(%dma_wait3A_272 : memref<128x128xf32, #tpu.memory_space<vmem>>) dst(%dma_wait3A_269 : memref<128x128xf32, #tpu.memory_space<hbm>>)
    %barrier3A_273 = arith.constant 0 : index
    tpu.barrier barrier_id(%barrier3A_273)
    %dma_start3A_274 = arith.constant 0 : i32
    %dma_start3A_275 = arith.constant 0 : i32
    %dma_start3A_276 = tpu.memref_slice %arg12[%dma_start3A_274, %dma_start3A_275] : memref<256x128xf32, #tpu.memory_space<vmem>> -> memref<128x128xf32, #tpu.memory_space<vmem>>
    %dma_start3A_277 = arith.constant 0 : i32
    %dma_start3A_278 = arith.constant 0 : i32
    %dma_start3A_279 = tpu.memref_slice %arg4[%dma_start3A_277, %dma_start3A_278] : memref<10240x128xf32, #tpu.memory_space<hbm>> -> memref<10240x128xf32, #tpu.memory_space<hbm>>
    tpu.enqueue_indirect_dma source(%dma_start3A_279 : memref<10240x128xf32, #tpu.memory_space<hbm>>) target(%dma_start3A_276 : memref<128x128xf32, #tpu.memory_space<vmem>>) offsets(%arg11 : memref<128xi32, #tpu.memory_space<vmem>>) semaphore(%arg14 : memref<!tpu.dma_semaphore, #tpu.memory_space<semaphore_mem>>)
    %dma_wait3A_280 = arith.constant 0 : i32
    %dma_wait3A_281 = arith.constant 0 : i32
    %dma_wait3A_282 = tpu.memref_slice %arg12[%dma_wait3A_280, %dma_wait3A_281] : memref<256x128xf32, #tpu.memory_space<vmem>> -> memref<128x128xf32, #tpu.memory_space<vmem>>
    %dma_wait3A_283 = arith.constant 0 : i32
    %dma_wait3A_284 = arith.constant 0 : i32
    %dma_wait3A_285 = tpu.memref_slice %arg4[%dma_wait3A_283, %dma_wait3A_284] : memref<10240x128xf32, #tpu.memory_space<hbm>> -> memref<10240x128xf32, #tpu.memory_space<hbm>>
    tpu.wait_indirect_dma semaphore(%arg14 : memref<!tpu.dma_semaphore, #tpu.memory_space<semaphore_mem>>) src(%dma_wait3A_285 : memref<10240x128xf32, #tpu.memory_space<hbm>>) dst(%dma_wait3A_282 : memref<128x128xf32, #tpu.memory_space<vmem>>)
    %add3A_286 = arith.constant 0 : i32
    %add3A_287 = arith.addi %mul3A_2, %add3A_286 : i32
    %dma_start3A_288 = arith.constant 0 : i32
    %dma_start3A_289 = arith.constant 0 : i32
    %dma_start3A_290 = tpu.memref_slice %arg12[%dma_start3A_288, %dma_start3A_289] : memref<256x128xf32, #tpu.memory_space<vmem>> -> memref<128x128xf32, #tpu.memory_space<vmem>>
    %dma_start3A_291 = arith.constant 0 : i32
    %dma_start3A_292 = tpu.memref_slice %arg13[%add3A_287, %dma_start3A_291] : memref<10240x128xf32, #tpu.memory_space<vmem_shared>> -> memref<128x128xf32, #tpu.memory_space<vmem_shared>>
    %dma_start3A_293 = arith.constant 0 : i32
    %dma_start3A_294 = tpu.memref_slice %arg13[%add3A_287, %dma_start3A_293] : memref<10240x128xf32, #tpu.memory_space<vmem_shared>> -> memref<128x128xf32, #tpu.memory_space<vmem_shared>>
    %dma_start3A_295 = arith.constant 0 : i32
    %dma_start3A_296 = arith.constant 0 : i32
    %dma_start3A_297 = tpu.memref_slice %arg12[%dma_start3A_295, %dma_start3A_296] : memref<256x128xf32, #tpu.memory_space<vmem>> -> memref<128x128xf32, #tpu.memory_space<vmem>>
    tpu.enqueue_dma source(%dma_start3A_297 : memref<128x128xf32, #tpu.memory_space<vmem>>) target(%dma_start3A_294 : memref<128x128xf32, #tpu.memory_space<vmem_shared>>) target_semaphore(%arg15 : memref<!tpu.dma_semaphore, #tpu.memory_space<semaphore_mem>>)
    %add3A_298 = arith.constant 128 : i32
    %add3A_299 = arith.addi %mul3A_2, %add3A_298 : i32
    %dma_start3A_300 = arith.constant 0 : i32
    %dma_start3A_301 = arith.constant 0 : i32
    %dma_start3A_302 = tpu.memref_slice %arg12[%dma_start3A_300, %dma_start3A_301] : memref<256x128xf32, #tpu.memory_space<vmem>> -> memref<128x128xf32, #tpu.memory_space<vmem>>
    %dma_start3A_303 = arith.constant 0 : i32
    %dma_start3A_304 = tpu.memref_slice %arg13[%add3A_299, %dma_start3A_303] : memref<10240x128xf32, #tpu.memory_space<vmem_shared>> -> memref<128x128xf32, #tpu.memory_space<vmem_shared>>
    %dma_start3A_305 = arith.constant 0 : i32
    %dma_start3A_306 = tpu.memref_slice %arg13[%add3A_299, %dma_start3A_305] : memref<10240x128xf32, #tpu.memory_space<vmem_shared>> -> memref<128x128xf32, #tpu.memory_space<vmem_shared>>
    %dma_start3A_307 = arith.constant 0 : i32
    %dma_start3A_308 = arith.constant 0 : i32
    %dma_start3A_309 = tpu.memref_slice %arg12[%dma_start3A_307, %dma_start3A_308] : memref<256x128xf32, #tpu.memory_space<vmem>> -> memref<128x128xf32, #tpu.memory_space<vmem>>
    tpu.enqueue_dma source(%dma_start3A_309 : memref<128x128xf32, #tpu.memory_space<vmem>>) target(%dma_start3A_306 : memref<128x128xf32, #tpu.memory_space<vmem_shared>>) target_semaphore(%arg15 : memref<!tpu.dma_semaphore, #tpu.memory_space<semaphore_mem>>)
    %add3A_310 = arith.constant 256 : i32
    %add3A_311 = arith.addi %mul3A_2, %add3A_310 : i32
    %dma_start3A_312 = arith.constant 0 : i32
    %dma_start3A_313 = arith.constant 0 : i32
    %dma_start3A_314 = tpu.memref_slice %arg12[%dma_start3A_312, %dma_start3A_313] : memref<256x128xf32, #tpu.memory_space<vmem>> -> memref<128x128xf32, #tpu.memory_space<vmem>>
    %dma_start3A_315 = arith.constant 0 : i32
    %dma_start3A_316 = tpu.memref_slice %arg13[%add3A_311, %dma_start3A_315] : memref<10240x128xf32, #tpu.memory_space<vmem_shared>> -> memref<128x128xf32, #tpu.memory_space<vmem_shared>>
    %dma_start3A_317 = arith.constant 0 : i32
    %dma_start3A_318 = tpu.memref_slice %arg13[%add3A_311, %dma_start3A_317] : memref<10240x128xf32, #tpu.memory_space<vmem_shared>> -> memref<128x128xf32, #tpu.memory_space<vmem_shared>>
    %dma_start3A_319 = arith.constant 0 : i32
    %dma_start3A_320 = arith.constant 0 : i32
    %dma_start3A_321 = tpu.memref_slice %arg12[%dma_start3A_319, %dma_start3A_320] : memref<256x128xf32, #tpu.memory_space<vmem>> -> memref<128x128xf32, #tpu.memory_space<vmem>>
    tpu.enqueue_dma source(%dma_start3A_321 : memref<128x128xf32, #tpu.memory_space<vmem>>) target(%dma_start3A_318 : memref<128x128xf32, #tpu.memory_space<vmem_shared>>) target_semaphore(%arg15 : memref<!tpu.dma_semaphore, #tpu.memory_space<semaphore_mem>>)
    %add3A_322 = arith.constant 384 : i32
    %add3A_323 = arith.addi %mul3A_2, %add3A_322 : i32
    %dma_start3A_324 = arith.constant 0 : i32
    %dma_start3A_325 = arith.constant 0 : i32
    %dma_start3A_326 = tpu.memref_slice %arg12[%dma_start3A_324, %dma_start3A_325] : memref<256x128xf32, #tpu.memory_space<vmem>> -> memref<128x128xf32, #tpu.memory_space<vmem>>
    %dma_start3A_327 = arith.constant 0 : i32
    %dma_start3A_328 = tpu.memref_slice %arg13[%add3A_323, %dma_start3A_327] : memref<10240x128xf32, #tpu.memory_space<vmem_shared>> -> memref<128x128xf32, #tpu.memory_space<vmem_shared>>
    %dma_start3A_329 = arith.constant 0 : i32
    %dma_start3A_330 = tpu.memref_slice %arg13[%add3A_323, %dma_start3A_329] : memref<10240x128xf32, #tpu.memory_space<vmem_shared>> -> memref<128x128xf32, #tpu.memory_space<vmem_shared>>
    %dma_start3A_331 = arith.constant 0 : i32
    %dma_start3A_332 = arith.constant 0 : i32
    %dma_start3A_333 = tpu.memref_slice %arg12[%dma_start3A_331, %dma_start3A_332] : memref<256x128xf32, #tpu.memory_space<vmem>> -> memref<128x128xf32, #tpu.memory_space<vmem>>
    tpu.enqueue_dma source(%dma_start3A_333 : memref<128x128xf32, #tpu.memory_space<vmem>>) target(%dma_start3A_330 : memref<128x128xf32, #tpu.memory_space<vmem_shared>>) target_semaphore(%arg15 : memref<!tpu.dma_semaphore, #tpu.memory_space<semaphore_mem>>)
    %add3A_334 = arith.constant 512 : i32
    %add3A_335 = arith.addi %mul3A_2, %add3A_334 : i32
    %dma_start3A_336 = arith.constant 0 : i32
    %dma_start3A_337 = arith.constant 0 : i32
    %dma_start3A_338 = tpu.memref_slice %arg12[%dma_start3A_336, %dma_start3A_337] : memref<256x128xf32, #tpu.memory_space<vmem>> -> memref<128x128xf32, #tpu.memory_space<vmem>>
    %dma_start3A_339 = arith.constant 0 : i32
    %dma_start3A_340 = tpu.memref_slice %arg13[%add3A_335, %dma_start3A_339] : memref<10240x128xf32, #tpu.memory_space<vmem_shared>> -> memref<128x128xf32, #tpu.memory_space<vmem_shared>>
    %dma_start3A_341 = arith.constant 0 : i32
    %dma_start3A_342 = tpu.memref_slice %arg13[%add3A_335, %dma_start3A_341] : memref<10240x128xf32, #tpu.memory_space<vmem_shared>> -> memref<128x128xf32, #tpu.memory_space<vmem_shared>>
    %dma_start3A_343 = arith.constant 0 : i32
    %dma_start3A_344 = arith.constant 0 : i32
    %dma_start3A_345 = tpu.memref_slice %arg12[%dma_start3A_343, %dma_start3A_344] : memref<256x128xf32, #tpu.memory_space<vmem>> -> memref<128x128xf32, #tpu.memory_space<vmem>>
    tpu.enqueue_dma source(%dma_start3A_345 : memref<128x128xf32, #tpu.memory_space<vmem>>) target(%dma_start3A_342 : memref<128x128xf32, #tpu.memory_space<vmem_shared>>) target_semaphore(%arg15 : memref<!tpu.dma_semaphore, #tpu.memory_space<semaphore_mem>>)
    %dma_wait3A_346 = arith.constant 0 : i32
    %dma_wait3A_347 = arith.constant 0 : i32
    %dma_wait3A_348 = tpu.memref_slice %arg12[%dma_wait3A_346, %dma_wait3A_347] : memref<256x128xf32, #tpu.memory_space<vmem>> -> memref<128x128xf32, #tpu.memory_space<vmem>>
    %dma_wait3A_349 = arith.constant 0 : i32
    %dma_wait3A_350 = tpu.memref_slice %arg13[%add3A_287, %dma_wait3A_349] : memref<10240x128xf32, #tpu.memory_space<vmem_shared>> -> memref<128x128xf32, #tpu.memory_space<vmem_shared>>
    %dma_wait3A_351 = arith.constant 0 : i32
    %dma_wait3A_352 = tpu.memref_slice %arg13[%add3A_287, %dma_wait3A_351] : memref<10240x128xf32, #tpu.memory_space<vmem_shared>> -> memref<128x128xf32, #tpu.memory_space<vmem_shared>>
    %dma_wait3A_353 = arith.constant 0 : i32
    %dma_wait3A_354 = arith.constant 0 : i32
    %dma_wait3A_355 = tpu.memref_slice %arg12[%dma_wait3A_353, %dma_wait3A_354] : memref<256x128xf32, #tpu.memory_space<vmem>> -> memref<128x128xf32, #tpu.memory_space<vmem>>
    tpu.wait_dma2 semaphore(%arg15 : memref<!tpu.dma_semaphore, #tpu.memory_space<semaphore_mem>>) src(%dma_wait3A_355 : memref<128x128xf32, #tpu.memory_space<vmem>>) dst(%dma_wait3A_352 : memref<128x128xf32, #tpu.memory_space<vmem_shared>>)
    %dma_wait3A_356 = arith.constant 0 : i32
    %dma_wait3A_357 = arith.constant 0 : i32
    %dma_wait3A_358 = tpu.memref_slice %arg12[%dma_wait3A_356, %dma_wait3A_357] : memref<256x128xf32, #tpu.memory_space<vmem>> -> memref<128x128xf32, #tpu.memory_space<vmem>>
    %dma_wait3A_359 = arith.constant 0 : i32
    %dma_wait3A_360 = tpu.memref_slice %arg13[%add3A_299, %dma_wait3A_359] : memref<10240x128xf32, #tpu.memory_space<vmem_shared>> -> memref<128x128xf32, #tpu.memory_space<vmem_shared>>
    %dma_wait3A_361 = arith.constant 0 : i32
    %dma_wait3A_362 = tpu.memref_slice %arg13[%add3A_299, %dma_wait3A_361] : memref<10240x128xf32, #tpu.memory_space<vmem_shared>> -> memref<128x128xf32, #tpu.memory_space<vmem_shared>>
    %dma_wait3A_363 = arith.constant 0 : i32
    %dma_wait3A_364 = arith.constant 0 : i32
    %dma_wait3A_365 = tpu.memref_slice %arg12[%dma_wait3A_363, %dma_wait3A_364] : memref<256x128xf32, #tpu.memory_space<vmem>> -> memref<128x128xf32, #tpu.memory_space<vmem>>
    tpu.wait_dma2 semaphore(%arg15 : memref<!tpu.dma_semaphore, #tpu.memory_space<semaphore_mem>>) src(%dma_wait3A_365 : memref<128x128xf32, #tpu.memory_space<vmem>>) dst(%dma_wait3A_362 : memref<128x128xf32, #tpu.memory_space<vmem_shared>>)
    %dma_wait3A_366 = arith.constant 0 : i32
    %dma_wait3A_367 = arith.constant 0 : i32
    %dma_wait3A_368 = tpu.memref_slice %arg12[%dma_wait3A_366, %dma_wait3A_367] : memref<256x128xf32, #tpu.memory_space<vmem>> -> memref<128x128xf32, #tpu.memory_space<vmem>>
    %dma_wait3A_369 = arith.constant 0 : i32
    %dma_wait3A_370 = tpu.memref_slice %arg13[%add3A_311, %dma_wait3A_369] : memref<10240x128xf32, #tpu.memory_space<vmem_shared>> -> memref<128x128xf32, #tpu.memory_space<vmem_shared>>
    %dma_wait3A_371 = arith.constant 0 : i32
    %dma_wait3A_372 = tpu.memref_slice %arg13[%add3A_311, %dma_wait3A_371] : memref<10240x128xf32, #tpu.memory_space<vmem_shared>> -> memref<128x128xf32, #tpu.memory_space<vmem_shared>>
    %dma_wait3A_373 = arith.constant 0 : i32
    %dma_wait3A_374 = arith.constant 0 : i32
    %dma_wait3A_375 = tpu.memref_slice %arg12[%dma_wait3A_373, %dma_wait3A_374] : memref<256x128xf32, #tpu.memory_space<vmem>> -> memref<128x128xf32, #tpu.memory_space<vmem>>
    tpu.wait_dma2 semaphore(%arg15 : memref<!tpu.dma_semaphore, #tpu.memory_space<semaphore_mem>>) src(%dma_wait3A_375 : memref<128x128xf32, #tpu.memory_space<vmem>>) dst(%dma_wait3A_372 : memref<128x128xf32, #tpu.memory_space<vmem_shared>>)
    %dma_wait3A_376 = arith.constant 0 : i32
    %dma_wait3A_377 = arith.constant 0 : i32
    %dma_wait3A_378 = tpu.memref_slice %arg12[%dma_wait3A_376, %dma_wait3A_377] : memref<256x128xf32, #tpu.memory_space<vmem>> -> memref<128x128xf32, #tpu.memory_space<vmem>>
    %dma_wait3A_379 = arith.constant 0 : i32
    %dma_wait3A_380 = tpu.memref_slice %arg13[%add3A_323, %dma_wait3A_379] : memref<10240x128xf32, #tpu.memory_space<vmem_shared>> -> memref<128x128xf32, #tpu.memory_space<vmem_shared>>
    %dma_wait3A_381 = arith.constant 0 : i32
    %dma_wait3A_382 = tpu.memref_slice %arg13[%add3A_323, %dma_wait3A_381] : memref<10240x128xf32, #tpu.memory_space<vmem_shared>> -> memref<128x128xf32, #tpu.memory_space<vmem_shared>>
    %dma_wait3A_383 = arith.constant 0 : i32
    %dma_wait3A_384 = arith.constant 0 : i32
    %dma_wait3A_385 = tpu.memref_slice %arg12[%dma_wait3A_383, %dma_wait3A_384] : memref<256x128xf32, #tpu.memory_space<vmem>> -> memref<128x128xf32, #tpu.memory_space<vmem>>
    tpu.wait_dma2 semaphore(%arg15 : memref<!tpu.dma_semaphore, #tpu.memory_space<semaphore_mem>>) src(%dma_wait3A_385 : memref<128x128xf32, #tpu.memory_space<vmem>>) dst(%dma_wait3A_382 : memref<128x128xf32, #tpu.memory_space<vmem_shared>>)
    %dma_wait3A_386 = arith.constant 0 : i32
    %dma_wait3A_387 = arith.constant 0 : i32
    %dma_wait3A_388 = tpu.memref_slice %arg12[%dma_wait3A_386, %dma_wait3A_387] : memref<256x128xf32, #tpu.memory_space<vmem>> -> memref<128x128xf32, #tpu.memory_space<vmem>>
    %dma_wait3A_389 = arith.constant 0 : i32
    %dma_wait3A_390 = tpu.memref_slice %arg13[%add3A_335, %dma_wait3A_389] : memref<10240x128xf32, #tpu.memory_space<vmem_shared>> -> memref<128x128xf32, #tpu.memory_space<vmem_shared>>
    %dma_wait3A_391 = arith.constant 0 : i32
    %dma_wait3A_392 = tpu.memref_slice %arg13[%add3A_335, %dma_wait3A_391] : memref<10240x128xf32, #tpu.memory_space<vmem_shared>> -> memref<128x128xf32, #tpu.memory_space<vmem_shared>>
    %dma_wait3A_393 = arith.constant 0 : i32
    %dma_wait3A_394 = arith.constant 0 : i32
    %dma_wait3A_395 = tpu.memref_slice %arg12[%dma_wait3A_393, %dma_wait3A_394] : memref<256x128xf32, #tpu.memory_space<vmem>> -> memref<128x128xf32, #tpu.memory_space<vmem>>
    tpu.wait_dma2 semaphore(%arg15 : memref<!tpu.dma_semaphore, #tpu.memory_space<semaphore_mem>>) src(%dma_wait3A_395 : memref<128x128xf32, #tpu.memory_space<vmem>>) dst(%dma_wait3A_392 : memref<128x128xf32, #tpu.memory_space<vmem_shared>>)
    %barrier3A_396 = arith.constant 0 : index
    tpu.barrier barrier_id(%barrier3A_396)
    "tpu.region"() ({
      %run_scoped3A = tpu.sem_alloc : memref<!tpu.dma_semaphore, #tpu.memory_space<semaphore_mem>>
      %dma_start3A_543 = arith.constant 0 : i32
      %dma_start3A_544 = arith.constant 0 : i32
      %dma_start3A_545 = tpu.memref_slice %arg12[%dma_start3A_543, %dma_start3A_544] : memref<256x128xf32, #tpu.memory_space<vmem>> -> memref<128x128xf32, #tpu.memory_space<vmem>>
      %dma_start3A_546 = arith.constant 0 : i32
      %dma_start3A_547 = arith.constant 0 : i32
      %dma_start3A_548 = tpu.memref_slice %arg12[%dma_start3A_546, %dma_start3A_547] : memref<256x128xf32, #tpu.memory_space<vmem>> -> memref<128x128xf32, #tpu.memory_space<vmem>>
      tpu.enqueue_dma source(%arg6 : memref<128x128xf32, #tpu.memory_space<hbm>>) target(%dma_start3A_548 : memref<128x128xf32, #tpu.memory_space<vmem>>) target_semaphore(%run_scoped3A : memref<!tpu.dma_semaphore, #tpu.memory_space<semaphore_mem>>)
      %dma_wait3A_549 = arith.constant 0 : i32
      %dma_wait3A_550 = arith.constant 0 : i32
      %dma_wait3A_551 = tpu.memref_slice %arg12[%dma_wait3A_549, %dma_wait3A_550] : memref<256x128xf32, #tpu.memory_space<vmem>> -> memref<128x128xf32, #tpu.memory_space<vmem>>
      %dma_wait3A_552 = arith.constant 0 : i32
      %dma_wait3A_553 = arith.constant 0 : i32
      %dma_wait3A_554 = tpu.memref_slice %arg12[%dma_wait3A_552, %dma_wait3A_553] : memref<256x128xf32, #tpu.memory_space<vmem>> -> memref<128x128xf32, #tpu.memory_space<vmem>>
      tpu.wait_dma2 semaphore(%run_scoped3A : memref<!tpu.dma_semaphore, #tpu.memory_space<semaphore_mem>>) src(%arg6 : memref<128x128xf32, #tpu.memory_space<hbm>>) dst(%dma_wait3A_554 : memref<128x128xf32, #tpu.memory_space<vmem>>)
      tpu.yield
    }) : () -> ()
    %eq3A_397 = arith.constant 0 : i32
    %eq3A_398 = arith.cmpi eq, %arg0, %eq3A_397 : i32
    %convert_element_type3A_399 = arith.extui %eq3A_398 : i1 to i32
    %cond3A_400 = arith.constant 0 : i32
    %cond3A_401 = arith.cmpi ne, %convert_element_type3A_399, %cond3A_400 : i32
    scf.if %cond3A_401 {
      %scan3A = arith.constant 0 : i32
      %scan3A_543 = arith.constant 0 : i32
      %scan3A_544 = arith.constant 12 : i32
      %scan3A_545 = arith.addi %scan3A_543, %scan3A_544 : i32
      %scan3A_546 = arith.constant 1 : i32
      %scan3A_547 = scf.for %scan3A_549 = %scan3A_543 to %scan3A_545 step %scan3A_546 iter_args(%scan3A_550 = %scan3A) -> (i32)  : i32 {
        %mul3A_551 = arith.constant 8 : i32
        %mul3A_552 = arith.muli %scan3A_549, %mul3A_551 : i32
        %add3A_553 = arith.constant 0 : i32
        %add3A_554 = arith.addi %mul3A_552, %add3A_553 : i32
        %dma_start3A_555 = arith.constant 0 : i32
        %dma_start3A_556 = arith.constant 0 : i32
        %dma_start3A_557 = tpu.memref_slice %arg12[%dma_start3A_555, %dma_start3A_556] : memref<256x128xf32, #tpu.memory_space<vmem>> -> memref<128x128xf32, #tpu.memory_space<vmem>>
        %dma_start3A_558 = arith.constant 0 : i32
        %dma_start3A_559 = tpu.memref_slice %arg10[%add3A_554, %dma_start3A_558] : memref<96x128xi32, #tpu.memory_space<vmem>> -> memref<1x128xi32, #tpu.memory_space<vmem>>
        %dma_start3A_560 = tpu.memref_squeeze %dma_start3A_559 : memref<1x128xi32, #tpu.memory_space<vmem>> -> memref<128xi32, #tpu.memory_space<vmem>>
        %dma_start3A_561 = arith.constant 0 : i32
        %dma_start3A_562 = arith.constant 0 : i32
        %dma_start3A_563 = tpu.memref_slice %arg13[%dma_start3A_561, %dma_start3A_562] : memref<10240x128xf32, #tpu.memory_space<vmem_shared>> -> memref<10240x128xf32, #tpu.memory_space<vmem_shared>>
        tpu.enqueue_indirect_dma source(%dma_start3A_557 : memref<128x128xf32, #tpu.memory_space<vmem>>) target(%dma_start3A_563 : memref<10240x128xf32, #tpu.memory_space<vmem_shared>>) offsets(%dma_start3A_560 : memref<128xi32, #tpu.memory_space<vmem>>) semaphore(%arg15 : memref<!tpu.dma_semaphore, #tpu.memory_space<semaphore_mem>>) {add = true}
        %mul3A_564 = arith.constant 8 : i32
        %mul3A_565 = arith.muli %scan3A_549, %mul3A_564 : i32
        %add3A_566 = arith.constant 1 : i32
        %add3A_567 = arith.addi %mul3A_565, %add3A_566 : i32
        %dma_start3A_568 = arith.constant 0 : i32
        %dma_start3A_569 = arith.constant 0 : i32
        %dma_start3A_570 = tpu.memref_slice %arg12[%dma_start3A_568, %dma_start3A_569] : memref<256x128xf32, #tpu.memory_space<vmem>> -> memref<128x128xf32, #tpu.memory_space<vmem>>
        %dma_start3A_571 = arith.constant 0 : i32
        %dma_start3A_572 = tpu.memref_slice %arg10[%add3A_567, %dma_start3A_571] : memref<96x128xi32, #tpu.memory_space<vmem>> -> memref<1x128xi32, #tpu.memory_space<vmem>>
        %dma_start3A_573 = tpu.memref_squeeze %dma_start3A_572 : memref<1x128xi32, #tpu.memory_space<vmem>> -> memref<128xi32, #tpu.memory_space<vmem>>
        %dma_start3A_574 = arith.constant 0 : i32
        %dma_start3A_575 = arith.constant 0 : i32
        %dma_start3A_576 = tpu.memref_slice %arg13[%dma_start3A_574, %dma_start3A_575] : memref<10240x128xf32, #tpu.memory_space<vmem_shared>> -> memref<10240x128xf32, #tpu.memory_space<vmem_shared>>
        tpu.enqueue_indirect_dma source(%dma_start3A_570 : memref<128x128xf32, #tpu.memory_space<vmem>>) target(%dma_start3A_576 : memref<10240x128xf32, #tpu.memory_space<vmem_shared>>) offsets(%dma_start3A_573 : memref<128xi32, #tpu.memory_space<vmem>>) semaphore(%arg15 : memref<!tpu.dma_semaphore, #tpu.memory_space<semaphore_mem>>) {add = true}
        %mul3A_577 = arith.constant 8 : i32
        %mul3A_578 = arith.muli %scan3A_549, %mul3A_577 : i32
        %add3A_579 = arith.constant 2 : i32
        %add3A_580 = arith.addi %mul3A_578, %add3A_579 : i32
        %dma_start3A_581 = arith.constant 0 : i32
        %dma_start3A_582 = arith.constant 0 : i32
        %dma_start3A_583 = tpu.memref_slice %arg12[%dma_start3A_581, %dma_start3A_582] : memref<256x128xf32, #tpu.memory_space<vmem>> -> memref<128x128xf32, #tpu.memory_space<vmem>>
        %dma_start3A_584 = arith.constant 0 : i32
        %dma_start3A_585 = tpu.memref_slice %arg10[%add3A_580, %dma_start3A_584] : memref<96x128xi32, #tpu.memory_space<vmem>> -> memref<1x128xi32, #tpu.memory_space<vmem>>
        %dma_start3A_586 = tpu.memref_squeeze %dma_start3A_585 : memref<1x128xi32, #tpu.memory_space<vmem>> -> memref<128xi32, #tpu.memory_space<vmem>>
        %dma_start3A_587 = arith.constant 0 : i32
        %dma_start3A_588 = arith.constant 0 : i32
        %dma_start3A_589 = tpu.memref_slice %arg13[%dma_start3A_587, %dma_start3A_588] : memref<10240x128xf32, #tpu.memory_space<vmem_shared>> -> memref<10240x128xf32, #tpu.memory_space<vmem_shared>>
        tpu.enqueue_indirect_dma source(%dma_start3A_583 : memref<128x128xf32, #tpu.memory_space<vmem>>) target(%dma_start3A_589 : memref<10240x128xf32, #tpu.memory_space<vmem_shared>>) offsets(%dma_start3A_586 : memref<128xi32, #tpu.memory_space<vmem>>) semaphore(%arg15 : memref<!tpu.dma_semaphore, #tpu.memory_space<semaphore_mem>>) {add = true}
        %mul3A_590 = arith.constant 8 : i32
        %mul3A_591 = arith.muli %scan3A_549, %mul3A_590 : i32
        %add3A_592 = arith.constant 3 : i32
        %add3A_593 = arith.addi %mul3A_591, %add3A_592 : i32
        %dma_start3A_594 = arith.constant 0 : i32
        %dma_start3A_595 = arith.constant 0 : i32
        %dma_start3A_596 = tpu.memref_slice %arg12[%dma_start3A_594, %dma_start3A_595] : memref<256x128xf32, #tpu.memory_space<vmem>> -> memref<128x128xf32, #tpu.memory_space<vmem>>
        %dma_start3A_597 = arith.constant 0 : i32
        %dma_start3A_598 = tpu.memref_slice %arg10[%add3A_593, %dma_start3A_597] : memref<96x128xi32, #tpu.memory_space<vmem>> -> memref<1x128xi32, #tpu.memory_space<vmem>>
        %dma_start3A_599 = tpu.memref_squeeze %dma_start3A_598 : memref<1x128xi32, #tpu.memory_space<vmem>> -> memref<128xi32, #tpu.memory_space<vmem>>
        %dma_start3A_600 = arith.constant 0 : i32
        %dma_start3A_601 = arith.constant 0 : i32
        %dma_start3A_602 = tpu.memref_slice %arg13[%dma_start3A_600, %dma_start3A_601] : memref<10240x128xf32, #tpu.memory_space<vmem_shared>> -> memref<10240x128xf32, #tpu.memory_space<vmem_shared>>
        tpu.enqueue_indirect_dma source(%dma_start3A_596 : memref<128x128xf32, #tpu.memory_space<vmem>>) target(%dma_start3A_602 : memref<10240x128xf32, #tpu.memory_space<vmem_shared>>) offsets(%dma_start3A_599 : memref<128xi32, #tpu.memory_space<vmem>>) semaphore(%arg15 : memref<!tpu.dma_semaphore, #tpu.memory_space<semaphore_mem>>) {add = true}
        %mul3A_603 = arith.constant 8 : i32
        %mul3A_604 = arith.muli %scan3A_549, %mul3A_603 : i32
        %add3A_605 = arith.constant 4 : i32
        %add3A_606 = arith.addi %mul3A_604, %add3A_605 : i32
        %dma_start3A_607 = arith.constant 0 : i32
        %dma_start3A_608 = arith.constant 0 : i32
        %dma_start3A_609 = tpu.memref_slice %arg12[%dma_start3A_607, %dma_start3A_608] : memref<256x128xf32, #tpu.memory_space<vmem>> -> memref<128x128xf32, #tpu.memory_space<vmem>>
        %dma_start3A_610 = arith.constant 0 : i32
        %dma_start3A_611 = tpu.memref_slice %arg10[%add3A_606, %dma_start3A_610] : memref<96x128xi32, #tpu.memory_space<vmem>> -> memref<1x128xi32, #tpu.memory_space<vmem>>
        %dma_start3A_612 = tpu.memref_squeeze %dma_start3A_611 : memref<1x128xi32, #tpu.memory_space<vmem>> -> memref<128xi32, #tpu.memory_space<vmem>>
        %dma_start3A_613 = arith.constant 0 : i32
        %dma_start3A_614 = arith.constant 0 : i32
        %dma_start3A_615 = tpu.memref_slice %arg13[%dma_start3A_613, %dma_start3A_614] : memref<10240x128xf32, #tpu.memory_space<vmem_shared>> -> memref<10240x128xf32, #tpu.memory_space<vmem_shared>>
        tpu.enqueue_indirect_dma source(%dma_start3A_609 : memref<128x128xf32, #tpu.memory_space<vmem>>) target(%dma_start3A_615 : memref<10240x128xf32, #tpu.memory_space<vmem_shared>>) offsets(%dma_start3A_612 : memref<128xi32, #tpu.memory_space<vmem>>) semaphore(%arg15 : memref<!tpu.dma_semaphore, #tpu.memory_space<semaphore_mem>>) {add = true}
        %mul3A_616 = arith.constant 8 : i32
        %mul3A_617 = arith.muli %scan3A_549, %mul3A_616 : i32
        %add3A_618 = arith.constant 5 : i32
        %add3A_619 = arith.addi %mul3A_617, %add3A_618 : i32
        %dma_start3A_620 = arith.constant 0 : i32
        %dma_start3A_621 = arith.constant 0 : i32
        %dma_start3A_622 = tpu.memref_slice %arg12[%dma_start3A_620, %dma_start3A_621] : memref<256x128xf32, #tpu.memory_space<vmem>> -> memref<128x128xf32, #tpu.memory_space<vmem>>
        %dma_start3A_623 = arith.constant 0 : i32
        %dma_start3A_624 = tpu.memref_slice %arg10[%add3A_619, %dma_start3A_623] : memref<96x128xi32, #tpu.memory_space<vmem>> -> memref<1x128xi32, #tpu.memory_space<vmem>>
        %dma_start3A_625 = tpu.memref_squeeze %dma_start3A_624 : memref<1x128xi32, #tpu.memory_space<vmem>> -> memref<128xi32, #tpu.memory_space<vmem>>
        %dma_start3A_626 = arith.constant 0 : i32
        %dma_start3A_627 = arith.constant 0 : i32
        %dma_start3A_628 = tpu.memref_slice %arg13[%dma_start3A_626, %dma_start3A_627] : memref<10240x128xf32, #tpu.memory_space<vmem_shared>> -> memref<10240x128xf32, #tpu.memory_space<vmem_shared>>
        tpu.enqueue_indirect_dma source(%dma_start3A_622 : memref<128x128xf32, #tpu.memory_space<vmem>>) target(%dma_start3A_628 : memref<10240x128xf32, #tpu.memory_space<vmem_shared>>) offsets(%dma_start3A_625 : memref<128xi32, #tpu.memory_space<vmem>>) semaphore(%arg15 : memref<!tpu.dma_semaphore, #tpu.memory_space<semaphore_mem>>) {add = true}
        %mul3A_629 = arith.constant 8 : i32
        %mul3A_630 = arith.muli %scan3A_549, %mul3A_629 : i32
        %add3A_631 = arith.constant 6 : i32
        %add3A_632 = arith.addi %mul3A_630, %add3A_631 : i32
        %dma_start3A_633 = arith.constant 0 : i32
        %dma_start3A_634 = arith.constant 0 : i32
        %dma_start3A_635 = tpu.memref_slice %arg12[%dma_start3A_633, %dma_start3A_634] : memref<256x128xf32, #tpu.memory_space<vmem>> -> memref<128x128xf32, #tpu.memory_space<vmem>>
        %dma_start3A_636 = arith.constant 0 : i32
        %dma_start3A_637 = tpu.memref_slice %arg10[%add3A_632, %dma_start3A_636] : memref<96x128xi32, #tpu.memory_space<vmem>> -> memref<1x128xi32, #tpu.memory_space<vmem>>
        %dma_start3A_638 = tpu.memref_squeeze %dma_start3A_637 : memref<1x128xi32, #tpu.memory_space<vmem>> -> memref<128xi32, #tpu.memory_space<vmem>>
        %dma_start3A_639 = arith.constant 0 : i32
        %dma_start3A_640 = arith.constant 0 : i32
        %dma_start3A_641 = tpu.memref_slice %arg13[%dma_start3A_639, %dma_start3A_640] : memref<10240x128xf32, #tpu.memory_space<vmem_shared>> -> memref<10240x128xf32, #tpu.memory_space<vmem_shared>>
        tpu.enqueue_indirect_dma source(%dma_start3A_635 : memref<128x128xf32, #tpu.memory_space<vmem>>) target(%dma_start3A_641 : memref<10240x128xf32, #tpu.memory_space<vmem_shared>>) offsets(%dma_start3A_638 : memref<128xi32, #tpu.memory_space<vmem>>) semaphore(%arg15 : memref<!tpu.dma_semaphore, #tpu.memory_space<semaphore_mem>>) {add = true}
        %mul3A_642 = arith.constant 8 : i32
        %mul3A_643 = arith.muli %scan3A_549, %mul3A_642 : i32
        %add3A_644 = arith.constant 7 : i32
        %add3A_645 = arith.addi %mul3A_643, %add3A_644 : i32
        %dma_start3A_646 = arith.constant 0 : i32
        %dma_start3A_647 = arith.constant 0 : i32
        %dma_start3A_648 = tpu.memref_slice %arg12[%dma_start3A_646, %dma_start3A_647] : memref<256x128xf32, #tpu.memory_space<vmem>> -> memref<128x128xf32, #tpu.memory_space<vmem>>
        %dma_start3A_649 = arith.constant 0 : i32
        %dma_start3A_650 = tpu.memref_slice %arg10[%add3A_645, %dma_start3A_649] : memref<96x128xi32, #tpu.memory_space<vmem>> -> memref<1x128xi32, #tpu.memory_space<vmem>>
        %dma_start3A_651 = tpu.memref_squeeze %dma_start3A_650 : memref<1x128xi32, #tpu.memory_space<vmem>> -> memref<128xi32, #tpu.memory_space<vmem>>
        %dma_start3A_652 = arith.constant 0 : i32
        %dma_start3A_653 = arith.constant 0 : i32
        %dma_start3A_654 = tpu.memref_slice %arg13[%dma_start3A_652, %dma_start3A_653] : memref<10240x128xf32, #tpu.memory_space<vmem_shared>> -> memref<10240x128xf32, #tpu.memory_space<vmem_shared>>
        tpu.enqueue_indirect_dma source(%dma_start3A_648 : memref<128x128xf32, #tpu.memory_space<vmem>>) target(%dma_start3A_654 : memref<10240x128xf32, #tpu.memory_space<vmem_shared>>) offsets(%dma_start3A_651 : memref<128xi32, #tpu.memory_space<vmem>>) semaphore(%arg15 : memref<!tpu.dma_semaphore, #tpu.memory_space<semaphore_mem>>) {add = true}
        %dma_wait3A_655 = arith.constant 0 : i32
        %dma_wait3A_656 = arith.constant 0 : i32
        %dma_wait3A_657 = tpu.memref_slice %arg12[%dma_wait3A_655, %dma_wait3A_656] : memref<256x128xf32, #tpu.memory_space<vmem>> -> memref<128x128xf32, #tpu.memory_space<vmem>>
        %dma_wait3A_658 = arith.constant 0 : i32
        %dma_wait3A_659 = tpu.memref_slice %arg10[%add3A_554, %dma_wait3A_658] : memref<96x128xi32, #tpu.memory_space<vmem>> -> memref<1x128xi32, #tpu.memory_space<vmem>>
        %dma_wait3A_660 = tpu.memref_squeeze %dma_wait3A_659 : memref<1x128xi32, #tpu.memory_space<vmem>> -> memref<128xi32, #tpu.memory_space<vmem>>
        %dma_wait3A_661 = arith.constant 0 : i32
        %dma_wait3A_662 = arith.constant 0 : i32
        %dma_wait3A_663 = tpu.memref_slice %arg13[%dma_wait3A_661, %dma_wait3A_662] : memref<10240x128xf32, #tpu.memory_space<vmem_shared>> -> memref<10240x128xf32, #tpu.memory_space<vmem_shared>>
        tpu.wait_indirect_dma semaphore(%arg15 : memref<!tpu.dma_semaphore, #tpu.memory_space<semaphore_mem>>) src(%dma_wait3A_657 : memref<128x128xf32, #tpu.memory_space<vmem>>) dst(%dma_wait3A_663 : memref<10240x128xf32, #tpu.memory_space<vmem_shared>>)
        %dma_wait3A_664 = arith.constant 0 : i32
        %dma_wait3A_665 = arith.constant 0 : i32
        %dma_wait3A_666 = tpu.memref_slice %arg12[%dma_wait3A_664, %dma_wait3A_665] : memref<256x128xf32, #tpu.memory_space<vmem>> -> memref<128x128xf32, #tpu.memory_space<vmem>>
        %dma_wait3A_667 = arith.constant 0 : i32
        %dma_wait3A_668 = tpu.memref_slice %arg10[%add3A_567, %dma_wait3A_667] : memref<96x128xi32, #tpu.memory_space<vmem>> -> memref<1x128xi32, #tpu.memory_space<vmem>>
        %dma_wait3A_669 = tpu.memref_squeeze %dma_wait3A_668 : memref<1x128xi32, #tpu.memory_space<vmem>> -> memref<128xi32, #tpu.memory_space<vmem>>
        %dma_wait3A_670 = arith.constant 0 : i32
        %dma_wait3A_671 = arith.constant 0 : i32
        %dma_wait3A_672 = tpu.memref_slice %arg13[%dma_wait3A_670, %dma_wait3A_671] : memref<10240x128xf32, #tpu.memory_space<vmem_shared>> -> memref<10240x128xf32, #tpu.memory_space<vmem_shared>>
        tpu.wait_indirect_dma semaphore(%arg15 : memref<!tpu.dma_semaphore, #tpu.memory_space<semaphore_mem>>) src(%dma_wait3A_666 : memref<128x128xf32, #tpu.memory_space<vmem>>) dst(%dma_wait3A_672 : memref<10240x128xf32, #tpu.memory_space<vmem_shared>>)
        %dma_wait3A_673 = arith.constant 0 : i32
        %dma_wait3A_674 = arith.constant 0 : i32
        %dma_wait3A_675 = tpu.memref_slice %arg12[%dma_wait3A_673, %dma_wait3A_674] : memref<256x128xf32, #tpu.memory_space<vmem>> -> memref<128x128xf32, #tpu.memory_space<vmem>>
        %dma_wait3A_676 = arith.constant 0 : i32
        %dma_wait3A_677 = tpu.memref_slice %arg10[%add3A_580, %dma_wait3A_676] : memref<96x128xi32, #tpu.memory_space<vmem>> -> memref<1x128xi32, #tpu.memory_space<vmem>>
        %dma_wait3A_678 = tpu.memref_squeeze %dma_wait3A_677 : memref<1x128xi32, #tpu.memory_space<vmem>> -> memref<128xi32, #tpu.memory_space<vmem>>
        %dma_wait3A_679 = arith.constant 0 : i32
        %dma_wait3A_680 = arith.constant 0 : i32
        %dma_wait3A_681 = tpu.memref_slice %arg13[%dma_wait3A_679, %dma_wait3A_680] : memref<10240x128xf32, #tpu.memory_space<vmem_shared>> -> memref<10240x128xf32, #tpu.memory_space<vmem_shared>>
        tpu.wait_indirect_dma semaphore(%arg15 : memref<!tpu.dma_semaphore, #tpu.memory_space<semaphore_mem>>) src(%dma_wait3A_675 : memref<128x128xf32, #tpu.memory_space<vmem>>) dst(%dma_wait3A_681 : memref<10240x128xf32, #tpu.memory_space<vmem_shared>>)
        %dma_wait3A_682 = arith.constant 0 : i32
        %dma_wait3A_683 = arith.constant 0 : i32
        %dma_wait3A_684 = tpu.memref_slice %arg12[%dma_wait3A_682, %dma_wait3A_683] : memref<256x128xf32, #tpu.memory_space<vmem>> -> memref<128x128xf32, #tpu.memory_space<vmem>>
        %dma_wait3A_685 = arith.constant 0 : i32
        %dma_wait3A_686 = tpu.memref_slice %arg10[%add3A_593, %dma_wait3A_685] : memref<96x128xi32, #tpu.memory_space<vmem>> -> memref<1x128xi32, #tpu.memory_space<vmem>>
        %dma_wait3A_687 = tpu.memref_squeeze %dma_wait3A_686 : memref<1x128xi32, #tpu.memory_space<vmem>> -> memref<128xi32, #tpu.memory_space<vmem>>
        %dma_wait3A_688 = arith.constant 0 : i32
        %dma_wait3A_689 = arith.constant 0 : i32
        %dma_wait3A_690 = tpu.memref_slice %arg13[%dma_wait3A_688, %dma_wait3A_689] : memref<10240x128xf32, #tpu.memory_space<vmem_shared>> -> memref<10240x128xf32, #tpu.memory_space<vmem_shared>>
        tpu.wait_indirect_dma semaphore(%arg15 : memref<!tpu.dma_semaphore, #tpu.memory_space<semaphore_mem>>) src(%dma_wait3A_684 : memref<128x128xf32, #tpu.memory_space<vmem>>) dst(%dma_wait3A_690 : memref<10240x128xf32, #tpu.memory_space<vmem_shared>>)
        %dma_wait3A_691 = arith.constant 0 : i32
        %dma_wait3A_692 = arith.constant 0 : i32
        %dma_wait3A_693 = tpu.memref_slice %arg12[%dma_wait3A_691, %dma_wait3A_692] : memref<256x128xf32, #tpu.memory_space<vmem>> -> memref<128x128xf32, #tpu.memory_space<vmem>>
        %dma_wait3A_694 = arith.constant 0 : i32
        %dma_wait3A_695 = tpu.memref_slice %arg10[%add3A_606, %dma_wait3A_694] : memref<96x128xi32, #tpu.memory_space<vmem>> -> memref<1x128xi32, #tpu.memory_space<vmem>>
        %dma_wait3A_696 = tpu.memref_squeeze %dma_wait3A_695 : memref<1x128xi32, #tpu.memory_space<vmem>> -> memref<128xi32, #tpu.memory_space<vmem>>
        %dma_wait3A_697 = arith.constant 0 : i32
        %dma_wait3A_698 = arith.constant 0 : i32
        %dma_wait3A_699 = tpu.memref_slice %arg13[%dma_wait3A_697, %dma_wait3A_698] : memref<10240x128xf32, #tpu.memory_space<vmem_shared>> -> memref<10240x128xf32, #tpu.memory_space<vmem_shared>>
        tpu.wait_indirect_dma semaphore(%arg15 : memref<!tpu.dma_semaphore, #tpu.memory_space<semaphore_mem>>) src(%dma_wait3A_693 : memref<128x128xf32, #tpu.memory_space<vmem>>) dst(%dma_wait3A_699 : memref<10240x128xf32, #tpu.memory_space<vmem_shared>>)
        %dma_wait3A_700 = arith.constant 0 : i32
        %dma_wait3A_701 = arith.constant 0 : i32
        %dma_wait3A_702 = tpu.memref_slice %arg12[%dma_wait3A_700, %dma_wait3A_701] : memref<256x128xf32, #tpu.memory_space<vmem>> -> memref<128x128xf32, #tpu.memory_space<vmem>>
        %dma_wait3A_703 = arith.constant 0 : i32
        %dma_wait3A_704 = tpu.memref_slice %arg10[%add3A_619, %dma_wait3A_703] : memref<96x128xi32, #tpu.memory_space<vmem>> -> memref<1x128xi32, #tpu.memory_space<vmem>>
        %dma_wait3A_705 = tpu.memref_squeeze %dma_wait3A_704 : memref<1x128xi32, #tpu.memory_space<vmem>> -> memref<128xi32, #tpu.memory_space<vmem>>
        %dma_wait3A_706 = arith.constant 0 : i32
        %dma_wait3A_707 = arith.constant 0 : i32
        %dma_wait3A_708 = tpu.memref_slice %arg13[%dma_wait3A_706, %dma_wait3A_707] : memref<10240x128xf32, #tpu.memory_space<vmem_shared>> -> memref<10240x128xf32, #tpu.memory_space<vmem_shared>>
        tpu.wait_indirect_dma semaphore(%arg15 : memref<!tpu.dma_semaphore, #tpu.memory_space<semaphore_mem>>) src(%dma_wait3A_702 : memref<128x128xf32, #tpu.memory_space<vmem>>) dst(%dma_wait3A_708 : memref<10240x128xf32, #tpu.memory_space<vmem_shared>>)
        %dma_wait3A_709 = arith.constant 0 : i32
        %dma_wait3A_710 = arith.constant 0 : i32
        %dma_wait3A_711 = tpu.memref_slice %arg12[%dma_wait3A_709, %dma_wait3A_710] : memref<256x128xf32, #tpu.memory_space<vmem>> -> memref<128x128xf32, #tpu.memory_space<vmem>>
        %dma_wait3A_712 = arith.constant 0 : i32
        %dma_wait3A_713 = tpu.memref_slice %arg10[%add3A_632, %dma_wait3A_712] : memref<96x128xi32, #tpu.memory_space<vmem>> -> memref<1x128xi32, #tpu.memory_space<vmem>>
        %dma_wait3A_714 = tpu.memref_squeeze %dma_wait3A_713 : memref<1x128xi32, #tpu.memory_space<vmem>> -> memref<128xi32, #tpu.memory_space<vmem>>
        %dma_wait3A_715 = arith.constant 0 : i32
        %dma_wait3A_716 = arith.constant 0 : i32
        %dma_wait3A_717 = tpu.memref_slice %arg13[%dma_wait3A_715, %dma_wait3A_716] : memref<10240x128xf32, #tpu.memory_space<vmem_shared>> -> memref<10240x128xf32, #tpu.memory_space<vmem_shared>>
        tpu.wait_indirect_dma semaphore(%arg15 : memref<!tpu.dma_semaphore, #tpu.memory_space<semaphore_mem>>) src(%dma_wait3A_711 : memref<128x128xf32, #tpu.memory_space<vmem>>) dst(%dma_wait3A_717 : memref<10240x128xf32, #tpu.memory_space<vmem_shared>>)
        %dma_wait3A_718 = arith.constant 0 : i32
        %dma_wait3A_719 = arith.constant 0 : i32
        %dma_wait3A_720 = tpu.memref_slice %arg12[%dma_wait3A_718, %dma_wait3A_719] : memref<256x128xf32, #tpu.memory_space<vmem>> -> memref<128x128xf32, #tpu.memory_space<vmem>>
        %dma_wait3A_721 = arith.constant 0 : i32
        %dma_wait3A_722 = tpu.memref_slice %arg10[%add3A_645, %dma_wait3A_721] : memref<96x128xi32, #tpu.memory_space<vmem>> -> memref<1x128xi32, #tpu.memory_space<vmem>>
        %dma_wait3A_723 = tpu.memref_squeeze %dma_wait3A_722 : memref<1x128xi32, #tpu.memory_space<vmem>> -> memref<128xi32, #tpu.memory_space<vmem>>
        %dma_wait3A_724 = arith.constant 0 : i32
        %dma_wait3A_725 = arith.constant 0 : i32
        %dma_wait3A_726 = tpu.memref_slice %arg13[%dma_wait3A_724, %dma_wait3A_725] : memref<10240x128xf32, #tpu.memory_space<vmem_shared>> -> memref<10240x128xf32, #tpu.memory_space<vmem_shared>>
        tpu.wait_indirect_dma semaphore(%arg15 : memref<!tpu.dma_semaphore, #tpu.memory_space<semaphore_mem>>) src(%dma_wait3A_720 : memref<128x128xf32, #tpu.memory_space<vmem>>) dst(%dma_wait3A_726 : memref<10240x128xf32, #tpu.memory_space<vmem_shared>>)
        %scan3A_727 = arith.constant 0 : i32
        scf.yield %scan3A_727 : i32
      }
      %scan3A_548 = arith.constant 12 : i32
    } else {
    }
    %eq3A_402 = arith.constant 1 : i32
    %eq3A_403 = arith.cmpi eq, %arg0, %eq3A_402 : i32
    %convert_element_type3A_404 = arith.extui %eq3A_403 : i1 to i32
    %cond3A_405 = arith.constant 0 : i32
    %cond3A_406 = arith.cmpi ne, %convert_element_type3A_404, %cond3A_405 : i32
    scf.if %cond3A_406 {
      %scan3A = arith.constant 0 : i32
      %scan3A_543 = arith.constant 0 : i32
      %scan3A_544 = arith.constant 8 : i32
      %scan3A_545 = arith.addi %scan3A_543, %scan3A_544 : i32
      %scan3A_546 = arith.constant 1 : i32
      %scan3A_547 = scf.for %scan3A_549 = %scan3A_543 to %scan3A_545 step %scan3A_546 iter_args(%scan3A_550 = %scan3A) -> (i32)  : i32 {
        %mul3A_551 = arith.constant 8 : i32
        %mul3A_552 = arith.muli %scan3A_549, %mul3A_551 : i32
        %add3A_553 = arith.constant 0 : i32
        %add3A_554 = arith.addi %mul3A_552, %add3A_553 : i32
        %dma_start3A_555 = arith.constant 0 : i32
        %dma_start3A_556 = arith.constant 0 : i32
        %dma_start3A_557 = tpu.memref_slice %arg12[%dma_start3A_555, %dma_start3A_556] : memref<256x128xf32, #tpu.memory_space<vmem>> -> memref<128x128xf32, #tpu.memory_space<vmem>>
        %dma_start3A_558 = arith.constant 0 : i32
        %dma_start3A_559 = tpu.memref_slice %arg10[%add3A_554, %dma_start3A_558] : memref<96x128xi32, #tpu.memory_space<vmem>> -> memref<1x128xi32, #tpu.memory_space<vmem>>
        %dma_start3A_560 = tpu.memref_squeeze %dma_start3A_559 : memref<1x128xi32, #tpu.memory_space<vmem>> -> memref<128xi32, #tpu.memory_space<vmem>>
        %dma_start3A_561 = arith.constant 0 : i32
        %dma_start3A_562 = arith.constant 0 : i32
        %dma_start3A_563 = tpu.memref_slice %arg13[%dma_start3A_561, %dma_start3A_562] : memref<10240x128xf32, #tpu.memory_space<vmem_shared>> -> memref<10240x128xf32, #tpu.memory_space<vmem_shared>>
        tpu.enqueue_indirect_dma source(%dma_start3A_557 : memref<128x128xf32, #tpu.memory_space<vmem>>) target(%dma_start3A_563 : memref<10240x128xf32, #tpu.memory_space<vmem_shared>>) offsets(%dma_start3A_560 : memref<128xi32, #tpu.memory_space<vmem>>) semaphore(%arg15 : memref<!tpu.dma_semaphore, #tpu.memory_space<semaphore_mem>>) {add = true}
        %mul3A_564 = arith.constant 8 : i32
        %mul3A_565 = arith.muli %scan3A_549, %mul3A_564 : i32
        %add3A_566 = arith.constant 1 : i32
        %add3A_567 = arith.addi %mul3A_565, %add3A_566 : i32
        %dma_start3A_568 = arith.constant 0 : i32
        %dma_start3A_569 = arith.constant 0 : i32
        %dma_start3A_570 = tpu.memref_slice %arg12[%dma_start3A_568, %dma_start3A_569] : memref<256x128xf32, #tpu.memory_space<vmem>> -> memref<128x128xf32, #tpu.memory_space<vmem>>
        %dma_start3A_571 = arith.constant 0 : i32
        %dma_start3A_572 = tpu.memref_slice %arg10[%add3A_567, %dma_start3A_571] : memref<96x128xi32, #tpu.memory_space<vmem>> -> memref<1x128xi32, #tpu.memory_space<vmem>>
        %dma_start3A_573 = tpu.memref_squeeze %dma_start3A_572 : memref<1x128xi32, #tpu.memory_space<vmem>> -> memref<128xi32, #tpu.memory_space<vmem>>
        %dma_start3A_574 = arith.constant 0 : i32
        %dma_start3A_575 = arith.constant 0 : i32
        %dma_start3A_576 = tpu.memref_slice %arg13[%dma_start3A_574, %dma_start3A_575] : memref<10240x128xf32, #tpu.memory_space<vmem_shared>> -> memref<10240x128xf32, #tpu.memory_space<vmem_shared>>
        tpu.enqueue_indirect_dma source(%dma_start3A_570 : memref<128x128xf32, #tpu.memory_space<vmem>>) target(%dma_start3A_576 : memref<10240x128xf32, #tpu.memory_space<vmem_shared>>) offsets(%dma_start3A_573 : memref<128xi32, #tpu.memory_space<vmem>>) semaphore(%arg15 : memref<!tpu.dma_semaphore, #tpu.memory_space<semaphore_mem>>) {add = true}
        %mul3A_577 = arith.constant 8 : i32
        %mul3A_578 = arith.muli %scan3A_549, %mul3A_577 : i32
        %add3A_579 = arith.constant 2 : i32
        %add3A_580 = arith.addi %mul3A_578, %add3A_579 : i32
        %dma_start3A_581 = arith.constant 0 : i32
        %dma_start3A_582 = arith.constant 0 : i32
        %dma_start3A_583 = tpu.memref_slice %arg12[%dma_start3A_581, %dma_start3A_582] : memref<256x128xf32, #tpu.memory_space<vmem>> -> memref<128x128xf32, #tpu.memory_space<vmem>>
        %dma_start3A_584 = arith.constant 0 : i32
        %dma_start3A_585 = tpu.memref_slice %arg10[%add3A_580, %dma_start3A_584] : memref<96x128xi32, #tpu.memory_space<vmem>> -> memref<1x128xi32, #tpu.memory_space<vmem>>
        %dma_start3A_586 = tpu.memref_squeeze %dma_start3A_585 : memref<1x128xi32, #tpu.memory_space<vmem>> -> memref<128xi32, #tpu.memory_space<vmem>>
        %dma_start3A_587 = arith.constant 0 : i32
        %dma_start3A_588 = arith.constant 0 : i32
        %dma_start3A_589 = tpu.memref_slice %arg13[%dma_start3A_587, %dma_start3A_588] : memref<10240x128xf32, #tpu.memory_space<vmem_shared>> -> memref<10240x128xf32, #tpu.memory_space<vmem_shared>>
        tpu.enqueue_indirect_dma source(%dma_start3A_583 : memref<128x128xf32, #tpu.memory_space<vmem>>) target(%dma_start3A_589 : memref<10240x128xf32, #tpu.memory_space<vmem_shared>>) offsets(%dma_start3A_586 : memref<128xi32, #tpu.memory_space<vmem>>) semaphore(%arg15 : memref<!tpu.dma_semaphore, #tpu.memory_space<semaphore_mem>>) {add = true}
        %mul3A_590 = arith.constant 8 : i32
        %mul3A_591 = arith.muli %scan3A_549, %mul3A_590 : i32
        %add3A_592 = arith.constant 3 : i32
        %add3A_593 = arith.addi %mul3A_591, %add3A_592 : i32
        %dma_start3A_594 = arith.constant 0 : i32
        %dma_start3A_595 = arith.constant 0 : i32
        %dma_start3A_596 = tpu.memref_slice %arg12[%dma_start3A_594, %dma_start3A_595] : memref<256x128xf32, #tpu.memory_space<vmem>> -> memref<128x128xf32, #tpu.memory_space<vmem>>
        %dma_start3A_597 = arith.constant 0 : i32
        %dma_start3A_598 = tpu.memref_slice %arg10[%add3A_593, %dma_start3A_597] : memref<96x128xi32, #tpu.memory_space<vmem>> -> memref<1x128xi32, #tpu.memory_space<vmem>>
        %dma_start3A_599 = tpu.memref_squeeze %dma_start3A_598 : memref<1x128xi32, #tpu.memory_space<vmem>> -> memref<128xi32, #tpu.memory_space<vmem>>
        %dma_start3A_600 = arith.constant 0 : i32
        %dma_start3A_601 = arith.constant 0 : i32
        %dma_start3A_602 = tpu.memref_slice %arg13[%dma_start3A_600, %dma_start3A_601] : memref<10240x128xf32, #tpu.memory_space<vmem_shared>> -> memref<10240x128xf32, #tpu.memory_space<vmem_shared>>
        tpu.enqueue_indirect_dma source(%dma_start3A_596 : memref<128x128xf32, #tpu.memory_space<vmem>>) target(%dma_start3A_602 : memref<10240x128xf32, #tpu.memory_space<vmem_shared>>) offsets(%dma_start3A_599 : memref<128xi32, #tpu.memory_space<vmem>>) semaphore(%arg15 : memref<!tpu.dma_semaphore, #tpu.memory_space<semaphore_mem>>) {add = true}
        %mul3A_603 = arith.constant 8 : i32
        %mul3A_604 = arith.muli %scan3A_549, %mul3A_603 : i32
        %add3A_605 = arith.constant 4 : i32
        %add3A_606 = arith.addi %mul3A_604, %add3A_605 : i32
        %dma_start3A_607 = arith.constant 0 : i32
        %dma_start3A_608 = arith.constant 0 : i32
        %dma_start3A_609 = tpu.memref_slice %arg12[%dma_start3A_607, %dma_start3A_608] : memref<256x128xf32, #tpu.memory_space<vmem>> -> memref<128x128xf32, #tpu.memory_space<vmem>>
        %dma_start3A_610 = arith.constant 0 : i32
        %dma_start3A_611 = tpu.memref_slice %arg10[%add3A_606, %dma_start3A_610] : memref<96x128xi32, #tpu.memory_space<vmem>> -> memref<1x128xi32, #tpu.memory_space<vmem>>
        %dma_start3A_612 = tpu.memref_squeeze %dma_start3A_611 : memref<1x128xi32, #tpu.memory_space<vmem>> -> memref<128xi32, #tpu.memory_space<vmem>>
        %dma_start3A_613 = arith.constant 0 : i32
        %dma_start3A_614 = arith.constant 0 : i32
        %dma_start3A_615 = tpu.memref_slice %arg13[%dma_start3A_613, %dma_start3A_614] : memref<10240x128xf32, #tpu.memory_space<vmem_shared>> -> memref<10240x128xf32, #tpu.memory_space<vmem_shared>>
        tpu.enqueue_indirect_dma source(%dma_start3A_609 : memref<128x128xf32, #tpu.memory_space<vmem>>) target(%dma_start3A_615 : memref<10240x128xf32, #tpu.memory_space<vmem_shared>>) offsets(%dma_start3A_612 : memref<128xi32, #tpu.memory_space<vmem>>) semaphore(%arg15 : memref<!tpu.dma_semaphore, #tpu.memory_space<semaphore_mem>>) {add = true}
        %mul3A_616 = arith.constant 8 : i32
        %mul3A_617 = arith.muli %scan3A_549, %mul3A_616 : i32
        %add3A_618 = arith.constant 5 : i32
        %add3A_619 = arith.addi %mul3A_617, %add3A_618 : i32
        %dma_start3A_620 = arith.constant 0 : i32
        %dma_start3A_621 = arith.constant 0 : i32
        %dma_start3A_622 = tpu.memref_slice %arg12[%dma_start3A_620, %dma_start3A_621] : memref<256x128xf32, #tpu.memory_space<vmem>> -> memref<128x128xf32, #tpu.memory_space<vmem>>
        %dma_start3A_623 = arith.constant 0 : i32
        %dma_start3A_624 = tpu.memref_slice %arg10[%add3A_619, %dma_start3A_623] : memref<96x128xi32, #tpu.memory_space<vmem>> -> memref<1x128xi32, #tpu.memory_space<vmem>>
        %dma_start3A_625 = tpu.memref_squeeze %dma_start3A_624 : memref<1x128xi32, #tpu.memory_space<vmem>> -> memref<128xi32, #tpu.memory_space<vmem>>
        %dma_start3A_626 = arith.constant 0 : i32
        %dma_start3A_627 = arith.constant 0 : i32
        %dma_start3A_628 = tpu.memref_slice %arg13[%dma_start3A_626, %dma_start3A_627] : memref<10240x128xf32, #tpu.memory_space<vmem_shared>> -> memref<10240x128xf32, #tpu.memory_space<vmem_shared>>
        tpu.enqueue_indirect_dma source(%dma_start3A_622 : memref<128x128xf32, #tpu.memory_space<vmem>>) target(%dma_start3A_628 : memref<10240x128xf32, #tpu.memory_space<vmem_shared>>) offsets(%dma_start3A_625 : memref<128xi32, #tpu.memory_space<vmem>>) semaphore(%arg15 : memref<!tpu.dma_semaphore, #tpu.memory_space<semaphore_mem>>) {add = true}
        %mul3A_629 = arith.constant 8 : i32
        %mul3A_630 = arith.muli %scan3A_549, %mul3A_629 : i32
        %add3A_631 = arith.constant 6 : i32
        %add3A_632 = arith.addi %mul3A_630, %add3A_631 : i32
        %dma_start3A_633 = arith.constant 0 : i32
        %dma_start3A_634 = arith.constant 0 : i32
        %dma_start3A_635 = tpu.memref_slice %arg12[%dma_start3A_633, %dma_start3A_634] : memref<256x128xf32, #tpu.memory_space<vmem>> -> memref<128x128xf32, #tpu.memory_space<vmem>>
        %dma_start3A_636 = arith.constant 0 : i32
        %dma_start3A_637 = tpu.memref_slice %arg10[%add3A_632, %dma_start3A_636] : memref<96x128xi32, #tpu.memory_space<vmem>> -> memref<1x128xi32, #tpu.memory_space<vmem>>
        %dma_start3A_638 = tpu.memref_squeeze %dma_start3A_637 : memref<1x128xi32, #tpu.memory_space<vmem>> -> memref<128xi32, #tpu.memory_space<vmem>>
        %dma_start3A_639 = arith.constant 0 : i32
        %dma_start3A_640 = arith.constant 0 : i32
        %dma_start3A_641 = tpu.memref_slice %arg13[%dma_start3A_639, %dma_start3A_640] : memref<10240x128xf32, #tpu.memory_space<vmem_shared>> -> memref<10240x128xf32, #tpu.memory_space<vmem_shared>>
        tpu.enqueue_indirect_dma source(%dma_start3A_635 : memref<128x128xf32, #tpu.memory_space<vmem>>) target(%dma_start3A_641 : memref<10240x128xf32, #tpu.memory_space<vmem_shared>>) offsets(%dma_start3A_638 : memref<128xi32, #tpu.memory_space<vmem>>) semaphore(%arg15 : memref<!tpu.dma_semaphore, #tpu.memory_space<semaphore_mem>>) {add = true}
        %mul3A_642 = arith.constant 8 : i32
        %mul3A_643 = arith.muli %scan3A_549, %mul3A_642 : i32
        %add3A_644 = arith.constant 7 : i32
        %add3A_645 = arith.addi %mul3A_643, %add3A_644 : i32
        %dma_start3A_646 = arith.constant 0 : i32
        %dma_start3A_647 = arith.constant 0 : i32
        %dma_start3A_648 = tpu.memref_slice %arg12[%dma_start3A_646, %dma_start3A_647] : memref<256x128xf32, #tpu.memory_space<vmem>> -> memref<128x128xf32, #tpu.memory_space<vmem>>
        %dma_start3A_649 = arith.constant 0 : i32
        %dma_start3A_650 = tpu.memref_slice %arg10[%add3A_645, %dma_start3A_649] : memref<96x128xi32, #tpu.memory_space<vmem>> -> memref<1x128xi32, #tpu.memory_space<vmem>>
        %dma_start3A_651 = tpu.memref_squeeze %dma_start3A_650 : memref<1x128xi32, #tpu.memory_space<vmem>> -> memref<128xi32, #tpu.memory_space<vmem>>
        %dma_start3A_652 = arith.constant 0 : i32
        %dma_start3A_653 = arith.constant 0 : i32
        %dma_start3A_654 = tpu.memref_slice %arg13[%dma_start3A_652, %dma_start3A_653] : memref<10240x128xf32, #tpu.memory_space<vmem_shared>> -> memref<10240x128xf32, #tpu.memory_space<vmem_shared>>
        tpu.enqueue_indirect_dma source(%dma_start3A_648 : memref<128x128xf32, #tpu.memory_space<vmem>>) target(%dma_start3A_654 : memref<10240x128xf32, #tpu.memory_space<vmem_shared>>) offsets(%dma_start3A_651 : memref<128xi32, #tpu.memory_space<vmem>>) semaphore(%arg15 : memref<!tpu.dma_semaphore, #tpu.memory_space<semaphore_mem>>) {add = true}
        %dma_wait3A_655 = arith.constant 0 : i32
        %dma_wait3A_656 = arith.constant 0 : i32
        %dma_wait3A_657 = tpu.memref_slice %arg12[%dma_wait3A_655, %dma_wait3A_656] : memref<256x128xf32, #tpu.memory_space<vmem>> -> memref<128x128xf32, #tpu.memory_space<vmem>>
        %dma_wait3A_658 = arith.constant 0 : i32
        %dma_wait3A_659 = tpu.memref_slice %arg10[%add3A_554, %dma_wait3A_658] : memref<96x128xi32, #tpu.memory_space<vmem>> -> memref<1x128xi32, #tpu.memory_space<vmem>>
        %dma_wait3A_660 = tpu.memref_squeeze %dma_wait3A_659 : memref<1x128xi32, #tpu.memory_space<vmem>> -> memref<128xi32, #tpu.memory_space<vmem>>
        %dma_wait3A_661 = arith.constant 0 : i32
        %dma_wait3A_662 = arith.constant 0 : i32
        %dma_wait3A_663 = tpu.memref_slice %arg13[%dma_wait3A_661, %dma_wait3A_662] : memref<10240x128xf32, #tpu.memory_space<vmem_shared>> -> memref<10240x128xf32, #tpu.memory_space<vmem_shared>>
        tpu.wait_indirect_dma semaphore(%arg15 : memref<!tpu.dma_semaphore, #tpu.memory_space<semaphore_mem>>) src(%dma_wait3A_657 : memref<128x128xf32, #tpu.memory_space<vmem>>) dst(%dma_wait3A_663 : memref<10240x128xf32, #tpu.memory_space<vmem_shared>>)
        %dma_wait3A_664 = arith.constant 0 : i32
        %dma_wait3A_665 = arith.constant 0 : i32
        %dma_wait3A_666 = tpu.memref_slice %arg12[%dma_wait3A_664, %dma_wait3A_665] : memref<256x128xf32, #tpu.memory_space<vmem>> -> memref<128x128xf32, #tpu.memory_space<vmem>>
        %dma_wait3A_667 = arith.constant 0 : i32
        %dma_wait3A_668 = tpu.memref_slice %arg10[%add3A_567, %dma_wait3A_667] : memref<96x128xi32, #tpu.memory_space<vmem>> -> memref<1x128xi32, #tpu.memory_space<vmem>>
        %dma_wait3A_669 = tpu.memref_squeeze %dma_wait3A_668 : memref<1x128xi32, #tpu.memory_space<vmem>> -> memref<128xi32, #tpu.memory_space<vmem>>
        %dma_wait3A_670 = arith.constant 0 : i32
        %dma_wait3A_671 = arith.constant 0 : i32
        %dma_wait3A_672 = tpu.memref_slice %arg13[%dma_wait3A_670, %dma_wait3A_671] : memref<10240x128xf32, #tpu.memory_space<vmem_shared>> -> memref<10240x128xf32, #tpu.memory_space<vmem_shared>>
        tpu.wait_indirect_dma semaphore(%arg15 : memref<!tpu.dma_semaphore, #tpu.memory_space<semaphore_mem>>) src(%dma_wait3A_666 : memref<128x128xf32, #tpu.memory_space<vmem>>) dst(%dma_wait3A_672 : memref<10240x128xf32, #tpu.memory_space<vmem_shared>>)
        %dma_wait3A_673 = arith.constant 0 : i32
        %dma_wait3A_674 = arith.constant 0 : i32
        %dma_wait3A_675 = tpu.memref_slice %arg12[%dma_wait3A_673, %dma_wait3A_674] : memref<256x128xf32, #tpu.memory_space<vmem>> -> memref<128x128xf32, #tpu.memory_space<vmem>>
        %dma_wait3A_676 = arith.constant 0 : i32
        %dma_wait3A_677 = tpu.memref_slice %arg10[%add3A_580, %dma_wait3A_676] : memref<96x128xi32, #tpu.memory_space<vmem>> -> memref<1x128xi32, #tpu.memory_space<vmem>>
        %dma_wait3A_678 = tpu.memref_squeeze %dma_wait3A_677 : memref<1x128xi32, #tpu.memory_space<vmem>> -> memref<128xi32, #tpu.memory_space<vmem>>
        %dma_wait3A_679 = arith.constant 0 : i32
        %dma_wait3A_680 = arith.constant 0 : i32
        %dma_wait3A_681 = tpu.memref_slice %arg13[%dma_wait3A_679, %dma_wait3A_680] : memref<10240x128xf32, #tpu.memory_space<vmem_shared>> -> memref<10240x128xf32, #tpu.memory_space<vmem_shared>>
        tpu.wait_indirect_dma semaphore(%arg15 : memref<!tpu.dma_semaphore, #tpu.memory_space<semaphore_mem>>) src(%dma_wait3A_675 : memref<128x128xf32, #tpu.memory_space<vmem>>) dst(%dma_wait3A_681 : memref<10240x128xf32, #tpu.memory_space<vmem_shared>>)
        %dma_wait3A_682 = arith.constant 0 : i32
        %dma_wait3A_683 = arith.constant 0 : i32
        %dma_wait3A_684 = tpu.memref_slice %arg12[%dma_wait3A_682, %dma_wait3A_683] : memref<256x128xf32, #tpu.memory_space<vmem>> -> memref<128x128xf32, #tpu.memory_space<vmem>>
        %dma_wait3A_685 = arith.constant 0 : i32
        %dma_wait3A_686 = tpu.memref_slice %arg10[%add3A_593, %dma_wait3A_685] : memref<96x128xi32, #tpu.memory_space<vmem>> -> memref<1x128xi32, #tpu.memory_space<vmem>>
        %dma_wait3A_687 = tpu.memref_squeeze %dma_wait3A_686 : memref<1x128xi32, #tpu.memory_space<vmem>> -> memref<128xi32, #tpu.memory_space<vmem>>
        %dma_wait3A_688 = arith.constant 0 : i32
        %dma_wait3A_689 = arith.constant 0 : i32
        %dma_wait3A_690 = tpu.memref_slice %arg13[%dma_wait3A_688, %dma_wait3A_689] : memref<10240x128xf32, #tpu.memory_space<vmem_shared>> -> memref<10240x128xf32, #tpu.memory_space<vmem_shared>>
        tpu.wait_indirect_dma semaphore(%arg15 : memref<!tpu.dma_semaphore, #tpu.memory_space<semaphore_mem>>) src(%dma_wait3A_684 : memref<128x128xf32, #tpu.memory_space<vmem>>) dst(%dma_wait3A_690 : memref<10240x128xf32, #tpu.memory_space<vmem_shared>>)
        %dma_wait3A_691 = arith.constant 0 : i32
        %dma_wait3A_692 = arith.constant 0 : i32
        %dma_wait3A_693 = tpu.memref_slice %arg12[%dma_wait3A_691, %dma_wait3A_692] : memref<256x128xf32, #tpu.memory_space<vmem>> -> memref<128x128xf32, #tpu.memory_space<vmem>>
        %dma_wait3A_694 = arith.constant 0 : i32
        %dma_wait3A_695 = tpu.memref_slice %arg10[%add3A_606, %dma_wait3A_694] : memref<96x128xi32, #tpu.memory_space<vmem>> -> memref<1x128xi32, #tpu.memory_space<vmem>>
        %dma_wait3A_696 = tpu.memref_squeeze %dma_wait3A_695 : memref<1x128xi32, #tpu.memory_space<vmem>> -> memref<128xi32, #tpu.memory_space<vmem>>
        %dma_wait3A_697 = arith.constant 0 : i32
        %dma_wait3A_698 = arith.constant 0 : i32
        %dma_wait3A_699 = tpu.memref_slice %arg13[%dma_wait3A_697, %dma_wait3A_698] : memref<10240x128xf32, #tpu.memory_space<vmem_shared>> -> memref<10240x128xf32, #tpu.memory_space<vmem_shared>>
        tpu.wait_indirect_dma semaphore(%arg15 : memref<!tpu.dma_semaphore, #tpu.memory_space<semaphore_mem>>) src(%dma_wait3A_693 : memref<128x128xf32, #tpu.memory_space<vmem>>) dst(%dma_wait3A_699 : memref<10240x128xf32, #tpu.memory_space<vmem_shared>>)
        %dma_wait3A_700 = arith.constant 0 : i32
        %dma_wait3A_701 = arith.constant 0 : i32
        %dma_wait3A_702 = tpu.memref_slice %arg12[%dma_wait3A_700, %dma_wait3A_701] : memref<256x128xf32, #tpu.memory_space<vmem>> -> memref<128x128xf32, #tpu.memory_space<vmem>>
        %dma_wait3A_703 = arith.constant 0 : i32
        %dma_wait3A_704 = tpu.memref_slice %arg10[%add3A_619, %dma_wait3A_703] : memref<96x128xi32, #tpu.memory_space<vmem>> -> memref<1x128xi32, #tpu.memory_space<vmem>>
        %dma_wait3A_705 = tpu.memref_squeeze %dma_wait3A_704 : memref<1x128xi32, #tpu.memory_space<vmem>> -> memref<128xi32, #tpu.memory_space<vmem>>
        %dma_wait3A_706 = arith.constant 0 : i32
        %dma_wait3A_707 = arith.constant 0 : i32
        %dma_wait3A_708 = tpu.memref_slice %arg13[%dma_wait3A_706, %dma_wait3A_707] : memref<10240x128xf32, #tpu.memory_space<vmem_shared>> -> memref<10240x128xf32, #tpu.memory_space<vmem_shared>>
        tpu.wait_indirect_dma semaphore(%arg15 : memref<!tpu.dma_semaphore, #tpu.memory_space<semaphore_mem>>) src(%dma_wait3A_702 : memref<128x128xf32, #tpu.memory_space<vmem>>) dst(%dma_wait3A_708 : memref<10240x128xf32, #tpu.memory_space<vmem_shared>>)
        %dma_wait3A_709 = arith.constant 0 : i32
        %dma_wait3A_710 = arith.constant 0 : i32
        %dma_wait3A_711 = tpu.memref_slice %arg12[%dma_wait3A_709, %dma_wait3A_710] : memref<256x128xf32, #tpu.memory_space<vmem>> -> memref<128x128xf32, #tpu.memory_space<vmem>>
        %dma_wait3A_712 = arith.constant 0 : i32
        %dma_wait3A_713 = tpu.memref_slice %arg10[%add3A_632, %dma_wait3A_712] : memref<96x128xi32, #tpu.memory_space<vmem>> -> memref<1x128xi32, #tpu.memory_space<vmem>>
        %dma_wait3A_714 = tpu.memref_squeeze %dma_wait3A_713 : memref<1x128xi32, #tpu.memory_space<vmem>> -> memref<128xi32, #tpu.memory_space<vmem>>
        %dma_wait3A_715 = arith.constant 0 : i32
        %dma_wait3A_716 = arith.constant 0 : i32
        %dma_wait3A_717 = tpu.memref_slice %arg13[%dma_wait3A_715, %dma_wait3A_716] : memref<10240x128xf32, #tpu.memory_space<vmem_shared>> -> memref<10240x128xf32, #tpu.memory_space<vmem_shared>>
        tpu.wait_indirect_dma semaphore(%arg15 : memref<!tpu.dma_semaphore, #tpu.memory_space<semaphore_mem>>) src(%dma_wait3A_711 : memref<128x128xf32, #tpu.memory_space<vmem>>) dst(%dma_wait3A_717 : memref<10240x128xf32, #tpu.memory_space<vmem_shared>>)
        %dma_wait3A_718 = arith.constant 0 : i32
        %dma_wait3A_719 = arith.constant 0 : i32
        %dma_wait3A_720 = tpu.memref_slice %arg12[%dma_wait3A_718, %dma_wait3A_719] : memref<256x128xf32, #tpu.memory_space<vmem>> -> memref<128x128xf32, #tpu.memory_space<vmem>>
        %dma_wait3A_721 = arith.constant 0 : i32
        %dma_wait3A_722 = tpu.memref_slice %arg10[%add3A_645, %dma_wait3A_721] : memref<96x128xi32, #tpu.memory_space<vmem>> -> memref<1x128xi32, #tpu.memory_space<vmem>>
        %dma_wait3A_723 = tpu.memref_squeeze %dma_wait3A_722 : memref<1x128xi32, #tpu.memory_space<vmem>> -> memref<128xi32, #tpu.memory_space<vmem>>
        %dma_wait3A_724 = arith.constant 0 : i32
        %dma_wait3A_725 = arith.constant 0 : i32
        %dma_wait3A_726 = tpu.memref_slice %arg13[%dma_wait3A_724, %dma_wait3A_725] : memref<10240x128xf32, #tpu.memory_space<vmem_shared>> -> memref<10240x128xf32, #tpu.memory_space<vmem_shared>>
        tpu.wait_indirect_dma semaphore(%arg15 : memref<!tpu.dma_semaphore, #tpu.memory_space<semaphore_mem>>) src(%dma_wait3A_720 : memref<128x128xf32, #tpu.memory_space<vmem>>) dst(%dma_wait3A_726 : memref<10240x128xf32, #tpu.memory_space<vmem_shared>>)
        %scan3A_727 = arith.constant 0 : i32
        scf.yield %scan3A_727 : i32
      }
      %scan3A_548 = arith.constant 8 : i32
    } else {
    }
    %barrier3A_407 = arith.constant 0 : index
    tpu.barrier barrier_id(%barrier3A_407)
    %add3A_408 = arith.constant 0 : i32
    %add3A_409 = arith.addi %mul3A_2, %add3A_408 : i32
    "tpu.region"() ({
      %run_scoped3A = tpu.sem_alloc : memref<!tpu.dma_semaphore, #tpu.memory_space<semaphore_mem>>
      %dma_start3A_543 = arith.constant 0 : i32
      %dma_start3A_544 = arith.constant 0 : i32
      %dma_start3A_545 = tpu.memref_slice %arg12[%dma_start3A_543, %dma_start3A_544] : memref<256x128xf32, #tpu.memory_space<vmem>> -> memref<128x128xf32, #tpu.memory_space<vmem>>
      %dma_start3A_546 = arith.constant 0 : i32
      %dma_start3A_547 = tpu.memref_slice %arg13[%add3A_409, %dma_start3A_546] : memref<10240x128xf32, #tpu.memory_space<vmem_shared>> -> memref<128x128xf32, #tpu.memory_space<vmem_shared>>
      %dma_start3A_548 = arith.constant 0 : i32
      %dma_start3A_549 = arith.constant 0 : i32
      %dma_start3A_550 = tpu.memref_slice %arg12[%dma_start3A_548, %dma_start3A_549] : memref<256x128xf32, #tpu.memory_space<vmem>> -> memref<128x128xf32, #tpu.memory_space<vmem>>
      %dma_start3A_551 = arith.constant 0 : i32
      %dma_start3A_552 = tpu.memref_slice %arg13[%add3A_409, %dma_start3A_551] : memref<10240x128xf32, #tpu.memory_space<vmem_shared>> -> memref<128x128xf32, #tpu.memory_space<vmem_shared>>
      tpu.enqueue_dma source(%dma_start3A_552 : memref<128x128xf32, #tpu.memory_space<vmem_shared>>) target(%dma_start3A_550 : memref<128x128xf32, #tpu.memory_space<vmem>>) target_semaphore(%run_scoped3A : memref<!tpu.dma_semaphore, #tpu.memory_space<semaphore_mem>>)
      %dma_wait3A_553 = arith.constant 0 : i32
      %dma_wait3A_554 = arith.constant 0 : i32
      %dma_wait3A_555 = tpu.memref_slice %arg12[%dma_wait3A_553, %dma_wait3A_554] : memref<256x128xf32, #tpu.memory_space<vmem>> -> memref<128x128xf32, #tpu.memory_space<vmem>>
      %dma_wait3A_556 = arith.constant 0 : i32
      %dma_wait3A_557 = tpu.memref_slice %arg13[%add3A_409, %dma_wait3A_556] : memref<10240x128xf32, #tpu.memory_space<vmem_shared>> -> memref<128x128xf32, #tpu.memory_space<vmem_shared>>
      %dma_wait3A_558 = arith.constant 0 : i32
      %dma_wait3A_559 = arith.constant 0 : i32
      %dma_wait3A_560 = tpu.memref_slice %arg12[%dma_wait3A_558, %dma_wait3A_559] : memref<256x128xf32, #tpu.memory_space<vmem>> -> memref<128x128xf32, #tpu.memory_space<vmem>>
      %dma_wait3A_561 = arith.constant 0 : i32
      %dma_wait3A_562 = tpu.memref_slice %arg13[%add3A_409, %dma_wait3A_561] : memref<10240x128xf32, #tpu.memory_space<vmem_shared>> -> memref<128x128xf32, #tpu.memory_space<vmem_shared>>
      tpu.wait_dma2 semaphore(%run_scoped3A : memref<!tpu.dma_semaphore, #tpu.memory_space<semaphore_mem>>) src(%dma_wait3A_562 : memref<128x128xf32, #tpu.memory_space<vmem_shared>>) dst(%dma_wait3A_560 : memref<128x128xf32, #tpu.memory_space<vmem>>)
      tpu.yield
    }) : () -> ()
    %mul3A_410 = arith.constant 10240 : i32
    %mul3A_411 = arith.muli %arg0, %mul3A_410 : i32
    %add3A_412 = arith.addi %mul3A_411, %mul3A_2 : i32
    %add3A_413 = arith.constant 0 : i32
    %add3A_414 = arith.addi %add3A_412, %add3A_413 : i32
    %dma_start3A_415 = arith.constant 0 : i32
    %dma_start3A_416 = arith.constant 0 : i32
    %dma_start3A_417 = tpu.memref_slice %arg12[%dma_start3A_415, %dma_start3A_416] : memref<256x128xf32, #tpu.memory_space<vmem>> -> memref<128x128xf32, #tpu.memory_space<vmem>>
    %dma_start3A_418 = arith.constant 0 : i32
    %dma_start3A_419 = tpu.memref_slice %arg8[%add3A_414, %dma_start3A_418] : memref<20480x128xf32, #tpu.memory_space<hbm>> -> memref<128x128xf32, #tpu.memory_space<hbm>>
    %dma_start3A_420 = arith.constant 0 : i32
    %dma_start3A_421 = tpu.memref_slice %arg8[%add3A_414, %dma_start3A_420] : memref<20480x128xf32, #tpu.memory_space<hbm>> -> memref<128x128xf32, #tpu.memory_space<hbm>>
    %dma_start3A_422 = arith.constant 0 : i32
    %dma_start3A_423 = arith.constant 0 : i32
    %dma_start3A_424 = tpu.memref_slice %arg12[%dma_start3A_422, %dma_start3A_423] : memref<256x128xf32, #tpu.memory_space<vmem>> -> memref<128x128xf32, #tpu.memory_space<vmem>>
    tpu.enqueue_dma source(%dma_start3A_424 : memref<128x128xf32, #tpu.memory_space<vmem>>) target(%dma_start3A_421 : memref<128x128xf32, #tpu.memory_space<hbm>>) target_semaphore(%arg15 : memref<!tpu.dma_semaphore, #tpu.memory_space<semaphore_mem>>)
    %add3A_425 = arith.constant 128 : i32
    %add3A_426 = arith.addi %mul3A_2, %add3A_425 : i32
    "tpu.region"() ({
      %run_scoped3A = tpu.sem_alloc : memref<!tpu.dma_semaphore, #tpu.memory_space<semaphore_mem>>
      %dma_start3A_543 = arith.constant 128 : i32
      %dma_start3A_544 = arith.constant 0 : i32
      %dma_start3A_545 = tpu.memref_slice %arg12[%dma_start3A_543, %dma_start3A_544] : memref<256x128xf32, #tpu.memory_space<vmem>> -> memref<128x128xf32, #tpu.memory_space<vmem>>
      %dma_start3A_546 = arith.constant 0 : i32
      %dma_start3A_547 = tpu.memref_slice %arg13[%add3A_426, %dma_start3A_546] : memref<10240x128xf32, #tpu.memory_space<vmem_shared>> -> memref<128x128xf32, #tpu.memory_space<vmem_shared>>
      %dma_start3A_548 = arith.constant 128 : i32
      %dma_start3A_549 = arith.constant 0 : i32
      %dma_start3A_550 = tpu.memref_slice %arg12[%dma_start3A_548, %dma_start3A_549] : memref<256x128xf32, #tpu.memory_space<vmem>> -> memref<128x128xf32, #tpu.memory_space<vmem>>
      %dma_start3A_551 = arith.constant 0 : i32
      %dma_start3A_552 = tpu.memref_slice %arg13[%add3A_426, %dma_start3A_551] : memref<10240x128xf32, #tpu.memory_space<vmem_shared>> -> memref<128x128xf32, #tpu.memory_space<vmem_shared>>
      tpu.enqueue_dma source(%dma_start3A_552 : memref<128x128xf32, #tpu.memory_space<vmem_shared>>) target(%dma_start3A_550 : memref<128x128xf32, #tpu.memory_space<vmem>>) target_semaphore(%run_scoped3A : memref<!tpu.dma_semaphore, #tpu.memory_space<semaphore_mem>>)
      %dma_wait3A_553 = arith.constant 128 : i32
      %dma_wait3A_554 = arith.constant 0 : i32
      %dma_wait3A_555 = tpu.memref_slice %arg12[%dma_wait3A_553, %dma_wait3A_554] : memref<256x128xf32, #tpu.memory_space<vmem>> -> memref<128x128xf32, #tpu.memory_space<vmem>>
      %dma_wait3A_556 = arith.constant 0 : i32
      %dma_wait3A_557 = tpu.memref_slice %arg13[%add3A_426, %dma_wait3A_556] : memref<10240x128xf32, #tpu.memory_space<vmem_shared>> -> memref<128x128xf32, #tpu.memory_space<vmem_shared>>
      %dma_wait3A_558 = arith.constant 128 : i32
      %dma_wait3A_559 = arith.constant 0 : i32
      %dma_wait3A_560 = tpu.memref_slice %arg12[%dma_wait3A_558, %dma_wait3A_559] : memref<256x128xf32, #tpu.memory_space<vmem>> -> memref<128x128xf32, #tpu.memory_space<vmem>>
      %dma_wait3A_561 = arith.constant 0 : i32
      %dma_wait3A_562 = tpu.memref_slice %arg13[%add3A_426, %dma_wait3A_561] : memref<10240x128xf32, #tpu.memory_space<vmem_shared>> -> memref<128x128xf32, #tpu.memory_space<vmem_shared>>
      tpu.wait_dma2 semaphore(%run_scoped3A : memref<!tpu.dma_semaphore, #tpu.memory_space<semaphore_mem>>) src(%dma_wait3A_562 : memref<128x128xf32, #tpu.memory_space<vmem_shared>>) dst(%dma_wait3A_560 : memref<128x128xf32, #tpu.memory_space<vmem>>)
      tpu.yield
    }) : () -> ()
    %mul3A_427 = arith.constant 10240 : i32
    %mul3A_428 = arith.muli %arg0, %mul3A_427 : i32
    %add3A_429 = arith.addi %mul3A_428, %mul3A_2 : i32
    %add3A_430 = arith.constant 128 : i32
    %add3A_431 = arith.addi %add3A_429, %add3A_430 : i32
    %dma_start3A_432 = arith.constant 128 : i32
    %dma_start3A_433 = arith.constant 0 : i32
    %dma_start3A_434 = tpu.memref_slice %arg12[%dma_start3A_432, %dma_start3A_433] : memref<256x128xf32, #tpu.memory_space<vmem>> -> memref<128x128xf32, #tpu.memory_space<vmem>>
    %dma_start3A_435 = arith.constant 0 : i32
    %dma_start3A_436 = tpu.memref_slice %arg8[%add3A_431, %dma_start3A_435] : memref<20480x128xf32, #tpu.memory_space<hbm>> -> memref<128x128xf32, #tpu.memory_space<hbm>>
    %dma_start3A_437 = arith.constant 0 : i32
    %dma_start3A_438 = tpu.memref_slice %arg8[%add3A_431, %dma_start3A_437] : memref<20480x128xf32, #tpu.memory_space<hbm>> -> memref<128x128xf32, #tpu.memory_space<hbm>>
    %dma_start3A_439 = arith.constant 128 : i32
    %dma_start3A_440 = arith.constant 0 : i32
    %dma_start3A_441 = tpu.memref_slice %arg12[%dma_start3A_439, %dma_start3A_440] : memref<256x128xf32, #tpu.memory_space<vmem>> -> memref<128x128xf32, #tpu.memory_space<vmem>>
    tpu.enqueue_dma source(%dma_start3A_441 : memref<128x128xf32, #tpu.memory_space<vmem>>) target(%dma_start3A_438 : memref<128x128xf32, #tpu.memory_space<hbm>>) target_semaphore(%arg15 : memref<!tpu.dma_semaphore, #tpu.memory_space<semaphore_mem>>)
    %dma_wait3A_442 = arith.constant 0 : i32
    %dma_wait3A_443 = arith.constant 0 : i32
    %dma_wait3A_444 = tpu.memref_slice %arg12[%dma_wait3A_442, %dma_wait3A_443] : memref<256x128xf32, #tpu.memory_space<vmem>> -> memref<128x128xf32, #tpu.memory_space<vmem>>
    %dma_wait3A_445 = arith.constant 0 : i32
    %dma_wait3A_446 = tpu.memref_slice %arg8[%add3A_414, %dma_wait3A_445] : memref<20480x128xf32, #tpu.memory_space<hbm>> -> memref<128x128xf32, #tpu.memory_space<hbm>>
    %dma_wait3A_447 = arith.constant 0 : i32
    %dma_wait3A_448 = tpu.memref_slice %arg8[%add3A_414, %dma_wait3A_447] : memref<20480x128xf32, #tpu.memory_space<hbm>> -> memref<128x128xf32, #tpu.memory_space<hbm>>
    %dma_wait3A_449 = arith.constant 0 : i32
    %dma_wait3A_450 = arith.constant 0 : i32
    %dma_wait3A_451 = tpu.memref_slice %arg12[%dma_wait3A_449, %dma_wait3A_450] : memref<256x128xf32, #tpu.memory_space<vmem>> -> memref<128x128xf32, #tpu.memory_space<vmem>>
    tpu.wait_dma2 semaphore(%arg15 : memref<!tpu.dma_semaphore, #tpu.memory_space<semaphore_mem>>) src(%dma_wait3A_451 : memref<128x128xf32, #tpu.memory_space<vmem>>) dst(%dma_wait3A_448 : memref<128x128xf32, #tpu.memory_space<hbm>>)
    %add3A_452 = arith.constant 256 : i32
    %add3A_453 = arith.addi %mul3A_2, %add3A_452 : i32
    "tpu.region"() ({
      %run_scoped3A = tpu.sem_alloc : memref<!tpu.dma_semaphore, #tpu.memory_space<semaphore_mem>>
      %dma_start3A_543 = arith.constant 0 : i32
      %dma_start3A_544 = arith.constant 0 : i32
      %dma_start3A_545 = tpu.memref_slice %arg12[%dma_start3A_543, %dma_start3A_544] : memref<256x128xf32, #tpu.memory_space<vmem>> -> memref<128x128xf32, #tpu.memory_space<vmem>>
      %dma_start3A_546 = arith.constant 0 : i32
      %dma_start3A_547 = tpu.memref_slice %arg13[%add3A_453, %dma_start3A_546] : memref<10240x128xf32, #tpu.memory_space<vmem_shared>> -> memref<128x128xf32, #tpu.memory_space<vmem_shared>>
      %dma_start3A_548 = arith.constant 0 : i32
      %dma_start3A_549 = arith.constant 0 : i32
      %dma_start3A_550 = tpu.memref_slice %arg12[%dma_start3A_548, %dma_start3A_549] : memref<256x128xf32, #tpu.memory_space<vmem>> -> memref<128x128xf32, #tpu.memory_space<vmem>>
      %dma_start3A_551 = arith.constant 0 : i32
      %dma_start3A_552 = tpu.memref_slice %arg13[%add3A_453, %dma_start3A_551] : memref<10240x128xf32, #tpu.memory_space<vmem_shared>> -> memref<128x128xf32, #tpu.memory_space<vmem_shared>>
      tpu.enqueue_dma source(%dma_start3A_552 : memref<128x128xf32, #tpu.memory_space<vmem_shared>>) target(%dma_start3A_550 : memref<128x128xf32, #tpu.memory_space<vmem>>) target_semaphore(%run_scoped3A : memref<!tpu.dma_semaphore, #tpu.memory_space<semaphore_mem>>)
      %dma_wait3A_553 = arith.constant 0 : i32
      %dma_wait3A_554 = arith.constant 0 : i32
      %dma_wait3A_555 = tpu.memref_slice %arg12[%dma_wait3A_553, %dma_wait3A_554] : memref<256x128xf32, #tpu.memory_space<vmem>> -> memref<128x128xf32, #tpu.memory_space<vmem>>
      %dma_wait3A_556 = arith.constant 0 : i32
      %dma_wait3A_557 = tpu.memref_slice %arg13[%add3A_453, %dma_wait3A_556] : memref<10240x128xf32, #tpu.memory_space<vmem_shared>> -> memref<128x128xf32, #tpu.memory_space<vmem_shared>>
      %dma_wait3A_558 = arith.constant 0 : i32
      %dma_wait3A_559 = arith.constant 0 : i32
      %dma_wait3A_560 = tpu.memref_slice %arg12[%dma_wait3A_558, %dma_wait3A_559] : memref<256x128xf32, #tpu.memory_space<vmem>> -> memref<128x128xf32, #tpu.memory_space<vmem>>
      %dma_wait3A_561 = arith.constant 0 : i32
      %dma_wait3A_562 = tpu.memref_slice %arg13[%add3A_453, %dma_wait3A_561] : memref<10240x128xf32, #tpu.memory_space<vmem_shared>> -> memref<128x128xf32, #tpu.memory_space<vmem_shared>>
      tpu.wait_dma2 semaphore(%run_scoped3A : memref<!tpu.dma_semaphore, #tpu.memory_space<semaphore_mem>>) src(%dma_wait3A_562 : memref<128x128xf32, #tpu.memory_space<vmem_shared>>) dst(%dma_wait3A_560 : memref<128x128xf32, #tpu.memory_space<vmem>>)
      tpu.yield
    }) : () -> ()
    %mul3A_454 = arith.constant 10240 : i32
    %mul3A_455 = arith.muli %arg0, %mul3A_454 : i32
    %add3A_456 = arith.addi %mul3A_455, %mul3A_2 : i32
    %add3A_457 = arith.constant 256 : i32
    %add3A_458 = arith.addi %add3A_456, %add3A_457 : i32
    %dma_start3A_459 = arith.constant 0 : i32
    %dma_start3A_460 = arith.constant 0 : i32
    %dma_start3A_461 = tpu.memref_slice %arg12[%dma_start3A_459, %dma_start3A_460] : memref<256x128xf32, #tpu.memory_space<vmem>> -> memref<128x128xf32, #tpu.memory_space<vmem>>
    %dma_start3A_462 = arith.constant 0 : i32
    %dma_start3A_463 = tpu.memref_slice %arg8[%add3A_458, %dma_start3A_462] : memref<20480x128xf32, #tpu.memory_space<hbm>> -> memref<128x128xf32, #tpu.memory_space<hbm>>
    %dma_start3A_464 = arith.constant 0 : i32
    %dma_start3A_465 = tpu.memref_slice %arg8[%add3A_458, %dma_start3A_464] : memref<20480x128xf32, #tpu.memory_space<hbm>> -> memref<128x128xf32, #tpu.memory_space<hbm>>
    %dma_start3A_466 = arith.constant 0 : i32
    %dma_start3A_467 = arith.constant 0 : i32
    %dma_start3A_468 = tpu.memref_slice %arg12[%dma_start3A_466, %dma_start3A_467] : memref<256x128xf32, #tpu.memory_space<vmem>> -> memref<128x128xf32, #tpu.memory_space<vmem>>
    tpu.enqueue_dma source(%dma_start3A_468 : memref<128x128xf32, #tpu.memory_space<vmem>>) target(%dma_start3A_465 : memref<128x128xf32, #tpu.memory_space<hbm>>) target_semaphore(%arg15 : memref<!tpu.dma_semaphore, #tpu.memory_space<semaphore_mem>>)
    %dma_wait3A_469 = arith.constant 128 : i32
    %dma_wait3A_470 = arith.constant 0 : i32
    %dma_wait3A_471 = tpu.memref_slice %arg12[%dma_wait3A_469, %dma_wait3A_470] : memref<256x128xf32, #tpu.memory_space<vmem>> -> memref<128x128xf32, #tpu.memory_space<vmem>>
    %dma_wait3A_472 = arith.constant 0 : i32
    %dma_wait3A_473 = tpu.memref_slice %arg8[%add3A_431, %dma_wait3A_472] : memref<20480x128xf32, #tpu.memory_space<hbm>> -> memref<128x128xf32, #tpu.memory_space<hbm>>
    %dma_wait3A_474 = arith.constant 0 : i32
    %dma_wait3A_475 = tpu.memref_slice %arg8[%add3A_431, %dma_wait3A_474] : memref<20480x128xf32, #tpu.memory_space<hbm>> -> memref<128x128xf32, #tpu.memory_space<hbm>>
    %dma_wait3A_476 = arith.constant 128 : i32
    %dma_wait3A_477 = arith.constant 0 : i32
    %dma_wait3A_478 = tpu.memref_slice %arg12[%dma_wait3A_476, %dma_wait3A_477] : memref<256x128xf32, #tpu.memory_space<vmem>> -> memref<128x128xf32, #tpu.memory_space<vmem>>
    tpu.wait_dma2 semaphore(%arg15 : memref<!tpu.dma_semaphore, #tpu.memory_space<semaphore_mem>>) src(%dma_wait3A_478 : memref<128x128xf32, #tpu.memory_space<vmem>>) dst(%dma_wait3A_475 : memref<128x128xf32, #tpu.memory_space<hbm>>)
    %add3A_479 = arith.constant 384 : i32
    %add3A_480 = arith.addi %mul3A_2, %add3A_479 : i32
    "tpu.region"() ({
      %run_scoped3A = tpu.sem_alloc : memref<!tpu.dma_semaphore, #tpu.memory_space<semaphore_mem>>
      %dma_start3A_543 = arith.constant 128 : i32
      %dma_start3A_544 = arith.constant 0 : i32
      %dma_start3A_545 = tpu.memref_slice %arg12[%dma_start3A_543, %dma_start3A_544] : memref<256x128xf32, #tpu.memory_space<vmem>> -> memref<128x128xf32, #tpu.memory_space<vmem>>
      %dma_start3A_546 = arith.constant 0 : i32
      %dma_start3A_547 = tpu.memref_slice %arg13[%add3A_480, %dma_start3A_546] : memref<10240x128xf32, #tpu.memory_space<vmem_shared>> -> memref<128x128xf32, #tpu.memory_space<vmem_shared>>
      %dma_start3A_548 = arith.constant 128 : i32
      %dma_start3A_549 = arith.constant 0 : i32
      %dma_start3A_550 = tpu.memref_slice %arg12[%dma_start3A_548, %dma_start3A_549] : memref<256x128xf32, #tpu.memory_space<vmem>> -> memref<128x128xf32, #tpu.memory_space<vmem>>
      %dma_start3A_551 = arith.constant 0 : i32
      %dma_start3A_552 = tpu.memref_slice %arg13[%add3A_480, %dma_start3A_551] : memref<10240x128xf32, #tpu.memory_space<vmem_shared>> -> memref<128x128xf32, #tpu.memory_space<vmem_shared>>
      tpu.enqueue_dma source(%dma_start3A_552 : memref<128x128xf32, #tpu.memory_space<vmem_shared>>) target(%dma_start3A_550 : memref<128x128xf32, #tpu.memory_space<vmem>>) target_semaphore(%run_scoped3A : memref<!tpu.dma_semaphore, #tpu.memory_space<semaphore_mem>>)
      %dma_wait3A_553 = arith.constant 128 : i32
      %dma_wait3A_554 = arith.constant 0 : i32
      %dma_wait3A_555 = tpu.memref_slice %arg12[%dma_wait3A_553, %dma_wait3A_554] : memref<256x128xf32, #tpu.memory_space<vmem>> -> memref<128x128xf32, #tpu.memory_space<vmem>>
      %dma_wait3A_556 = arith.constant 0 : i32
      %dma_wait3A_557 = tpu.memref_slice %arg13[%add3A_480, %dma_wait3A_556] : memref<10240x128xf32, #tpu.memory_space<vmem_shared>> -> memref<128x128xf32, #tpu.memory_space<vmem_shared>>
      %dma_wait3A_558 = arith.constant 128 : i32
      %dma_wait3A_559 = arith.constant 0 : i32
      %dma_wait3A_560 = tpu.memref_slice %arg12[%dma_wait3A_558, %dma_wait3A_559] : memref<256x128xf32, #tpu.memory_space<vmem>> -> memref<128x128xf32, #tpu.memory_space<vmem>>
      %dma_wait3A_561 = arith.constant 0 : i32
      %dma_wait3A_562 = tpu.memref_slice %arg13[%add3A_480, %dma_wait3A_561] : memref<10240x128xf32, #tpu.memory_space<vmem_shared>> -> memref<128x128xf32, #tpu.memory_space<vmem_shared>>
      tpu.wait_dma2 semaphore(%run_scoped3A : memref<!tpu.dma_semaphore, #tpu.memory_space<semaphore_mem>>) src(%dma_wait3A_562 : memref<128x128xf32, #tpu.memory_space<vmem_shared>>) dst(%dma_wait3A_560 : memref<128x128xf32, #tpu.memory_space<vmem>>)
      tpu.yield
    }) : () -> ()
    %mul3A_481 = arith.constant 10240 : i32
    %mul3A_482 = arith.muli %arg0, %mul3A_481 : i32
    %add3A_483 = arith.addi %mul3A_482, %mul3A_2 : i32
    %add3A_484 = arith.constant 384 : i32
    %add3A_485 = arith.addi %add3A_483, %add3A_484 : i32
    %dma_start3A_486 = arith.constant 128 : i32
    %dma_start3A_487 = arith.constant 0 : i32
    %dma_start3A_488 = tpu.memref_slice %arg12[%dma_start3A_486, %dma_start3A_487] : memref<256x128xf32, #tpu.memory_space<vmem>> -> memref<128x128xf32, #tpu.memory_space<vmem>>
    %dma_start3A_489 = arith.constant 0 : i32
    %dma_start3A_490 = tpu.memref_slice %arg8[%add3A_485, %dma_start3A_489] : memref<20480x128xf32, #tpu.memory_space<hbm>> -> memref<128x128xf32, #tpu.memory_space<hbm>>
    %dma_start3A_491 = arith.constant 0 : i32
    %dma_start3A_492 = tpu.memref_slice %arg8[%add3A_485, %dma_start3A_491] : memref<20480x128xf32, #tpu.memory_space<hbm>> -> memref<128x128xf32, #tpu.memory_space<hbm>>
    %dma_start3A_493 = arith.constant 128 : i32
    %dma_start3A_494 = arith.constant 0 : i32
    %dma_start3A_495 = tpu.memref_slice %arg12[%dma_start3A_493, %dma_start3A_494] : memref<256x128xf32, #tpu.memory_space<vmem>> -> memref<128x128xf32, #tpu.memory_space<vmem>>
    tpu.enqueue_dma source(%dma_start3A_495 : memref<128x128xf32, #tpu.memory_space<vmem>>) target(%dma_start3A_492 : memref<128x128xf32, #tpu.memory_space<hbm>>) target_semaphore(%arg15 : memref<!tpu.dma_semaphore, #tpu.memory_space<semaphore_mem>>)
    %dma_wait3A_496 = arith.constant 0 : i32
    %dma_wait3A_497 = arith.constant 0 : i32
    %dma_wait3A_498 = tpu.memref_slice %arg12[%dma_wait3A_496, %dma_wait3A_497] : memref<256x128xf32, #tpu.memory_space<vmem>> -> memref<128x128xf32, #tpu.memory_space<vmem>>
    %dma_wait3A_499 = arith.constant 0 : i32
    %dma_wait3A_500 = tpu.memref_slice %arg8[%add3A_458, %dma_wait3A_499] : memref<20480x128xf32, #tpu.memory_space<hbm>> -> memref<128x128xf32, #tpu.memory_space<hbm>>
    %dma_wait3A_501 = arith.constant 0 : i32
    %dma_wait3A_502 = tpu.memref_slice %arg8[%add3A_458, %dma_wait3A_501] : memref<20480x128xf32, #tpu.memory_space<hbm>> -> memref<128x128xf32, #tpu.memory_space<hbm>>
    %dma_wait3A_503 = arith.constant 0 : i32
    %dma_wait3A_504 = arith.constant 0 : i32
    %dma_wait3A_505 = tpu.memref_slice %arg12[%dma_wait3A_503, %dma_wait3A_504] : memref<256x128xf32, #tpu.memory_space<vmem>> -> memref<128x128xf32, #tpu.memory_space<vmem>>
    tpu.wait_dma2 semaphore(%arg15 : memref<!tpu.dma_semaphore, #tpu.memory_space<semaphore_mem>>) src(%dma_wait3A_505 : memref<128x128xf32, #tpu.memory_space<vmem>>) dst(%dma_wait3A_502 : memref<128x128xf32, #tpu.memory_space<hbm>>)
    %add3A_506 = arith.constant 512 : i32
    %add3A_507 = arith.addi %mul3A_2, %add3A_506 : i32
    "tpu.region"() ({
      %run_scoped3A = tpu.sem_alloc : memref<!tpu.dma_semaphore, #tpu.memory_space<semaphore_mem>>
      %dma_start3A_543 = arith.constant 0 : i32
      %dma_start3A_544 = arith.constant 0 : i32
      %dma_start3A_545 = tpu.memref_slice %arg12[%dma_start3A_543, %dma_start3A_544] : memref<256x128xf32, #tpu.memory_space<vmem>> -> memref<128x128xf32, #tpu.memory_space<vmem>>
      %dma_start3A_546 = arith.constant 0 : i32
      %dma_start3A_547 = tpu.memref_slice %arg13[%add3A_507, %dma_start3A_546] : memref<10240x128xf32, #tpu.memory_space<vmem_shared>> -> memref<128x128xf32, #tpu.memory_space<vmem_shared>>
      %dma_start3A_548 = arith.constant 0 : i32
      %dma_start3A_549 = arith.constant 0 : i32
      %dma_start3A_550 = tpu.memref_slice %arg12[%dma_start3A_548, %dma_start3A_549] : memref<256x128xf32, #tpu.memory_space<vmem>> -> memref<128x128xf32, #tpu.memory_space<vmem>>
      %dma_start3A_551 = arith.constant 0 : i32
      %dma_start3A_552 = tpu.memref_slice %arg13[%add3A_507, %dma_start3A_551] : memref<10240x128xf32, #tpu.memory_space<vmem_shared>> -> memref<128x128xf32, #tpu.memory_space<vmem_shared>>
      tpu.enqueue_dma source(%dma_start3A_552 : memref<128x128xf32, #tpu.memory_space<vmem_shared>>) target(%dma_start3A_550 : memref<128x128xf32, #tpu.memory_space<vmem>>) target_semaphore(%run_scoped3A : memref<!tpu.dma_semaphore, #tpu.memory_space<semaphore_mem>>)
      %dma_wait3A_553 = arith.constant 0 : i32
      %dma_wait3A_554 = arith.constant 0 : i32
      %dma_wait3A_555 = tpu.memref_slice %arg12[%dma_wait3A_553, %dma_wait3A_554] : memref<256x128xf32, #tpu.memory_space<vmem>> -> memref<128x128xf32, #tpu.memory_space<vmem>>
      %dma_wait3A_556 = arith.constant 0 : i32
      %dma_wait3A_557 = tpu.memref_slice %arg13[%add3A_507, %dma_wait3A_556] : memref<10240x128xf32, #tpu.memory_space<vmem_shared>> -> memref<128x128xf32, #tpu.memory_space<vmem_shared>>
      %dma_wait3A_558 = arith.constant 0 : i32
      %dma_wait3A_559 = arith.constant 0 : i32
      %dma_wait3A_560 = tpu.memref_slice %arg12[%dma_wait3A_558, %dma_wait3A_559] : memref<256x128xf32, #tpu.memory_space<vmem>> -> memref<128x128xf32, #tpu.memory_space<vmem>>
      %dma_wait3A_561 = arith.constant 0 : i32
      %dma_wait3A_562 = tpu.memref_slice %arg13[%add3A_507, %dma_wait3A_561] : memref<10240x128xf32, #tpu.memory_space<vmem_shared>> -> memref<128x128xf32, #tpu.memory_space<vmem_shared>>
      tpu.wait_dma2 semaphore(%run_scoped3A : memref<!tpu.dma_semaphore, #tpu.memory_space<semaphore_mem>>) src(%dma_wait3A_562 : memref<128x128xf32, #tpu.memory_space<vmem_shared>>) dst(%dma_wait3A_560 : memref<128x128xf32, #tpu.memory_space<vmem>>)
      tpu.yield
    }) : () -> ()
    %mul3A_508 = arith.constant 10240 : i32
    %mul3A_509 = arith.muli %arg0, %mul3A_508 : i32
    %add3A_510 = arith.addi %mul3A_509, %mul3A_2 : i32
    %add3A_511 = arith.constant 512 : i32
    %add3A_512 = arith.addi %add3A_510, %add3A_511 : i32
    %dma_start3A_513 = arith.constant 0 : i32
    %dma_start3A_514 = arith.constant 0 : i32
    %dma_start3A_515 = tpu.memref_slice %arg12[%dma_start3A_513, %dma_start3A_514] : memref<256x128xf32, #tpu.memory_space<vmem>> -> memref<128x128xf32, #tpu.memory_space<vmem>>
    %dma_start3A_516 = arith.constant 0 : i32
    %dma_start3A_517 = tpu.memref_slice %arg8[%add3A_512, %dma_start3A_516] : memref<20480x128xf32, #tpu.memory_space<hbm>> -> memref<128x128xf32, #tpu.memory_space<hbm>>
    %dma_start3A_518 = arith.constant 0 : i32
    %dma_start3A_519 = tpu.memref_slice %arg8[%add3A_512, %dma_start3A_518] : memref<20480x128xf32, #tpu.memory_space<hbm>> -> memref<128x128xf32, #tpu.memory_space<hbm>>
    %dma_start3A_520 = arith.constant 0 : i32
    %dma_start3A_521 = arith.constant 0 : i32
    %dma_start3A_522 = tpu.memref_slice %arg12[%dma_start3A_520, %dma_start3A_521] : memref<256x128xf32, #tpu.memory_space<vmem>> -> memref<128x128xf32, #tpu.memory_space<vmem>>
    tpu.enqueue_dma source(%dma_start3A_522 : memref<128x128xf32, #tpu.memory_space<vmem>>) target(%dma_start3A_519 : memref<128x128xf32, #tpu.memory_space<hbm>>) target_semaphore(%arg15 : memref<!tpu.dma_semaphore, #tpu.memory_space<semaphore_mem>>)
    %dma_wait3A_523 = arith.constant 128 : i32
    %dma_wait3A_524 = arith.constant 0 : i32
    %dma_wait3A_525 = tpu.memref_slice %arg12[%dma_wait3A_523, %dma_wait3A_524] : memref<256x128xf32, #tpu.memory_space<vmem>> -> memref<128x128xf32, #tpu.memory_space<vmem>>
    %dma_wait3A_526 = arith.constant 0 : i32
    %dma_wait3A_527 = tpu.memref_slice %arg8[%add3A_485, %dma_wait3A_526] : memref<20480x128xf32, #tpu.memory_space<hbm>> -> memref<128x128xf32, #tpu.memory_space<hbm>>
    %dma_wait3A_528 = arith.constant 0 : i32
    %dma_wait3A_529 = tpu.memref_slice %arg8[%add3A_485, %dma_wait3A_528] : memref<20480x128xf32, #tpu.memory_space<hbm>> -> memref<128x128xf32, #tpu.memory_space<hbm>>
    %dma_wait3A_530 = arith.constant 128 : i32
    %dma_wait3A_531 = arith.constant 0 : i32
    %dma_wait3A_532 = tpu.memref_slice %arg12[%dma_wait3A_530, %dma_wait3A_531] : memref<256x128xf32, #tpu.memory_space<vmem>> -> memref<128x128xf32, #tpu.memory_space<vmem>>
    tpu.wait_dma2 semaphore(%arg15 : memref<!tpu.dma_semaphore, #tpu.memory_space<semaphore_mem>>) src(%dma_wait3A_532 : memref<128x128xf32, #tpu.memory_space<vmem>>) dst(%dma_wait3A_529 : memref<128x128xf32, #tpu.memory_space<hbm>>)
    %dma_wait3A_533 = arith.constant 0 : i32
    %dma_wait3A_534 = arith.constant 0 : i32
    %dma_wait3A_535 = tpu.memref_slice %arg12[%dma_wait3A_533, %dma_wait3A_534] : memref<256x128xf32, #tpu.memory_space<vmem>> -> memref<128x128xf32, #tpu.memory_space<vmem>>
    %dma_wait3A_536 = arith.constant 0 : i32
    %dma_wait3A_537 = tpu.memref_slice %arg8[%add3A_512, %dma_wait3A_536] : memref<20480x128xf32, #tpu.memory_space<hbm>> -> memref<128x128xf32, #tpu.memory_space<hbm>>
    %dma_wait3A_538 = arith.constant 0 : i32
    %dma_wait3A_539 = tpu.memref_slice %arg8[%add3A_512, %dma_wait3A_538] : memref<20480x128xf32, #tpu.memory_space<hbm>> -> memref<128x128xf32, #tpu.memory_space<hbm>>
    %dma_wait3A_540 = arith.constant 0 : i32
    %dma_wait3A_541 = arith.constant 0 : i32
    %dma_wait3A_542 = tpu.memref_slice %arg12[%dma_wait3A_540, %dma_wait3A_541] : memref<256x128xf32, #tpu.memory_space<vmem>> -> memref<128x128xf32, #tpu.memory_space<vmem>>
    tpu.wait_dma2 semaphore(%arg15 : memref<!tpu.dma_semaphore, #tpu.memory_space<semaphore_mem>>) src(%dma_wait3A_542 : memref<128x128xf32, #tpu.memory_space<vmem>>) dst(%dma_wait3A_539 : memref<128x128xf32, #tpu.memory_space<hbm>>)
    return
  }
}

module attributes {stable_mosaic.version = 14 : i64} {
  func.func @_tc_body(%arg0: i32, %arg1: memref<1024x128xf32, #tpu.memory_space<vmem>>, %arg2: memref<2x1024x128xf32, #tpu.memory_space<vmem>>, %arg3: memref<2x1024x128xf32, #tpu.memory_space<vmem>>, %arg4: memref<128x128xf32, #tpu.memory_space<vmem>>, %arg5: memref<128x128xf32, #tpu.memory_space<vmem>>, %arg6: memref<1x128xf32, #tpu.memory_space<vmem>>, %arg7: memref<1024x128xf32, #tpu.memory_space<vmem>>) attributes {dimension_semantics = [#tpu.dimension_semantics<arbitrary>], iteration_bounds = array<i64: 10>, scalar_prefetch = 0 : i64, scratch_operands = 0 : i64, tpu.core_type = #tpu.core_type<tc>, window_params = [{transform_indices = @transform_0, window_bounds = array<i64: 1024, 128>}, {transform_indices = @transform_1, window_bounds = array<i64: 2, 1024, 128>}, {transform_indices = @transform_2, window_bounds = array<i64: 2, 1024, 128>}, {pipeline_mode = #tpu.pipeline_mode<synchronous>, transform_indices = @transform_3, window_bounds = array<i64: 128, 128>}, {pipeline_mode = #tpu.pipeline_mode<synchronous>, transform_indices = @transform_4, window_bounds = array<i64: 128, 128>}, {pipeline_mode = #tpu.pipeline_mode<synchronous>, transform_indices = @transform_5, window_bounds = array<i64: 1, 128>}, {transform_indices = @transform_6, window_bounds = array<i64: 1024, 128>}]} {
    %get3A = arith.constant 0 : index
    %get3A_0 = arith.constant 0 : index
    %get3A_1 = arith.constant 0 : index
    %get3A_2 = vector.load %arg2[%get3A, %get3A_0, %get3A_1] : memref<2x1024x128xf32, #tpu.memory_space<vmem>>, vector<1x1024x128xf32>
    %get3A_3 = vector.shape_cast %get3A_2 : vector<1x1024x128xf32> to vector<1024x128xf32>
    %get3A_4 = arith.constant 1 : index
    %get3A_5 = arith.constant 0 : index
    %get3A_6 = arith.constant 0 : index
    %get3A_7 = vector.load %arg2[%get3A_4, %get3A_5, %get3A_6] : memref<2x1024x128xf32, #tpu.memory_space<vmem>>, vector<1x1024x128xf32>
    %get3A_8 = vector.shape_cast %get3A_7 : vector<1x1024x128xf32> to vector<1024x128xf32>
    %add3A = arith.addf %get3A_3, %get3A_8 : vector<1024x128xf32>
    %get3A_9 = arith.constant 0 : index
    %get3A_10 = arith.constant 0 : index
    %get3A_11 = arith.constant 0 : index
    %get3A_12 = vector.load %arg3[%get3A_9, %get3A_10, %get3A_11] : memref<2x1024x128xf32, #tpu.memory_space<vmem>>, vector<1x1024x1xf32>
    %get3A_13 = vector.shape_cast %get3A_12 : vector<1x1024x1xf32> to vector<1024x1xf32>
    %get3A_14 = arith.constant 1 : index
    %get3A_15 = arith.constant 0 : index
    %get3A_16 = arith.constant 0 : index
    %get3A_17 = vector.load %arg3[%get3A_14, %get3A_15, %get3A_16] : memref<2x1024x128xf32, #tpu.memory_space<vmem>>, vector<1x1024x1xf32>
    %get3A_18 = vector.shape_cast %get3A_17 : vector<1x1024x1xf32> to vector<1024x1xf32>
    %add3A_19 = arith.addf %get3A_13, %get3A_18 : vector<1024x1xf32>
    %jit3A = arith.constant 1.000000e+00 : f32
    %max3A = vector.broadcast %jit3A : f32 to vector<1024x1xf32>
    %max3A_20 = arith.maximumf %max3A, %add3A_19 : vector<1024x1xf32>
    %div3A = vector.broadcast %max3A_20 : vector<1024x1xf32> to vector<1024x128xf32>
    %div3A_21 = arith.divf %add3A, %div3A : vector<1024x128xf32>
    %get3A_22 = arith.constant 0 : index
    %get3A_23 = arith.constant 0 : index
    %get3A_24 = vector.load %arg1[%get3A_22, %get3A_23] : memref<1024x128xf32, #tpu.memory_space<vmem>>, vector<1024x128xf32>
    %get3A_25 = arith.constant 0 : index
    %get3A_26 = arith.constant 0 : index
    %get3A_27 = vector.load %arg4[%get3A_25, %get3A_26] : memref<128x128xf32, #tpu.memory_space<vmem>>, vector<128x128xf32>
    %dot_general3A = arith.constant dense<0.000000e+00> : vector<1024x128xf32>
    %dot_general3A_28 = tpu.matmul %get3A_24, %get3A_27, %dot_general3A {dimension_numbers = #tpu.dot_dimension_numbers<[1], [1], [0], [0], [0, 0, 1, 0], [], []>, transpose_lhs_hint = false} : vector<1024x128xf32>, vector<128x128xf32>, vector<1024x128xf32> -> vector<1024x128xf32>
    %get3A_29 = arith.constant 0 : index
    %get3A_30 = arith.constant 0 : index
    %get3A_31 = vector.load %arg5[%get3A_29, %get3A_30] : memref<128x128xf32, #tpu.memory_space<vmem>>, vector<128x128xf32>
    %dot_general3A_32 = arith.constant dense<0.000000e+00> : vector<1024x128xf32>
    %dot_general3A_33 = tpu.matmul %div3A_21, %get3A_31, %dot_general3A_32 {dimension_numbers = #tpu.dot_dimension_numbers<[1], [1], [0], [0], [0, 0, 1, 0], [], []>, transpose_lhs_hint = false} : vector<1024x128xf32>, vector<128x128xf32>, vector<1024x128xf32> -> vector<1024x128xf32>
    %add3A_34 = arith.addf %dot_general3A_28, %dot_general3A_33 : vector<1024x128xf32>
    %get3A_35 = arith.constant 0 : index
    %get3A_36 = arith.constant 0 : index
    %get3A_37 = vector.load %arg6[%get3A_35, %get3A_36] : memref<1x128xf32, #tpu.memory_space<vmem>>, vector<1x128xf32>
    %add3A_38 = vector.broadcast %get3A_37 : vector<1x128xf32> to vector<1024x128xf32>
    %add3A_39 = arith.addf %add3A_34, %add3A_38 : vector<1024x128xf32>
    %max3A_40 = arith.constant 0.000000e+00 : f32
    %max3A_41 = vector.broadcast %max3A_40 : f32 to vector<1024x128xf32>
    %max3A_42 = arith.maximumf %add3A_39, %max3A_41 : vector<1024x128xf32>
    %swap3A = arith.constant 0 : index
    %swap3A_43 = arith.constant 0 : index
    %swap3A_44 = vector.load %arg7[%swap3A, %swap3A_43] : memref<1024x128xf32, #tpu.memory_space<vmem>>, vector<1024x128xf32>
    tpu.vector_store %arg7[%swap3A, %swap3A_43], %max3A_42 {strides = array<i32>} : memref<1024x128xf32, #tpu.memory_space<vmem>>, vector<1024x128xf32>,
    return
  }
  func.func @transform_0(%arg0: i32) -> (i32, i32) {
    %c0_i32 = arith.constant 0 : i32
    %c0_i32_0 = arith.constant 0 : i32
    return %arg0, %c0_i32 : i32, i32
  }
  func.func @transform_1(%arg0: i32) -> (i32, i32, i32) {
    %c0_i32 = arith.constant 0 : i32
    %c0_i32_0 = arith.constant 0 : i32
    %c0_i32_1 = arith.constant 0 : i32
    return %c0_i32, %arg0, %c0_i32_0 : i32, i32, i32
  }
  func.func @transform_2(%arg0: i32) -> (i32, i32, i32) {
    %c0_i32 = arith.constant 0 : i32
    %c0_i32_0 = arith.constant 0 : i32
    %c0_i32_1 = arith.constant 0 : i32
    return %c0_i32, %arg0, %c0_i32_0 : i32, i32, i32
  }
  func.func @transform_3(%arg0: i32) -> (i32, i32) {
    %c0_i32 = arith.constant 0 : i32
    %c0_i32_0 = arith.constant 0 : i32
    %c0_i32_1 = arith.constant 0 : i32
    return %c0_i32, %c0_i32_0 : i32, i32
  }
  func.func @transform_4(%arg0: i32) -> (i32, i32) {
    %c0_i32 = arith.constant 0 : i32
    %c0_i32_0 = arith.constant 0 : i32
    %c0_i32_1 = arith.constant 0 : i32
    return %c0_i32, %c0_i32_0 : i32, i32
  }
  func.func @transform_5(%arg0: i32) -> (i32, i32) {
    %c0_i32 = arith.constant 0 : i32
    %c0_i32_0 = arith.constant 0 : i32
    %c0_i32_1 = arith.constant 0 : i32
    return %c0_i32, %c0_i32_0 : i32, i32
  }
  func.func @transform_6(%arg0: i32) -> (i32, i32) {
    %c0_i32 = arith.constant 0 : i32
    %c0_i32_0 = arith.constant 0 : i32
    return %arg0, %c0_i32 : i32, i32
  }
}

</mosaic_0001>

<sc_bundles>
// kernel: kernel.4.cloned.1.call-start
scs
__scs_entry_jumppad:
0x0: {  	(pc) =	sbr.rel $0x88, $3  }
0x1: {  	(tag) =	ssettag $0x0;
	lr =	simm.s32 $0x1  }
0x2: {  	[smem:$0x3F9C] =	sst lr;
	_ =	strace $0xD0000000  }
0x3: {  	_ = 	snop  }
0x4: {  	_ = 	snop  }
0x5: {  	_ = 	snop  }
0x6: {  	_ = 	snop  }
0x7: {  	_ = 	snop  }
__scs_overlays_trampoline_lowered:
0x8: {  	[smem:$0x3FAB] =	sst s0  }
0x9: {  	[smem:$0x3FAC] =	sst s1  }
0xa: {  	[smem:$0x3FAD] =	sst s2  }
0xb: {  	[smem:$0x3FAE] =	sst s3  }
0xc: {  	[smem:$0x3FAF] =	sst s4  }
0xd: {  	[smem:$0x3FB0] =	sst s5  }
0xe: {  	[smem:$0x3FB1] =	sst s6  }
0xf: {  	[smem:$0x3FB2] =	sst s7  }
0x10: {  	[smem:$0x3FB3] =	sst s8  }
0x11: {  	[smem:$0x3FB4] =	sst s9;
	s0 =	simm.s32 @!p0 $0x0  }
0x12: {  	s1 =	sld [smem:$0x3F9A];
	s0 =	simm.s32 @p0 $0x1  }
0x13: {  	[smem:$0x3FB5] =	sst s0;
	s0 =	simm.s32 @!p1 $0x0  }
0x14: {  	s2 =	sld [smem:$0x3F99];
	s0 =	simm.s32 @p1 $0x1  }
0x15: {  	[smem:$0x3FB6] =	sst s0;
	s0 =	simm.s32 @!p2 $0x0  }
0x16: {  	s3 =	sld [smem:$0x3FDB];
	s0 =	simm.s32 @p2 $0x1  }
0x17: {  	s4 =	simm.s32 $0x1BF5;
	[smem:$0x3FB8] =	sst s0  }
0x18: {  	s0 =	sld [smem:$0x3F9B];
	_ =	swait.ge [sflag:s4], $0x0  }
0x19: {  	s7 =	sld [smem:$0x3F9C]  }
0x1a: {  	s8 =	sadd.s32 $0xFFFFE003, lr  }
0x1b: {  	s9 =	sadd.s32 $0xFFFFFEF7, lr;
	s5 =	simm.s32 $0xFFFFFFFF;
	p2 =	slt.u32 s8, $0xFFFFF086  }
0x1c: {  	p1 =	slt.u32 s9, $0xF7A;
	s5 =	simm.s32 @!p2 $0x0  }
0x1d: {  	s5 =	simm.s32 @p1 $0x1;
	p0 =	seq.s32 s7, s2  }
0x1e: {  	s7 =	smul.u32 @!p0 $0xF7A, s2;
	p2 =	seq.s32 @!p0 s5, $0x0  }
0x1f: {  	s9 =	smul.u32 $0xF7A, s1;
	s8 =	simm.s32 @!p0 $0x1BF5;
	p2 =	por !p2, p0  }
0x20: {  	[sflag:s8] =	ssyncset.s32 @!p0 $0xFFFFF086;
	s6 =	sadd.s32 @!p0 s3, s7;
	s7 =	simm.s32 @!p0 $0x108  }
0x21: {  	s3 =	sadd.s32 s3, s9;
	s6 =	sadd.s32 @!p0 $0x88, s6;
	s7 =	simm.s32 @p2 $0x1082  }
0x22: {  	[simem:s7], [sflag:s8] =	dma.local @!p0 [hbm:s6], $0xF7A  }
0x23: {  	s9 =	sor.u32 $0xD0000000, s2;
	s6 =	simm.s32 $0x108;
	_ =	swait.ge @!p0 [sflag:s8], $0x0  }
0x24: {  	s3 =	sadd.s32 $0x88, s3;
	s6 =	simm.s32 @!p1 $0x1082;
	[sflag:s4] =	ssyncset.s32 $0xFFFFF086  }
0x25: {  	[simem:s6], [sflag:s4] =	dma.local [hbm:s3], $0xF7A  }
0x26: {  	[smem:$0x3F9C] =	sst s1;
	(tag) =	ssettag s2;
	_ =	strace s9  }
0x27: {  	s1 =	sld [smem:$0x3FAC]  }
0x28: {  	s2 =	sld [smem:$0x3FAD]  }
0x29: {  	s4 =	sld [smem:$0x3FAF]  }
0x2a: {  	p0 =	seq.s32 s5, $0x0;
	s5 =	sld [smem:$0x3FB0]  }
0x2b: {  	s6 =	sld [smem:$0x3FB1]  }
0x2c: {  	s7 =	sld [smem:$0x3FB2]  }
0x2d: {  	s3 =	simm.s32 $0x108;
	s8 =	sld [smem:$0x3FB3]  }
0x2e: {  	s3 =	simm.s32 @!p0 $0x1082;
	s9 =	sld [smem:$0x3FB4]  }
0x2f: {  	lr =	sadd.s32 s0, s3;
	s0 =	sld [smem:$0x3FAB]  }
0x30: {  	s3 =	sld [smem:$0x3FAE]  }
0x31: {  	[smem:$0x3FB7] =	sst s10  }
0x32: {  	s10 =	sld [smem:$0x3FB5];
	_ =	sdelay $0x3  }
0x33: {  	p0 =	seq.s32 s10, $0x1;
	s10 =	sld [smem:$0x3FB7];
	_ =	sdelay $0x3  }
0x34: {  	[smem:$0x3FB7] =	sst s10  }
0x35: {  	s10 =	sld [smem:$0x3FB6];
	_ =	sdelay $0x3  }
0x36: {  	p1 =	seq.s32 s10, $0x1;
	s10 =	sld [smem:$0x3FB7];
	_ =	sdelay $0x3  }
0x37: {  	[smem:$0x3FB7] =	sst s10  }
0x38: {  	s10 =	sld [smem:$0x3FB8]  }
0x39: {  	_ = 	snop;
	(pc) =	sbr.ind lr, $3  }
0x3a: {  	_ = 	snop  }
0x3b: {  	_ = 	snop  }
0x3c: {  	p2 =	seq.s32 s10, $0x1;
	s10 =	sld [smem:$0x3FB7]  }
0x3d: {  	_ =	shalt  }
0x3e: {  	_ =	shalt  }
0x3f: {  	_ =	shalt  }
0x40: {  	_ =	shalt  }
0x41: {  	_ =	shalt  }
0x42: {  	_ =	shalt  }
0x43: {  	_ =	shalt  }
0x44: {  	_ =	shalt  }
0x45: {  	_ =	shalt  }
0x46: {  	_ =	shalt  }
0x47: {  	_ =	shalt  }
0x48: {  	_ =	shalt  }
0x49: {  	_ =	shalt  }
0x4a: {  	_ =	shalt  }
0x4b: {  	_ =	shalt  }
0x4c: {  	_ =	shalt  }
0x4d: {  	_ =	shalt  }
0x4e: {  	_ =	shalt  }
0x4f: {  	_ =	shalt  }
0x50: {  	_ =	shalt  }
0x51: {  	_ =	shalt  }
0x52: {  	_ =	shalt  }
0x53: {  	_ =	shalt  }
0x54: {  	_ =	shalt  }
0x55: {  	_ =	shalt  }
0x56: {  	_ =	shalt  }
0x57: {  	_ =	shalt  }
0x58: {  	_ =	shalt  }
0x59: {  	_ =	shalt  }
0x5a: {  	_ =	shalt  }
0x5b: {  	_ =	shalt  }
0x5c: {  	_ =	shalt  }
0x5d: {  	_ =	shalt  }
0x5e: {  	_ =	shalt  }
0x5f: {  	_ =	shalt  }
0x60: {  	_ =	shalt  }
0x61: {  	_ =	shalt  }
0x62: {  	_ =	shalt  }
0x63: {  	_ =	shalt  }
0x64: {  	_ =	shalt  }
0x65: {  	_ =	shalt  }
0x66: {  	_ =	shalt  }
0x67: {  	_ =	shalt  }
0x68: {  	_ =	shalt  }
0x69: {  	_ =	shalt  }
0x6a: {  	_ =	shalt  }
0x6b: {  	_ =	shalt  }
0x6c: {  	_ =	shalt  }
0x6d: {  	_ =	shalt  }
0x6e: {  	_ =	shalt  }
0x6f: {  	_ =	shalt  }
0x70: {  	_ =	shalt  }
0x71: {  	_ =	shalt  }
0x72: {  	_ =	shalt  }
0x73: {  	_ =	shalt  }
0x74: {  	_ =	shalt  }
0x75: {  	_ =	shalt  }
0x76: {  	_ =	shalt  }
0x77: {  	_ =	shalt  }
0x78: {  	_ =	shalt  }
0x79: {  	_ =	shalt  }
0x7a: {  	_ =	shalt  }
0x7b: {  	_ =	shalt  }
0x7c: {  	_ =	shalt  }
0x7d: {  	_ =	shalt  }
0x7e: {  	_ =	shalt  }
0x7f: {  	_ =	shalt  }
0x80: {  	_ =	shalt  }
0x81: {  	_ =	shalt  }
0x82: {  	_ =	shalt  }
0x83: {  	_ =	shalt  }
0x84: {  	_ =	shalt  }
0x85: {  	_ =	shalt  }
0x86: {  	_ =	shalt  }
0x87: {  	_ =	shalt  }
.Lfunc_end0:
.L_simem_size_0:
called_computation_lowered:
.L_overlay_start_0:
0x88: {  	s2 =	sld [smem:$0x3FD9]  }
0x89: {  	s3 =	sld [smem:$0x3FFE];
	_ =	sdelay $0x1  }
0x8a: {  	s1 =	srdreg.scid  }
0x8b: {  	s0 =	sand.u32 $0x1, s1  }
0x8c: {  	s17 =	sshll.u32 s0, $0xA;
	s2 =	sadd.s32 s3, s2  }
0x8d: {  	s2 =	sadd.s32 s2, s17  }
0x8e: {  	[smem:$0x3FC3] =	sst s2  }
0x8f: {  	_ = 	snop  }
0x90: {  	s2 =	sld [smem:$0x3FD0];
	(tm) =	ssettm $0x1  }
0x91: {  	s18 =	sld [smem:$0x3FFB];
	_ =	sdelay $0x3  }
0x92: {  	_ =	strace s18  }
0x93: {  	s3 =	sld [smem:$0x3FFC];
	_ =	sdelay $0x3  }
0x94: {  	_ =	strace s3  }
0x95: {  	s3 =	sld [smem:$0x3FFD];
	_ =	sdelay $0x3  }
0x96: {  	_ =	strace s3  }
0x97: {  	_ =	strace $0x8FFFFFFF  }
0x98: {  	s19 =	sld [smem:$0x3FDB];
	_ =	sdelay $0x1  }
0x99: {  	s4 =	simm.s32 $_scs_section_size  }
0x9a: {  	s5 =	simm.s32 $_size__tile_overlayer_lowered;
	s6 =	simm.s32 $_tile_overlayer_lowered  }
0x9b: {  	s22 =	simm.s32 $0x1BFF;
	s21 =	sshll.u32 s6, $0x1;
	s3 =	sadd.s32 s4, s19  }
0x9c: {  	s7 =	simm.s32 $0x0;
	s20 =	sshll.u32 s5, $0x1;
	s5 =	sadd.s32 s21, s3  }
0x9d: {  	[timem:s7], [sflag:s22] =	dma.local [hbm:s5], s20  }
0x9e: {  	_ =	swait.ge [sflag:s22], s20  }
0x9f: {  	s4 =	ssub.s32 $0x0, s20;
	[sflag:s22] =	ssyncset.done $0x0  }
0xa0: {  	[sflag:s22] =	ssyncadd.s32 s4;
	_ =	sdelay $0x1  }
0xa1: {  	s23 =	simm.s32 $0x1B8B  }
0xa2: {  	_ =	swait.ge [sflag:s23], $0x1  }
0xa3: {  	[sflag:s23] =	ssyncset.done $0x0  }
0xa4: {  	s25 =	simm.s32 $0x1B8E;
	s24 =	sld [smem:$0x3FFE];
	[sflag:s23] =	ssyncadd.s32 $0xFFFFFFFF  }
0xa5: {  	s26 =	simm.s32 $execute0_lowered;
	[smem:$0x3FD2] =	sst s25  }
0xa6: {  	s5 =	sshll.u32 s26, $0x1;
	_ =	strace $0x80000046;
	[dreg:$0x1] =	wrdreg $0xFFFFFFFF  }
0xa7: {  	s28 =	simm.s32 $_size_execute0_lowered;
	s3 =	sadd.s32 s3, s5;
	[dreg:$0x0] =	wrdreg $0x0  }
0xa8: {  	s5 =	sshll.u32 s28, $0x1;
	[dreg:$0x2] =	wrdreg s3  }
0xa9: {  	[dreg:$0x3] =	wrdreg s5  }
0xaa: {  	[dreg:$0x4] =	wrdreg $0xC0  }
0xab: {  	_ =	task [dreg:s7], $0x5FFFF  }
0xac: {  	[dreg:$0x1] =	wrdreg $0xFFFFFFFF  }
0xad: {  	[dreg:$0x0] =	wrdreg $0x60  }
0xae: {  	[dreg:$0x2] =	wrdreg s24  }
0xaf: {  	[dreg:$0x3] =	wrdreg s2  }
0xb0: {  	[dreg:$0x4] =	wrdreg $0xB2800  }
0xb1: {  	[dreg:$0x5] =	wrdreg $0x9  }
0xb2: {  	_ =	task.clear_ibuf [dreg:s7], $0x6FFFF;
	_ =	strace $0x90000046  }
0xb3: {  	s29 =	simm.s32 $0x9;
	_ =	strace $0x80000048  }
0xb4: {  	_ =	swait.ge [sflag:s29], $0x1  }
0xb5: {  	[sflag:s29] =	ssyncadd.s32 $0xFFFFFFFF  }
0xb6: {  	_ =	strace $0x90000048  }
0xb7: {  	_ =	sfence  }
0xb8: {  	s30 =	sld [smem:$0x0];
	_ =	sdelay $0x2  }
0xb9: {  	s31 =	sshll.u32 s1, $0xD;
	s1 =	sshrl.u32 s1, $0x2  }
0xba: {  	s3 =	sand.u32 $0x4000, s31;
	s1 =	sadd.s32 s1, s30  }
0xbb: {  	s0 =	sor.u32 s3, s0;
	s1 =	sshll.u32 s1, $0x11  }
0xbc: {  	s0 =	sor.u32 s1, s0  }
0xbd: {  	s0 =	sadd.s32 $0x8F2B, s0  }
0xbe: {  	[sflag:s0] =	ssyncadd.remote.s32 $0x1  }
0xbf: {  	_ =	sfence.sel $0xFFFF  }
0xc0: {  	[dreg:$0x0] =	wrdreg $0xFFFFFFFF;
	(pc) =	sbr.abs _section_cstart, $3  }
0xc1: {  	[dreg:$0x1] =	wrdreg $0xFFFFFFFF  }
0xc2: {  	_ =	task.clear_ibuf [dreg:s7], $0x2FFFF;
	_ =	strace $0x9FFFFFFF  }
0xc3: {  	(tm) =	ssettm $0x7FFFFFFF  }
tec
execute0_lowered:
.L_overlay_start_1:
0x0: {  	(tag) =	ssettag $0x1  }
0x1: {  	s0 =	rddreg [dreg:$0x0]  }
0x2: {  	s3 =	rddreg [dreg:$0x1]  }
0x3: {  	s1 =	rddreg [dreg:$0x2];
	s2 =	simm.s32 $0x0  }
0x4: {  	s6 =	srdreg.scid;
	s16 =	stileid.u32;
	s29 =	simm.s32 $0x4  }
0x5: {  	s31 =	simm.s32 $0x80;
	s30 =	simm.s32 $0x2;
	[smem:$0x7FF] =	sst s2  }
0x6: {  	s4 =	sadd.s32 $0x1200, s0;
	s5 =	sadd.s32 $0xB400, s0;
	s19 =	sadd.s32 $0x33400, s0  }
0x7: {  	s20 =	sadd.s32 $0x33600, s0;
	s6 =	sand.u32 $0x1, s6;
	s7 =	smul.u32 $0x280, s16  }
0x8: {  	s8 =	sadd.s32 $0x33E00, s0;
	s10 =	smul.u32 $0x60, s16;
	s12 =	sshll.u32 s16, $0x6  }
0x9: {  	s13 =	smul.u32 $0x50000, s16;
	s0 =	sadd.s32 $0x83E00, s0;
	_ =	strace $0x80000047  }
0xa: {  	s9 =	ssub.s32 $0x2, s6;
	p0 =	seq.s32 s6, $0x0;
	s12 =	sadd.s32 $0x600, s12  }
0xb: {  	s14 =	smul.u32 $0x2800, s6;
	s11 =	sshrl.u32 s9, $0x1;
	s12 =	smov.u32 @p0 s10  }
0xc: {  	s17 =	sshrl.u32 s13, $0x2;
	p0 =	sne.s32 s6, $0x0;
	s11 =	ssub.s32 s9, s11  }
0xd: {  	s12 =	sshll.u32 s12, $0x4;
	s7 =	sadd.s32 s7, s14;
	s9 =	sadd.s32 s17, s1  }
0xe: {  	s17 =	sshll.u32 s16, $0xA;
	s24 =	sadd.s32 s3, s12;
	s18 =	sshll.u32 s7, $0x4  }
0xf: {  	[dreg:$0x4] =	wrdreg s17;
	s25 =	sadd.s32 s8, s18;
	s7 =	sadd.s32 $0x800, s18  }
0x10: {  	s21 =	sadd.s32 $0x1000, s18;
	s22 =	sadd.s32 $0x1800, s18;
	s3 =	sadd.s32 s0, s18  }
0x11: {  	s26 =	sadd.s32 $0x2000, s18;
	s18 =	sadd.s32 s4, s12;
	[dreg:$0x9] =	wrdreg s3  }
0x12: {  	s6 =	simm.s32 $0x100;
	s15 =	sadd.s32 s8, s21;
	[dreg:$0xe] =	wrdreg s18  }
0x13: {  	s10 =	sadd.s32 $0x4000, s9;
	s23 =	sadd.s32 s8, s22;
	[dreg:$0x6] =	wrdreg s15  }
0x14: {  	s28 =	sadd.s32 s8, s7;
	s8 =	sadd.s32 s8, s26;
	[dreg:$0x7] =	wrdreg s23  }
0x15: {  	s12 =	simm.s32 $0x0;
	s13 =	sadd.s32 s0, s21;
	[dreg:$0x8] =	wrdreg s8  }
0x16: {  	s14 =	sadd.s32 s0, s22;
	s21 =	sadd.s32 $0x8000, s9;
	[dreg:$0xb] =	wrdreg s13  }
0x17: {  	s22 =	sadd.s32 $0xC000, s9;
	s18 =	simm.s32 $0x3200;
	[dreg:$0xc] =	wrdreg s14  }
.Ltmp0:
0x18: {  	s8 =	sadd.s32 s0, s7;
	[dreg:$0x5] =	wrdreg s28;
	(pc) =	sbr.rel .LBB2_1-.Ltmp0, $4  }
0x19: {  	s3 =	simm.s32 $0x1;
	s0 =	sadd.s32 s0, s26;
	[dreg:$0xa] =	wrdreg s8  }
0x1a: {  	s23 =	sadd.s32 $0x10000, s9;
	s26 =	smax.u32 s11, $0x1;
	[dreg:$0xd] =	wrdreg s0  }
0x1b: {  	s7 =	simm.s32 $0x7280;
	s11 =	simm.s32 $0x180;
	[dreg:$0xf] =	wrdreg s26  }
0x1c: {  	s26 =	smul.u32 $0x600, s16;
	s0 =	simm.s32 $0x3280;
	s8 =	simm.s32 $0x3  }
.LBB2_14:
0x1d: {  	s13 =	sadd.s32 $0x200, s15;
	[sflag:s30] =	ssyncadd.s32 $0xFFFFC000  }
0x1e: {  	[spmem:s1] =	stream.indirect.scatter.add.f32 [tilespmem:s0], [sflag:$0x2], $0x80, s13, s31, $0xb8;
	[tilespmem:$0x1F280] =	vst v63  }
0x1f: {  	s17 =	sadd.s32 $0x280, s15  }
0x20: {  	[spmem:s1] =	stream.indirect.scatter.add.f32 [tilespmem:s0], [sflag:$0x2], $0x80, s17, s31, $0xb8;
	[tilespmem:$0x1F280] =	vst v63  }
0x21: {  	s14 =	sadd.s32 $0x300, s15  }
0x22: {  	[spmem:s1] =	stream.indirect.scatter.add.f32 [tilespmem:s0], [sflag:$0x2], $0x80, s14, s31, $0xb8;
	[tilespmem:$0x1F280] =	vst v63  }
0x23: {  	s16 =	sadd.s32 $0x380, s15  }
0x24: {  	[spmem:s1] =	stream.indirect.scatter.add.f32 [tilespmem:s0], [sflag:$0x2], $0x80, s16, s31, $0xb8;
	[tilespmem:$0x1F280] =	vst v63  }
0x25: {  	s17 =	sadd.s32 $0x400, s15  }
0x26: {  	[spmem:s1] =	stream.indirect.scatter.add.f32 [tilespmem:s0], [sflag:$0x2], $0x80, s17, s31, $0xb8;
	[tilespmem:$0x1F280] =	vst v63  }
0x27: {  	s14 =	sadd.s32 $0x480, s15  }
0x28: {  	[spmem:s1] =	stream.indirect.scatter.add.f32 [tilespmem:s0], [sflag:$0x2], $0x80, s14, s31, $0xb8;
	[tilespmem:$0x1F280] =	vst v63  }
0x29: {  	s16 =	sadd.s32 $0x500, s15  }
0x2a: {  	[spmem:s1] =	stream.indirect.scatter.add.f32 [tilespmem:s0], [sflag:$0x2], $0x80, s16, s31, $0xb8;
	[tilespmem:$0x1F280] =	vst v63  }
0x2b: {  	s17 =	sadd.s32 $0x580, s15  }
0x2c: {  	[spmem:s1] =	stream.indirect.scatter.add.f32 [tilespmem:s0], [sflag:$0x2], $0x80, s17, s31, $0xb8;
	[tilespmem:$0x1F280] =	vst v63  }
0x2d: {  	_ =	swait.ge [sflag:s30], $0x4000  }
0x2e: {  	[sflag:s30] =	ssyncset.done $0x0  }
0x2f: {  	[sflag:s30] =	ssyncadd.s32 $0xFFFFC000  }
0x30: {  	_ =	swait.ge [sflag:s30], $0x4000  }
0x31: {  	[sflag:s30] =	ssyncset.done $0x0  }
0x32: {  	[sflag:s30] =	ssyncadd.s32 $0xFFFFC000  }
0x33: {  	_ =	swait.ge [sflag:s30], $0x4000  }
0x34: {  	[sflag:s30] =	ssyncset.done $0x0  }
0x35: {  	[sflag:s30] =	ssyncadd.s32 $0xFFFFC000  }
0x36: {  	_ =	swait.ge [sflag:s30], $0x4000  }
0x37: {  	[sflag:s30] =	ssyncset.done $0x0  }
0x38: {  	[sflag:s30] =	ssyncadd.s32 $0xFFFFC000  }
0x39: {  	_ =	swait.ge [sflag:s30], $0x4000  }
0x3a: {  	[sflag:s30] =	ssyncset.done $0x0  }
0x3b: {  	[sflag:s30] =	ssyncadd.s32 $0xFFFFC000  }
0x3c: {  	_ =	swait.ge [sflag:s30], $0x4000  }
0x3d: {  	[sflag:s30] =	ssyncset.done $0x0  }
0x3e: {  	[sflag:s30] =	ssyncadd.s32 $0xFFFFC000  }
0x3f: {  	_ =	swait.ge [sflag:s30], $0x4000  }
0x40: {  	[sflag:s30] =	ssyncset.done $0x0  }
0x41: {  	[sflag:s30] =	ssyncadd.s32 $0xFFFFC000  }
0x42: {  	_ =	swait.ge [sflag:s30], $0x4000  }
0x43: {  	[sflag:s30] =	ssyncset.done $0x0  }
0x44: {  	[sflag:s30] =	ssyncadd.s32 $0xFFFFC000  }
.LBB2_15:
0x45: {  	[bflag:$0x0] =	sbarrier.arrive $0xFFFF  }
0x46: {  	[tilespmem:s0], [sflag:$0x4] =	stream.linear.gather [spmem:s9], $0x4000, $0x38;
	[tilespmem:$0x1F280] =	vst v63  }
0x47: {  	_ =	swait.ge [sflag:s29], $0x4000  }
0x48: {  	[sflag:s29] =	ssyncset.done $0x0  }
0x49: {  	s13 =	rddreg [dreg:$0x9];
	[sflag:s29] =	ssyncadd.s32 $0xFFFFC000  }
0x4a: {  	[hbm4b:s13+s2] =	stream.linear.scatter [tilespmem:s0], [sflag:$0x2], $0x4000, $0x38;
	[tilespmem:$0x1F280] =	vst v63  }
0x4b: {  	_ = 	snop  }
0x4c: {  	[tilespmem:s7], [sflag:$0x4] =	stream.linear.gather [spmem:s10], $0x4000, $0x38;
	[tilespmem:$0x1F280] =	vst v63  }
0x4d: {  	_ =	swait.ge [sflag:s29], $0x4000  }
0x4e: {  	[sflag:s29] =	ssyncset.done $0x0  }
0x4f: {  	s17 =	rddreg [dreg:$0xa];
	[sflag:s29] =	ssyncadd.s32 $0xFFFFC000  }
0x50: {  	[hbm4b:s17+s2] =	stream.linear.scatter [tilespmem:s7], [sflag:$0x2], $0x4000, $0x38;
	[tilespmem:$0x1F280] =	vst v63  }
0x51: {  	_ =	swait.ge [sflag:s30], $0x4000  }
0x52: {  	[sflag:s30] =	ssyncset.done $0x0  }
0x53: {  	[sflag:s30] =	ssyncadd.s32 $0xFFFFC000  }
0x54: {  	[tilespmem:s0], [sflag:$0x4] =	stream.linear.gather [spmem:s21], $0x4000, $0x38;
	[tilespmem:$0x1F280] =	vst v63  }
0x55: {  	_ =	swait.ge [sflag:s29], $0x4000  }
0x56: {  	[sflag:s29] =	ssyncset.done $0x0  }
0x57: {  	s14 =	rddreg [dreg:$0xb];
	[sflag:s29] =	ssyncadd.s32 $0xFFFFC000  }
0x58: {  	[hbm4b:s14+s2] =	stream.linear.scatter [tilespmem:s0], [sflag:$0x2], $0x4000, $0x38;
	[tilespmem:$0x1F280] =	vst v63  }
0x59: {  	_ =	swait.ge [sflag:s30], $0x4000  }
0x5a: {  	[sflag:s30] =	ssyncset.done $0x0  }
0x5b: {  	[sflag:s30] =	ssyncadd.s32 $0xFFFFC000  }
0x5c: {  	[tilespmem:s7], [sflag:$0x4] =	stream.linear.gather [spmem:s22], $0x4000, $0x38;
	[tilespmem:$0x1F280] =	vst v63  }
0x5d: {  	_ =	swait.ge [sflag:s29], $0x4000  }
0x5e: {  	[sflag:s29] =	ssyncset.done $0x0  }
0x5f: {  	s15 =	rddreg [dreg:$0xc];
	[sflag:s29] =	ssyncadd.s32 $0xFFFFC000  }
0x60: {  	[hbm4b:s15+s2] =	stream.linear.scatter [tilespmem:s7], [sflag:$0x2], $0x4000, $0x38;
	[tilespmem:$0x1F280] =	vst v63  }
0x61: {  	_ =	swait.ge [sflag:s30], $0x4000  }
0x62: {  	[sflag:s30] =	ssyncset.done $0x0  }
0x63: {  	[sflag:s30] =	ssyncadd.s32 $0xFFFFC000  }
0x64: {  	[tilespmem:s0], [sflag:$0x4] =	stream.linear.gather [spmem:s23], $0x4000, $0x38;
	[tilespmem:$0x1F280] =	vst v63  }
0x65: {  	_ =	swait.ge [sflag:s29], $0x4000  }
0x66: {  	[sflag:s29] =	ssyncset.done $0x0  }
0x67: {  	s16 =	rddreg [dreg:$0xd];
	[sflag:s29] =	ssyncadd.s32 $0xFFFFC000  }
0x68: {  	[hbm4b:s16+s2] =	stream.linear.scatter [tilespmem:s0], [sflag:$0x2], $0x4000, $0x38;
	[tilespmem:$0x1F280] =	vst v63  }
0x69: {  	_ =	swait.ge [sflag:s30], $0x4000  }
0x6a: {  	[sflag:s30] =	ssyncset.done $0x0  }
0x6b: {  	[sflag:s30] =	ssyncadd.s32 $0xFFFFC000  }
0x6c: {  	_ =	swait.ge [sflag:s30], $0x4000  }
0x6d: {  	s12 =	sadd.s32 $0x1, s12;
	s17 =	rddreg [dreg:$0xf]  }
0x6e: {  	p1 =	sne.s32 s12, s17  }
.Ltmp1:
0x6f: {  	_ = 	snop;
	(pc) =	sbr.rel @!p1 .LBB2_16-.Ltmp1, $3  }
0x70: {  	_ =	sdelay $0x1  }
0x71: {  	[sflag:s30] =	ssyncset.done $0x0  }
0x72: {  	[sflag:s30] =	ssyncadd.s32 $0xFFFFC000  }
.LBB2_1:
0x73: {  	[tilespmem:s18], [sflag:$0x4] =	stream.linear.gather [hbm4b:s19+s2], $0x80, $0x38;
	[tilespmem:$0x1F280] =	vst v63  }
0x74: {  	_ =	swait.ge [sflag:s29], $0x80  }
0x75: {  	[sflag:s29] =	ssyncset.done $0x0  }
0x76: {  	s13 =	simm.s32 $0x200;
	[sflag:s29] =	ssyncadd.s32 $0xFFFFFF80  }
0x77: {  	[tilespmem:s13], [sflag:$0x4] =	stream.linear.gather [hbm4b:s24+s2], $0x3000, $0x38;
	[tilespmem:$0x1F280] =	vst v63  }
0x78: {  	_ =	swait.ge [sflag:s29], $0x3000  }
0x79: {  	[sflag:s29] =	ssyncset.done $0x0  }
0x7a: {  	[sflag:s29] =	ssyncadd.s32 $0xFFFFD000  }
0x7b: {  	[tilespmem:s0], [sflag:$0x1] =	stream.indirect.gather [hbm4b:s5+s31], $0x80, s18, s31, $0xb8;
	[tilespmem:$0x1F280] =	vst v63  }
0x7c: {  	_ =	swait.ge [sflag:s3], $0x4000  }
0x7d: {  	[sflag:s3] =	ssyncset.done $0x0  }
0x7e: {  	[sflag:s3] =	ssyncadd.s32 $0xFFFFC000  }
0x7f: {  	[spmem:s9] =	stream.linear.scatter [tilespmem:s0], [sflag:$0x2], $0x4000, $0x38;
	[tilespmem:$0x1F280] =	vst v63  }
0x80: {  	_ = 	snop  }
0x81: {  	[spmem:s10] =	stream.linear.scatter [tilespmem:s0], [sflag:$0x2], $0x4000, $0x38;
	[tilespmem:$0x1F280] =	vst v63  }
0x82: {  	_ = 	snop  }
0x83: {  	[spmem:s21] =	stream.linear.scatter [tilespmem:s0], [sflag:$0x2], $0x4000, $0x38;
	[tilespmem:$0x1F280] =	vst v63  }
0x84: {  	_ = 	snop  }
0x85: {  	[spmem:s22] =	stream.linear.scatter [tilespmem:s0], [sflag:$0x2], $0x4000, $0x38;
	[tilespmem:$0x1F280] =	vst v63  }
0x86: {  	_ = 	snop  }
0x87: {  	[spmem:s23] =	stream.linear.scatter [tilespmem:s0], [sflag:$0x2], $0x4000, $0x38;
	[tilespmem:$0x1F280] =	vst v63  }
0x88: {  	_ =	swait.ge [sflag:s30], $0x4000  }
0x89: {  	[sflag:s30] =	ssyncset.done $0x0  }
0x8a: {  	[sflag:s30] =	ssyncadd.s32 $0xFFFFC000  }
0x8b: {  	_ =	swait.ge [sflag:s30], $0x4000  }
0x8c: {  	[sflag:s30] =	ssyncset.done $0x0  }
0x8d: {  	[sflag:s30] =	ssyncadd.s32 $0xFFFFC000  }
0x8e: {  	_ =	swait.ge [sflag:s30], $0x4000  }
0x8f: {  	[sflag:s30] =	ssyncset.done $0x0  }
0x90: {  	[sflag:s30] =	ssyncadd.s32 $0xFFFFC000  }
0x91: {  	_ =	swait.ge [sflag:s30], $0x4000  }
0x92: {  	[sflag:s30] =	ssyncset.done $0x0  }
0x93: {  	[sflag:s30] =	ssyncadd.s32 $0xFFFFC000  }
0x94: {  	_ =	swait.ge [sflag:s30], $0x4000  }
0x95: {  	[sflag:s30] =	ssyncset.done $0x0  }
0x96: {  	s18 =	rddreg [dreg:$0xe];
	[sflag:s30] =	ssyncadd.s32 $0xFFFFC000  }
0x97: {  	[tilespmem:s2], [sflag:$0x4] =	stream.linear.gather [hbm4b:s18+s2], $0x100, $0x38;
	[tilespmem:$0x1F280] =	vst v63  }
.Ltmp2:
0x98: {  	_ =	swait.ge [sflag:s29], $0x100;
	(pc) =	sbr.rel @p0 .LBB2_5-.Ltmp2, $3  }
0x99: {  	[sflag:s29] =	ssyncset.done $0x0  }
0x9a: {  	[sflag:s29] =	ssyncadd.s32 $0xFFFFFF00  }
0x9b: {  	[bflag:$0x0] =	sbarrier.arrive $0xFFFF;
	_ =	sdelay $0x1  }
0x9c: {  	s13 =	simm.s32 $0x20  }
0x9d: {  	s14 =	sadd.s32 $0x0, s26;
	s13 =	sand.u32 $0x60, s13  }
0x9e: {  	s15 =	sand.u32 $0xFFFFF80, s14;
	s13 =	sadd.s32 s4, s13  }
0x9f: {  	s13 =	sadd.s32 s15, s13  }
0xa0: {  	[tilespmem:s6], [sflag:$0x3] =	stream.linear.gather [hbm4b:s13+s2], $0x100, $0x38;
	[tilespmem:$0x1F280] =	vst v63  }
0xa1: {  	_ = 	snop  }
0xa2: {  	[tilespmem:s0], [sflag:$0x1] =	stream.indirect.gather [hbm4b:s5+s31], $0x80, s2, s31, $0xb8;
	[tilespmem:$0x1F280] =	vst v63  }
0xa3: {  	_ = 	snop  }
0xa4: {  	[tilespmem:s7], [sflag:$0x1] =	stream.indirect.gather [hbm4b:s5+s31], $0x80, s31, s31, $0xb8;
	[tilespmem:$0x1F280] =	vst v63  }
0xa5: {  	_ =	swait.ge [sflag:s3], $0x4000  }
0xa6: {  	[sflag:s3] =	ssyncset.done $0x0  }
0xa7: {  	[sflag:s3] =	ssyncadd.s32 $0xFFFFC000  }
0xa8: {  	_ =	swait.ge [sflag:s3], $0x4000  }
0xa9: {  	[sflag:s3] =	ssyncset.done $0x0  }
0xaa: {  	s18 =	simm.s32 $0x200;
	[sflag:s3] =	ssyncadd.s32 $0xFFFFC000  }
0xab: {  	[spmem:s1] =	stream.indirect.scatter.add.f32 [tilespmem:s0], [sflag:$0x2], $0x80, s18, s31, $0xb8;
	[tilespmem:$0x1F280] =	vst v63  }
0xac: {  	s15 =	simm.s32 $0x280  }
0xad: {  	[spmem:s1] =	stream.indirect.scatter.add.f32 [tilespmem:s7], [sflag:$0x2], $0x80, s15, s31, $0xb8;
	[tilespmem:$0x1F280] =	vst v63  }
0xae: {  	_ =	swait.ge [sflag:s30], $0x4000  }
0xaf: {  	[sflag:s30] =	ssyncset.done $0x0  }
0xb0: {  	[sflag:s30] =	ssyncadd.s32 $0xFFFFC000  }
0xb1: {  	_ =	swait.ge [sflag:s30], $0x4000  }
0xb2: {  	[sflag:s30] =	ssyncset.done $0x0  }
0xb3: {  	s13 =	simm.s32 $0x40;
	[sflag:s30] =	ssyncadd.s32 $0xFFFFC000  }
0xb4: {  	s14 =	sadd.s32 $0x40, s14;
	s16 =	sand.u32 $0x40, s13;
	_ =	swait.ge [sflag:s8], $0x100  }
0xb5: {  	s14 =	sand.u32 $0xFFFFF80, s14;
	s15 =	sadd.s32 s4, s16;
	[sflag:s8] =	ssyncset.done $0x0  }
0xb6: {  	s14 =	sadd.s32 s14, s15;
	[sflag:s8] =	ssyncadd.s32 $0xFFFFFF00  }
0xb7: {  	[tilespmem:s2], [sflag:$0x3] =	stream.linear.gather [hbm4b:s14+s2], $0x100, $0x38;
	[tilespmem:$0x1F280] =	vst v63  }
0xb8: {  	_ = 	snop  }
0xb9: {  	[tilespmem:s0], [sflag:$0x1] =	stream.indirect.gather [hbm4b:s5+s31], $0x80, s6, s31, $0xb8;
	[tilespmem:$0x1F280] =	vst v63  }
0xba: {  	_ = 	snop  }
0xbb: {  	[tilespmem:s7], [sflag:$0x1] =	stream.indirect.gather [hbm4b:s5+s31], $0x80, s11, s31, $0xb8;
	[tilespmem:$0x1F280] =	vst v63  }
0xbc: {  	_ =	swait.ge [sflag:s3], $0x4000  }
0xbd: {  	[sflag:s3] =	ssyncset.done $0x0  }
0xbe: {  	[sflag:s3] =	ssyncadd.s32 $0xFFFFC000  }
0xbf: {  	_ =	swait.ge [sflag:s3], $0x4000  }
0xc0: {  	[sflag:s3] =	ssyncset.done $0x0  }
0xc1: {  	s17 =	simm.s32 $0x300;
	[sflag:s3] =	ssyncadd.s32 $0xFFFFC000  }
0xc2: {  	[spmem:s1] =	stream.indirect.scatter.add.f32 [tilespmem:s0], [sflag:$0x2], $0x80, s17, s31, $0xb8;
	[tilespmem:$0x1F280] =	vst v63  }
0xc3: {  	s18 =	simm.s32 $0x380  }
0xc4: {  	[spmem:s1] =	stream.indirect.scatter.add.f32 [tilespmem:s7], [sflag:$0x2], $0x80, s18, s31, $0xb8;
	[tilespmem:$0x1F280] =	vst v63  }
0xc5: {  	_ =	swait.ge [sflag:s30], $0x4000  }
0xc6: {  	[sflag:s30] =	ssyncset.done $0x0  }
0xc7: {  	[sflag:s30] =	ssyncadd.s32 $0xFFFFC000  }
0xc8: {  	_ =	swait.ge [sflag:s30], $0x4000  }
0xc9: {  	s16 =	sadd.s32 $0x40, s26;
	[sflag:s30] =	ssyncset.done $0x0  }
0xca: {  	s15 =	simm.s32 $0x1000;
	s17 =	simm.s32 $0x60;
	[sflag:s30] =	ssyncadd.s32 $0xFFFFC000  }
0xcb: {  	s14 =	simm.s32 $0x800;
	s18 =	sand.u32 $0x60, s17;
	_ =	swait.ge [sflag:s8], $0x100  }
0xcc: {  	s17 =	sand.u32 $0xFFFFF80, s16;
	s18 =	sadd.s32 s4, s18;
	[sflag:s8] =	ssyncset.done $0x0  }
.LBB2_3:
0xcd: {  	s17 =	sadd.s32 s17, s18  }
0xce: {  	s16 =	sadd.s32 $0x40, s16;
	[sflag:s8] =	ssyncadd.s32 $0xFFFFFF00;
	s18 =	smov.u32 s15  }
0xcf: {  	[tilespmem:s6], [sflag:$0x3] =	stream.linear.gather [hbm4b:s17+s2], $0x100, $0x38;
	[tilespmem:$0x1F280] =	vst v63  }
0xd0: {  	p1 =	seq.s32 s15, $0xB800;
	s15 =	sadd.s32 $0x800, s15;
	s16 =	sand.u32 $0xFFFFF80, s16  }
0xd1: {  	[tilespmem:s0], [sflag:$0x1] =	stream.indirect.gather [hbm4b:s5+s31], $0x80, s2, s31, $0xb8;
	[tilespmem:$0x1F280] =	vst v63  }
0xd2: {  	_ = 	snop  }
0xd3: {  	[tilespmem:s7], [sflag:$0x1] =	stream.indirect.gather [hbm4b:s5+s31], $0x80, s31, s31, $0xb8;
	[tilespmem:$0x1F280] =	vst v63  }
0xd4: {  	_ =	swait.ge [sflag:s3], $0x4000  }
0xd5: {  	[sflag:s3] =	ssyncset.done $0x0  }
0xd6: {  	[sflag:s3] =	ssyncadd.s32 $0xFFFFC000  }
0xd7: {  	_ =	swait.ge [sflag:s3], $0x4000  }
0xd8: {  	s17 =	sshra.s32 s14, $0x2;
	s14 =	smov.u32 s18;
	[sflag:s3] =	ssyncset.done $0x0  }
0xd9: {  	s18 =	sadd.s32 $0x200, s17;
	[sflag:s3] =	ssyncadd.s32 $0xFFFFC000  }
0xda: {  	[spmem:s1] =	stream.indirect.scatter.add.f32 [tilespmem:s0], [sflag:$0x2], $0x80, s18, s31, $0xb8;
	[tilespmem:$0x1F280] =	vst v63  }
0xdb: {  	s18 =	sadd.s32 $0x280, s17  }
0xdc: {  	[spmem:s1] =	stream.indirect.scatter.add.f32 [tilespmem:s7], [sflag:$0x2], $0x80, s18, s31, $0xb8;
	[tilespmem:$0x1F280] =	vst v63  }
0xdd: {  	_ =	swait.ge [sflag:s30], $0x4000  }
0xde: {  	[sflag:s30] =	ssyncset.done $0x0  }
0xdf: {  	[sflag:s30] =	ssyncadd.s32 $0xFFFFC000  }
0xe0: {  	_ =	swait.ge [sflag:s30], $0x4000  }
0xe1: {  	[sflag:s30] =	ssyncset.done $0x0  }
0xe2: {  	s13 =	sadd.s32 $0x40, s13;
	[sflag:s30] =	ssyncadd.s32 $0xFFFFC000  }
0xe3: {  	s18 =	sand.u32 $0x40, s13;
	_ =	swait.ge [sflag:s8], $0x100  }
0xe4: {  	s18 =	sadd.s32 s4, s18;
	[sflag:s8] =	ssyncset.done $0x0  }
0xe5: {  	s16 =	sadd.s32 s16, s18;
	[sflag:s8] =	ssyncadd.s32 $0xFFFFFF00  }
0xe6: {  	[tilespmem:s2], [sflag:$0x3] =	stream.linear.gather [hbm4b:s16+s2], $0x100, $0x38;
	[tilespmem:$0x1F280] =	vst v63  }
0xe7: {  	_ = 	snop  }
0xe8: {  	[tilespmem:s0], [sflag:$0x1] =	stream.indirect.gather [hbm4b:s5+s31], $0x80, s6, s31, $0xb8;
	[tilespmem:$0x1F280] =	vst v63  }
0xe9: {  	_ = 	snop  }
0xea: {  	[tilespmem:s7], [sflag:$0x1] =	stream.indirect.gather [hbm4b:s5+s31], $0x80, s11, s31, $0xb8;
	[tilespmem:$0x1F280] =	vst v63  }
0xeb: {  	_ =	swait.ge [sflag:s3], $0x4000  }
0xec: {  	[sflag:s3] =	ssyncset.done $0x0  }
0xed: {  	[sflag:s3] =	ssyncadd.s32 $0xFFFFC000  }
0xee: {  	_ =	swait.ge [sflag:s3], $0x4000  }
0xef: {  	[sflag:s3] =	ssyncset.done $0x0  }
0xf0: {  	s16 =	sadd.s32 $0x300, s17;
	[sflag:s3] =	ssyncadd.s32 $0xFFFFC000  }
0xf1: {  	[spmem:s1] =	stream.indirect.scatter.add.f32 [tilespmem:s0], [sflag:$0x2], $0x80, s16, s31, $0xb8;
	[tilespmem:$0x1F280] =	vst v63  }
0xf2: {  	s16 =	sadd.s32 $0x380, s17  }
0xf3: {  	[spmem:s1] =	stream.indirect.scatter.add.f32 [tilespmem:s7], [sflag:$0x2], $0x80, s16, s31, $0xb8;
	[tilespmem:$0x1F280] =	vst v63  }
0xf4: {  	_ =	swait.ge [sflag:s30], $0x4000  }
0xf5: {  	[sflag:s30] =	ssyncset.done $0x0  }
0xf6: {  	[sflag:s30] =	ssyncadd.s32 $0xFFFFC000  }
.Ltmp3:
0xf7: {  	_ =	swait.ge [sflag:s30], $0x4000;
	(pc) =	sbr.rel @!p1 .LBB2_3-.Ltmp3, $4  }
0xf8: {  	[sflag:s30] =	ssyncset.done $0x0  }
0xf9: {  	s17 =	sadd.s32 $0x20, s13;
	[sflag:s30] =	ssyncadd.s32 $0xFFFFC000  }
0xfa: {  	s18 =	sand.u32 $0x60, s17;
	s16 =	sadd.s32 s13, s26;
	_ =	swait.ge [sflag:s8], $0x100  }
0xfb: {  	s18 =	sadd.s32 s4, s18;
	s17 =	sand.u32 $0xFFFFF80, s16;
	[sflag:s8] =	ssyncset.done $0x0  }
0xfc: {  	s15 =	sadd.s32 s17, s18;
	[sflag:s8] =	ssyncadd.s32 $0xFFFFFF00  }
0xfd: {  	[tilespmem:s6], [sflag:$0x3] =	stream.linear.gather [hbm4b:s15+s2], $0x100, $0x38;
	[tilespmem:$0x1F280] =	vst v63  }
0xfe: {  	_ = 	snop  }
0xff: {  	[tilespmem:s0], [sflag:$0x1] =	stream.indirect.gather [hbm4b:s5+s31], $0x80, s2, s31, $0xb8;
	[tilespmem:$0x1F280] =	vst v63  }
0x100: {  	_ = 	snop  }
0x101: {  	[tilespmem:s7], [sflag:$0x1] =	stream.indirect.gather [hbm4b:s5+s31], $0x80, s31, s31, $0xb8;
	[tilespmem:$0x1F280] =	vst v63  }
0x102: {  	_ =	swait.ge [sflag:s3], $0x4000  }
0x103: {  	[sflag:s3] =	ssyncset.done $0x0  }
0x104: {  	[sflag:s3] =	ssyncadd.s32 $0xFFFFC000  }
0x105: {  	_ =	swait.ge [sflag:s3], $0x4000  }
0x106: {  	s14 =	sshra.s32 s14, $0x2;
	[sflag:s3] =	ssyncset.done $0x0  }
0x107: {  	s17 =	sadd.s32 $0x200, s14;
	[sflag:s3] =	ssyncadd.s32 $0xFFFFC000  }
0x108: {  	[spmem:s1] =	stream.indirect.scatter.add.f32 [tilespmem:s0], [sflag:$0x2], $0x80, s17, s31, $0xb8;
	[tilespmem:$0x1F280] =	vst v63  }
0x109: {  	s18 =	sadd.s32 $0x280, s14  }
0x10a: {  	[spmem:s1] =	stream.indirect.scatter.add.f32 [tilespmem:s7], [sflag:$0x2], $0x80, s18, s31, $0xb8;
	[tilespmem:$0x1F280] =	vst v63  }
0x10b: {  	_ =	swait.ge [sflag:s30], $0x4000  }
0x10c: {  	[sflag:s30] =	ssyncset.done $0x0  }
0x10d: {  	[sflag:s30] =	ssyncadd.s32 $0xFFFFC000  }
0x10e: {  	_ =	swait.ge [sflag:s30], $0x4000  }
0x10f: {  	[sflag:s30] =	ssyncset.done $0x0  }
0x110: {  	s13 =	sadd.s32 $0x40, s13;
	[sflag:s30] =	ssyncadd.s32 $0xFFFFC000  }
0x111: {  	s16 =	sadd.s32 $0x40, s16;
	s13 =	sand.u32 $0x40, s13;
	_ =	swait.ge [sflag:s8], $0x100  }
0x112: {  	s15 =	sand.u32 $0xFFFFF80, s16;
	s13 =	sadd.s32 s4, s13;
	[sflag:s8] =	ssyncset.done $0x0  }
0x113: {  	s13 =	sadd.s32 s15, s13;
	[sflag:s8] =	ssyncadd.s32 $0xFFFFFF00  }
0x114: {  	[tilespmem:s2], [sflag:$0x3] =	stream.linear.gather [hbm4b:s13+s2], $0x100, $0x38;
	[tilespmem:$0x1F280] =	vst v63  }
0x115: {  	_ = 	snop  }
0x116: {  	[tilespmem:s0], [sflag:$0x1] =	stream.indirect.gather [hbm4b:s5+s31], $0x80, s6, s31, $0xb8;
	[tilespmem:$0x1F280] =	vst v63  }
0x117: {  	_ = 	snop  }
0x118: {  	[tilespmem:s7], [sflag:$0x1] =	stream.indirect.gather [hbm4b:s5+s31], $0x80, s11, s31, $0xb8;
	[tilespmem:$0x1F280] =	vst v63  }
0x119: {  	_ =	swait.ge [sflag:s3], $0x4000  }
0x11a: {  	[sflag:s3] =	ssyncset.done $0x0  }
0x11b: {  	[sflag:s3] =	ssyncadd.s32 $0xFFFFC000  }
0x11c: {  	_ =	swait.ge [sflag:s3], $0x4000  }
0x11d: {  	[sflag:s3] =	ssyncset.done $0x0  }
0x11e: {  	s17 =	sadd.s32 $0x300, s14;
	[sflag:s3] =	ssyncadd.s32 $0xFFFFC000  }
0x11f: {  	[spmem:s1] =	stream.indirect.scatter.add.f32 [tilespmem:s0], [sflag:$0x2], $0x80, s17, s31, $0xb8;
	[tilespmem:$0x1F280] =	vst v63  }
0x120: {  	s18 =	sadd.s32 $0x380, s14  }
0x121: {  	[spmem:s1] =	stream.indirect.scatter.add.f32 [tilespmem:s7], [sflag:$0x2], $0x80, s18, s31, $0xb8;
	[tilespmem:$0x1F280] =	vst v63  }
0x122: {  	_ =	swait.ge [sflag:s30], $0x4000  }
0x123: {  	[sflag:s30] =	ssyncset.done $0x0  }
0x124: {  	[sflag:s30] =	ssyncadd.s32 $0xFFFFC000  }
0x125: {  	_ =	swait.ge [sflag:s30], $0x4000  }
.Ltmp4:
0x126: {  	[sflag:s30] =	ssyncset.done $0x0;
	(pc) =	sbr.rel .LBB2_8-.Ltmp4, $4  }
0x127: {  	[sflag:s30] =	ssyncadd.s32 $0xFFFFC000  }
0x128: {  	_ =	swait.ge [sflag:s8], $0x100  }
0x129: {  	[sflag:s8] =	ssyncset.done $0x0  }
0x12a: {  	[sflag:s8] =	ssyncadd.s32 $0xFFFFFF00  }
.LBB2_5:
0x12b: {  	s28 =	smov.u32 s25  }
0x12c: {  	s25 =	smov.u32 s24;
	s24 =	smov.u32 s20;
	s13 =	rddreg [dreg:$0x4]  }
0x12d: {  	s20 =	smov.u32 s19;
	s19 =	simm.s32 $0x20;
	s14 =	sadd.s32 $0x0, s13  }
0x12e: {  	s13 =	sand.u32 $0x60, s19;
	s15 =	sadd.s32 $0x6000, s14  }
0x12f: {  	s13 =	sadd.s32 s4, s13;
	s15 =	sand.u32 $0xFFFFF80, s15  }
0x130: {  	s13 =	sadd.s32 s15, s13  }
0x131: {  	[tilespmem:s6], [sflag:$0x3] =	stream.linear.gather [hbm4b:s13+s2], $0x100, $0x38;
	[tilespmem:$0x1F280] =	vst v63  }
0x132: {  	_ = 	snop  }
0x133: {  	[tilespmem:s0], [sflag:$0x1] =	stream.indirect.gather [hbm4b:s5+s31], $0x80, s2, s31, $0xb8;
	[tilespmem:$0x1F280] =	vst v63  }
0x134: {  	_ = 	snop  }
0x135: {  	[tilespmem:s7], [sflag:$0x1] =	stream.indirect.gather [hbm4b:s5+s31], $0x80, s31, s31, $0xb8;
	[tilespmem:$0x1F280] =	vst v63  }
0x136: {  	_ =	swait.ge [sflag:s3], $0x4000  }
0x137: {  	[sflag:s3] =	ssyncset.done $0x0  }
0x138: {  	[sflag:s3] =	ssyncadd.s32 $0xFFFFC000  }
0x139: {  	_ =	swait.ge [sflag:s3], $0x4000  }
0x13a: {  	[sflag:s3] =	ssyncset.done $0x0  }
0x13b: {  	s15 =	simm.s32 $0x200;
	[sflag:s3] =	ssyncadd.s32 $0xFFFFC000  }
0x13c: {  	[spmem:s1] =	stream.indirect.scatter.add.f32 [tilespmem:s0], [sflag:$0x2], $0x80, s15, s31, $0xb8;
	[tilespmem:$0x1F280] =	vst v63  }
0x13d: {  	s16 =	simm.s32 $0x280  }
0x13e: {  	[spmem:s1] =	stream.indirect.scatter.add.f32 [tilespmem:s7], [sflag:$0x2], $0x80, s16, s31, $0xb8;
	[tilespmem:$0x1F280] =	vst v63  }
0x13f: {  	_ =	swait.ge [sflag:s30], $0x4000  }
0x140: {  	[sflag:s30] =	ssyncset.done $0x0  }
0x141: {  	[sflag:s30] =	ssyncadd.s32 $0xFFFFC000  }
0x142: {  	_ =	swait.ge [sflag:s30], $0x4000  }
0x143: {  	[sflag:s30] =	ssyncset.done $0x0  }
0x144: {  	s13 =	simm.s32 $0x40;
	[sflag:s30] =	ssyncadd.s32 $0xFFFFC000  }
0x145: {  	s14 =	sadd.s32 $0x6040, s14;
	s17 =	sand.u32 $0x40, s13;
	_ =	swait.ge [sflag:s8], $0x100  }
0x146: {  	s14 =	sand.u32 $0xFFFFF80, s14;
	s15 =	sadd.s32 s4, s17;
	[sflag:s8] =	ssyncset.done $0x0  }
0x147: {  	s14 =	sadd.s32 s14, s15;
	[sflag:s8] =	ssyncadd.s32 $0xFFFFFF00  }
0x148: {  	[tilespmem:s2], [sflag:$0x3] =	stream.linear.gather [hbm4b:s14+s2], $0x100, $0x38;
	[tilespmem:$0x1F280] =	vst v63  }
0x149: {  	_ = 	snop  }
0x14a: {  	[tilespmem:s0], [sflag:$0x1] =	stream.indirect.gather [hbm4b:s5+s31], $0x80, s6, s31, $0xb8;
	[tilespmem:$0x1F280] =	vst v63  }
0x14b: {  	_ = 	snop  }
0x14c: {  	[tilespmem:s7], [sflag:$0x1] =	stream.indirect.gather [hbm4b:s5+s31], $0x80, s11, s31, $0xb8;
	[tilespmem:$0x1F280] =	vst v63  }
0x14d: {  	_ =	swait.ge [sflag:s3], $0x4000  }
0x14e: {  	[sflag:s3] =	ssyncset.done $0x0  }
0x14f: {  	[sflag:s3] =	ssyncadd.s32 $0xFFFFC000  }
0x150: {  	_ =	swait.ge [sflag:s3], $0x4000  }
0x151: {  	[sflag:s3] =	ssyncset.done $0x0  }
0x152: {  	s18 =	simm.s32 $0x300;
	[sflag:s3] =	ssyncadd.s32 $0xFFFFC000  }
0x153: {  	[spmem:s1] =	stream.indirect.scatter.add.f32 [tilespmem:s0], [sflag:$0x2], $0x80, s18, s31, $0xb8;
	[tilespmem:$0x1F280] =	vst v63  }
0x154: {  	s19 =	simm.s32 $0x380  }
0x155: {  	[spmem:s1] =	stream.indirect.scatter.add.f32 [tilespmem:s7], [sflag:$0x2], $0x80, s19, s31, $0xb8;
	[tilespmem:$0x1F280] =	vst v63  }
0x156: {  	_ =	swait.ge [sflag:s30], $0x4000  }
0x157: {  	[sflag:s30] =	ssyncset.done $0x0  }
0x158: {  	[sflag:s30] =	ssyncadd.s32 $0xFFFFC000  }
0x159: {  	_ =	swait.ge [sflag:s30], $0x4000  }
0x15a: {  	[sflag:s30] =	ssyncset.done $0x0  }
0x15b: {  	[sflag:s30] =	ssyncadd.s32 $0xFFFFC000  }
0x15c: {  	s15 =	simm.s32 $0x1000;
	_ =	swait.ge [sflag:s8], $0x100  }
0x15d: {  	s14 =	simm.s32 $0x800;
	s16 =	rddreg [dreg:$0x4];
	[sflag:s8] =	ssyncset.done $0x0  }
.LBB2_6:
0x15e: {  	s16 =	sadd.s32 s13, s16;
	s18 =	sadd.s32 $0x20, s13  }
0x15f: {  	s19 =	sadd.s32 $0x6000, s16;
	s18 =	sand.u32 $0x60, s18  }
0x160: {  	s19 =	sand.u32 $0xFFFFF80, s19;
	s18 =	sadd.s32 s4, s18  }
0x161: {  	[sflag:s8] =	ssyncadd.s32 $0xFFFFFF00;
	s18 =	sadd.s32 s19, s18  }
0x162: {  	[tilespmem:s6], [sflag:$0x3] =	stream.linear.gather [hbm4b:s18+s2], $0x100, $0x38;
	[tilespmem:$0x1F280] =	vst v63  }
0x163: {  	_ = 	snop  }
0x164: {  	[tilespmem:s0], [sflag:$0x1] =	stream.indirect.gather [hbm4b:s5+s31], $0x80, s2, s31, $0xb8;
	[tilespmem:$0x1F280] =	vst v63  }
0x165: {  	_ = 	snop  }
0x166: {  	[tilespmem:s7], [sflag:$0x1] =	stream.indirect.gather [hbm4b:s5+s31], $0x80, s31, s31, $0xb8;
	[tilespmem:$0x1F280] =	vst v63  }
0x167: {  	_ =	swait.ge [sflag:s3], $0x4000  }
0x168: {  	[sflag:s3] =	ssyncset.done $0x0  }
0x169: {  	[sflag:s3] =	ssyncadd.s32 $0xFFFFC000  }
0x16a: {  	_ =	swait.ge [sflag:s3], $0x4000  }
0x16b: {  	s18 =	sshra.s32 s14, $0x2;
	[sflag:s3] =	ssyncset.done $0x0  }
0x16c: {  	s19 =	sadd.s32 $0x200, s18;
	[sflag:s3] =	ssyncadd.s32 $0xFFFFC000  }
0x16d: {  	[spmem:s1] =	stream.indirect.scatter.add.f32 [tilespmem:s0], [sflag:$0x2], $0x80, s19, s31, $0xb8;
	[tilespmem:$0x1F280] =	vst v63  }
0x16e: {  	s19 =	sadd.s32 $0x280, s18  }
0x16f: {  	[spmem:s1] =	stream.indirect.scatter.add.f32 [tilespmem:s7], [sflag:$0x2], $0x80, s19, s31, $0xb8;
	[tilespmem:$0x1F280] =	vst v63  }
0x170: {  	_ =	swait.ge [sflag:s30], $0x4000  }
0x171: {  	[sflag:s30] =	ssyncset.done $0x0  }
0x172: {  	[sflag:s30] =	ssyncadd.s32 $0xFFFFC000  }
0x173: {  	_ =	swait.ge [sflag:s30], $0x4000  }
0x174: {  	s17 =	smov.u32 s15;
	[sflag:s30] =	ssyncset.done $0x0  }
0x175: {  	s13 =	sadd.s32 $0x40, s13;
	s16 =	sadd.s32 $0x6040, s16;
	[sflag:s30] =	ssyncadd.s32 $0xFFFFC000  }
0x176: {  	s16 =	sand.u32 $0xFFFFF80, s16;
	s19 =	sand.u32 $0x40, s13;
	_ =	swait.ge [sflag:s8], $0x100  }
0x177: {  	s14 =	smov.u32 s17;
	s17 =	sadd.s32 s4, s19;
	[sflag:s8] =	ssyncset.done $0x0  }
0x178: {  	s16 =	sadd.s32 s16, s17;
	[sflag:s8] =	ssyncadd.s32 $0xFFFFFF00  }
0x179: {  	[tilespmem:s2], [sflag:$0x3] =	stream.linear.gather [hbm4b:s16+s2], $0x100, $0x38;
	[tilespmem:$0x1F280] =	vst v63  }
0x17a: {  	_ = 	snop  }
0x17b: {  	[tilespmem:s0], [sflag:$0x1] =	stream.indirect.gather [hbm4b:s5+s31], $0x80, s6, s31, $0xb8;
	[tilespmem:$0x1F280] =	vst v63  }
0x17c: {  	_ = 	snop  }
0x17d: {  	[tilespmem:s7], [sflag:$0x1] =	stream.indirect.gather [hbm4b:s5+s31], $0x80, s11, s31, $0xb8;
	[tilespmem:$0x1F280] =	vst v63  }
0x17e: {  	_ =	swait.ge [sflag:s3], $0x4000  }
0x17f: {  	[sflag:s3] =	ssyncset.done $0x0  }
0x180: {  	[sflag:s3] =	ssyncadd.s32 $0xFFFFC000  }
0x181: {  	_ =	swait.ge [sflag:s3], $0x4000  }
0x182: {  	[sflag:s3] =	ssyncset.done $0x0  }
0x183: {  	s17 =	sadd.s32 $0x300, s18;
	[sflag:s3] =	ssyncadd.s32 $0xFFFFC000  }
0x184: {  	[spmem:s1] =	stream.indirect.scatter.add.f32 [tilespmem:s0], [sflag:$0x2], $0x80, s17, s31, $0xb8;
	[tilespmem:$0x1F280] =	vst v63  }
0x185: {  	s19 =	sadd.s32 $0x380, s18  }
0x186: {  	[spmem:s1] =	stream.indirect.scatter.add.f32 [tilespmem:s7], [sflag:$0x2], $0x80, s19, s31, $0xb8;
	[tilespmem:$0x1F280] =	vst v63  }
0x187: {  	_ =	swait.ge [sflag:s30], $0x4000  }
0x188: {  	[sflag:s30] =	ssyncset.done $0x0  }
0x189: {  	p1 =	sne.s32 s15, $0x7800;
	[sflag:s30] =	ssyncadd.s32 $0xFFFFC000  }
.Ltmp5:
0x18a: {  	_ =	swait.ge [sflag:s30], $0x4000;
	(pc) =	sbr.rel @p1 .LBB2_6-.Ltmp5, $4  }
0x18b: {  	[sflag:s30] =	ssyncset.done $0x0  }
0x18c: {  	[sflag:s30] =	ssyncadd.s32 $0xFFFFC000  }
0x18d: {  	_ =	swait.ge [sflag:s8], $0x100  }
0x18e: {  	s15 =	sadd.s32 $0x800, s15;
	s16 =	rddreg [dreg:$0x4];
	[sflag:s8] =	ssyncset.done $0x0  }
0x18f: {  	s15 =	sadd.s32 s13, s16;
	s19 =	sadd.s32 $0x20, s13  }
0x190: {  	s17 =	sadd.s32 $0x6000, s15;
	s16 =	sand.u32 $0x60, s19  }
0x191: {  	s17 =	sand.u32 $0xFFFFF80, s17;
	s16 =	sadd.s32 s4, s16  }
0x192: {  	[sflag:s8] =	ssyncadd.s32 $0xFFFFFF00;
	s16 =	sadd.s32 s17, s16  }
0x193: {  	[tilespmem:s6], [sflag:$0x3] =	stream.linear.gather [hbm4b:s16+s2], $0x100, $0x38;
	[tilespmem:$0x1F280] =	vst v63  }
0x194: {  	_ = 	snop  }
0x195: {  	[tilespmem:s0], [sflag:$0x1] =	stream.indirect.gather [hbm4b:s5+s31], $0x80, s2, s31, $0xb8;
	[tilespmem:$0x1F280] =	vst v63  }
0x196: {  	_ = 	snop  }
0x197: {  	[tilespmem:s7], [sflag:$0x1] =	stream.indirect.gather [hbm4b:s5+s31], $0x80, s31, s31, $0xb8;
	[tilespmem:$0x1F280] =	vst v63  }
0x198: {  	_ =	swait.ge [sflag:s3], $0x4000  }
0x199: {  	[sflag:s3] =	ssyncset.done $0x0  }
0x19a: {  	[sflag:s3] =	ssyncadd.s32 $0xFFFFC000  }
0x19b: {  	_ =	swait.ge [sflag:s3], $0x4000  }
0x19c: {  	s14 =	sshra.s32 s14, $0x2;
	[sflag:s3] =	ssyncset.done $0x0  }
0x19d: {  	s18 =	sadd.s32 $0x200, s14;
	[sflag:s3] =	ssyncadd.s32 $0xFFFFC000  }
0x19e: {  	[spmem:s1] =	stream.indirect.scatter.add.f32 [tilespmem:s0], [sflag:$0x2], $0x80, s18, s31, $0xb8;
	[tilespmem:$0x1F280] =	vst v63  }
0x19f: {  	s19 =	sadd.s32 $0x280, s14  }
0x1a0: {  	[spmem:s1] =	stream.indirect.scatter.add.f32 [tilespmem:s7], [sflag:$0x2], $0x80, s19, s31, $0xb8;
	[tilespmem:$0x1F280] =	vst v63  }
0x1a1: {  	_ =	swait.ge [sflag:s30], $0x4000  }
0x1a2: {  	[sflag:s30] =	ssyncset.done $0x0  }
0x1a3: {  	[sflag:s30] =	ssyncadd.s32 $0xFFFFC000  }
0x1a4: {  	_ =	swait.ge [sflag:s30], $0x4000  }
0x1a5: {  	[sflag:s30] =	ssyncset.done $0x0  }
0x1a6: {  	s17 =	sadd.s32 $0x40, s13;
	[sflag:s30] =	ssyncadd.s32 $0xFFFFC000  }
0x1a7: {  	s15 =	sadd.s32 $0x6040, s15;
	s13 =	sand.u32 $0x40, s17;
	_ =	swait.ge [sflag:s8], $0x100  }
0x1a8: {  	s15 =	sand.u32 $0xFFFFF80, s15;
	s13 =	sadd.s32 s4, s13;
	[sflag:s8] =	ssyncset.done $0x0  }
0x1a9: {  	s13 =	sadd.s32 s15, s13;
	[sflag:s8] =	ssyncadd.s32 $0xFFFFFF00  }
0x1aa: {  	[tilespmem:s2], [sflag:$0x3] =	stream.linear.gather [hbm4b:s13+s2], $0x100, $0x38;
	[tilespmem:$0x1F280] =	vst v63  }
0x1ab: {  	_ = 	snop  }
0x1ac: {  	[tilespmem:s0], [sflag:$0x1] =	stream.indirect.gather [hbm4b:s5+s31], $0x80, s6, s31, $0xb8;
	[tilespmem:$0x1F280] =	vst v63  }
0x1ad: {  	_ = 	snop  }
0x1ae: {  	[tilespmem:s7], [sflag:$0x1] =	stream.indirect.gather [hbm4b:s5+s31], $0x80, s11, s31, $0xb8;
	[tilespmem:$0x1F280] =	vst v63  }
0x1af: {  	_ =	swait.ge [sflag:s3], $0x4000  }
0x1b0: {  	[sflag:s3] =	ssyncset.done $0x0  }
0x1b1: {  	[sflag:s3] =	ssyncadd.s32 $0xFFFFC000  }
0x1b2: {  	_ =	swait.ge [sflag:s3], $0x4000  }
0x1b3: {  	[sflag:s3] =	ssyncset.done $0x0  }
0x1b4: {  	s18 =	sadd.s32 $0x300, s14;
	[sflag:s3] =	ssyncadd.s32 $0xFFFFC000  }
0x1b5: {  	[spmem:s1] =	stream.indirect.scatter.add.f32 [tilespmem:s0], [sflag:$0x2], $0x80, s18, s31, $0xb8;
	[tilespmem:$0x1F280] =	vst v63  }
0x1b6: {  	s19 =	sadd.s32 $0x380, s14  }
0x1b7: {  	[spmem:s1] =	stream.indirect.scatter.add.f32 [tilespmem:s7], [sflag:$0x2], $0x80, s19, s31, $0xb8;
	[tilespmem:$0x1F280] =	vst v63  }
0x1b8: {  	_ =	swait.ge [sflag:s30], $0x4000  }
0x1b9: {  	[sflag:s30] =	ssyncset.done $0x0  }
0x1ba: {  	[sflag:s30] =	ssyncadd.s32 $0xFFFFC000  }
0x1bb: {  	_ =	swait.ge [sflag:s30], $0x4000  }
0x1bc: {  	[sflag:s30] =	ssyncset.done $0x0  }
0x1bd: {  	[sflag:s30] =	ssyncadd.s32 $0xFFFFC000  }
0x1be: {  	s19 =	smov.u32 s20;
	_ =	swait.ge [sflag:s8], $0x100  }
0x1bf: {  	s20 =	smov.u32 s24;
	s24 =	smov.u32 s25;
	[sflag:s8] =	ssyncset.done $0x0  }
0x1c0: {  	s25 =	smov.u32 s28;
	s28 =	rddreg [dreg:$0x5];
	[sflag:s8] =	ssyncadd.s32 $0xFFFFFF00  }
.LBB2_8:
0x1c1: {  	[bflag:$0x0] =	sbarrier.arrive $0xFFFF  }
0x1c2: {  	[tilespmem:s0], [sflag:$0x4] =	stream.linear.gather [spmem:s9], $0x4000, $0x38;
	[tilespmem:$0x1F280] =	vst v63  }
0x1c3: {  	_ =	swait.ge [sflag:s29], $0x4000  }
0x1c4: {  	[sflag:s29] =	ssyncset.done $0x0  }
0x1c5: {  	s13 =	simm.s32 $0x0;
	[sflag:s29] =	ssyncadd.s32 $0xFFFFC000  }
0x1c6: {  	[hbm4b:s25+s13] =	stream.linear.scatter [tilespmem:s0], [sflag:$0x2], $0x4000, $0x38;
	[tilespmem:$0x1F280] =	vst v63  }
0x1c7: {  	_ = 	snop  }
0x1c8: {  	[tilespmem:s7], [sflag:$0x4] =	stream.linear.gather [spmem:s10], $0x4000, $0x38;
	[tilespmem:$0x1F280] =	vst v63  }
0x1c9: {  	_ =	swait.ge [sflag:s29], $0x4000  }
0x1ca: {  	[sflag:s29] =	ssyncset.done $0x0  }
0x1cb: {  	[sflag:s29] =	ssyncadd.s32 $0xFFFFC000  }
0x1cc: {  	[hbm4b:s28+s13] =	stream.linear.scatter [tilespmem:s7], [sflag:$0x2], $0x4000, $0x38;
	[tilespmem:$0x1F280] =	vst v63  }
0x1cd: {  	_ =	swait.ge [sflag:s30], $0x4000  }
0x1ce: {  	[sflag:s30] =	ssyncset.done $0x0  }
0x1cf: {  	[sflag:s30] =	ssyncadd.s32 $0xFFFFC000  }
0x1d0: {  	[tilespmem:s0], [sflag:$0x4] =	stream.linear.gather [spmem:s21], $0x4000, $0x38;
	[tilespmem:$0x1F280] =	vst v63  }
0x1d1: {  	_ =	swait.ge [sflag:s29], $0x4000  }
0x1d2: {  	[sflag:s29] =	ssyncset.done $0x0  }
0x1d3: {  	s14 =	rddreg [dreg:$0x6];
	[sflag:s29] =	ssyncadd.s32 $0xFFFFC000  }
0x1d4: {  	[hbm4b:s14+s13] =	stream.linear.scatter [tilespmem:s0], [sflag:$0x2], $0x4000, $0x38;
	[tilespmem:$0x1F280] =	vst v63  }
0x1d5: {  	_ =	swait.ge [sflag:s30], $0x4000  }
0x1d6: {  	[sflag:s30] =	ssyncset.done $0x0  }
0x1d7: {  	[sflag:s30] =	ssyncadd.s32 $0xFFFFC000  }
0x1d8: {  	[tilespmem:s7], [sflag:$0x4] =	stream.linear.gather [spmem:s22], $0x4000, $0x38;
	[tilespmem:$0x1F280] =	vst v63  }
0x1d9: {  	_ =	swait.ge [sflag:s29], $0x4000  }
0x1da: {  	[sflag:s29] =	ssyncset.done $0x0  }
0x1db: {  	s17 =	rddreg [dreg:$0x7];
	[sflag:s29] =	ssyncadd.s32 $0xFFFFC000  }
0x1dc: {  	[hbm4b:s17+s13] =	stream.linear.scatter [tilespmem:s7], [sflag:$0x2], $0x4000, $0x38;
	[tilespmem:$0x1F280] =	vst v63  }
0x1dd: {  	_ =	swait.ge [sflag:s30], $0x4000  }
0x1de: {  	[sflag:s30] =	ssyncset.done $0x0  }
0x1df: {  	[sflag:s30] =	ssyncadd.s32 $0xFFFFC000  }
0x1e0: {  	[tilespmem:s0], [sflag:$0x4] =	stream.linear.gather [spmem:s23], $0x4000, $0x38;
	[tilespmem:$0x1F280] =	vst v63  }
0x1e1: {  	_ =	swait.ge [sflag:s29], $0x4000  }
0x1e2: {  	[sflag:s29] =	ssyncset.done $0x0  }
0x1e3: {  	s18 =	rddreg [dreg:$0x8];
	[sflag:s29] =	ssyncadd.s32 $0xFFFFC000  }
0x1e4: {  	[hbm4b:s18+s13] =	stream.linear.scatter [tilespmem:s0], [sflag:$0x2], $0x4000, $0x38;
	[tilespmem:$0x1F280] =	vst v63  }
0x1e5: {  	_ =	swait.ge [sflag:s30], $0x4000  }
0x1e6: {  	[sflag:s30] =	ssyncset.done $0x0  }
0x1e7: {  	[sflag:s30] =	ssyncadd.s32 $0xFFFFC000  }
0x1e8: {  	_ =	swait.ge [sflag:s30], $0x4000  }
0x1e9: {  	[sflag:s30] =	ssyncset.done $0x0  }
0x1ea: {  	[sflag:s30] =	ssyncadd.s32 $0xFFFFC000  }
0x1eb: {  	s18 =	simm.s32 $0x3200;
	[bflag:$0x0] =	sbarrier.arrive $0xFFFF  }
0x1ec: {  	[tilespmem:s0], [sflag:$0x1] =	stream.indirect.gather [hbm4b:s5+s31], $0x80, s18, s31, $0xb8;
	[tilespmem:$0x1F280] =	vst v63  }
0x1ed: {  	_ =	swait.ge [sflag:s3], $0x4000  }
0x1ee: {  	[sflag:s3] =	ssyncset.done $0x0  }
0x1ef: {  	[sflag:s3] =	ssyncadd.s32 $0xFFFFC000  }
0x1f0: {  	[spmem:s9] =	stream.linear.scatter [tilespmem:s0], [sflag:$0x2], $0x4000, $0x38;
	[tilespmem:$0x1F280] =	vst v63  }
0x1f1: {  	_ = 	snop  }
0x1f2: {  	[spmem:s10] =	stream.linear.scatter [tilespmem:s0], [sflag:$0x2], $0x4000, $0x38;
	[tilespmem:$0x1F280] =	vst v63  }
0x1f3: {  	_ = 	snop  }
0x1f4: {  	[spmem:s21] =	stream.linear.scatter [tilespmem:s0], [sflag:$0x2], $0x4000, $0x38;
	[tilespmem:$0x1F280] =	vst v63  }
0x1f5: {  	_ = 	snop  }
0x1f6: {  	[spmem:s22] =	stream.linear.scatter [tilespmem:s0], [sflag:$0x2], $0x4000, $0x38;
	[tilespmem:$0x1F280] =	vst v63  }
0x1f7: {  	_ = 	snop  }
0x1f8: {  	[spmem:s23] =	stream.linear.scatter [tilespmem:s0], [sflag:$0x2], $0x4000, $0x38;
	[tilespmem:$0x1F280] =	vst v63  }
0x1f9: {  	_ =	swait.ge [sflag:s30], $0x4000  }
0x1fa: {  	[sflag:s30] =	ssyncset.done $0x0  }
0x1fb: {  	[sflag:s30] =	ssyncadd.s32 $0xFFFFC000  }
0x1fc: {  	_ =	swait.ge [sflag:s30], $0x4000  }
0x1fd: {  	[sflag:s30] =	ssyncset.done $0x0  }
0x1fe: {  	[sflag:s30] =	ssyncadd.s32 $0xFFFFC000  }
0x1ff: {  	_ =	swait.ge [sflag:s30], $0x4000  }
0x200: {  	[sflag:s30] =	ssyncset.done $0x0  }
0x201: {  	[sflag:s30] =	ssyncadd.s32 $0xFFFFC000  }
0x202: {  	_ =	swait.ge [sflag:s30], $0x4000  }
0x203: {  	[sflag:s30] =	ssyncset.done $0x0  }
0x204: {  	[sflag:s30] =	ssyncadd.s32 $0xFFFFC000  }
0x205: {  	_ =	swait.ge [sflag:s30], $0x4000  }
0x206: {  	[sflag:s30] =	ssyncset.done $0x0  }
0x207: {  	[sflag:s30] =	ssyncadd.s32 $0xFFFFC000  }
.Ltmp6:
0x208: {  	[bflag:$0x0] =	sbarrier.arrive $0xFFFF;
	(pc) =	sbr.rel @p0 .LBB2_12-.Ltmp6, $4  }
0x209: {  	[tilespmem:s0], [sflag:$0x4] =	stream.linear.gather [hbm4b:s20+s13], $0x4000, $0x38;
	[tilespmem:$0x1F280] =	vst v63  }
0x20a: {  	_ =	swait.ge [sflag:s29], $0x4000  }
0x20b: {  	[sflag:s29] =	ssyncset.done $0x0  }
0x20c: {  	s13 =	simm.s32 $0x200;
	[sflag:s29] =	ssyncadd.s32 $0xFFFFC000  }
0x20d: {  	[spmem:s1] =	stream.indirect.scatter.add.f32 [tilespmem:s0], [sflag:$0x2], $0x80, s13, s31, $0xb8;
	[tilespmem:$0x1F280] =	vst v63  }
0x20e: {  	s15 =	simm.s32 $0x280  }
0x20f: {  	[spmem:s1] =	stream.indirect.scatter.add.f32 [tilespmem:s0], [sflag:$0x2], $0x80, s15, s31, $0xb8;
	[tilespmem:$0x1F280] =	vst v63  }
0x210: {  	s16 =	simm.s32 $0x300  }
0x211: {  	[spmem:s1] =	stream.indirect.scatter.add.f32 [tilespmem:s0], [sflag:$0x2], $0x80, s16, s31, $0xb8;
	[tilespmem:$0x1F280] =	vst v63  }
0x212: {  	s17 =	simm.s32 $0x380  }
0x213: {  	[spmem:s1] =	stream.indirect.scatter.add.f32 [tilespmem:s0], [sflag:$0x2], $0x80, s17, s31, $0xb8;
	[tilespmem:$0x1F280] =	vst v63  }
0x214: {  	s14 =	simm.s32 $0x400  }
0x215: {  	[spmem:s1] =	stream.indirect.scatter.add.f32 [tilespmem:s0], [sflag:$0x2], $0x80, s14, s31, $0xb8;
	[tilespmem:$0x1F280] =	vst v63  }
0x216: {  	s15 =	simm.s32 $0x480  }
0x217: {  	[spmem:s1] =	stream.indirect.scatter.add.f32 [tilespmem:s0], [sflag:$0x2], $0x80, s15, s31, $0xb8;
	[tilespmem:$0x1F280] =	vst v63  }
0x218: {  	s16 =	simm.s32 $0x500  }
0x219: {  	[spmem:s1] =	stream.indirect.scatter.add.f32 [tilespmem:s0], [sflag:$0x2], $0x80, s16, s31, $0xb8;
	[tilespmem:$0x1F280] =	vst v63  }
0x21a: {  	s17 =	simm.s32 $0x580  }
0x21b: {  	[spmem:s1] =	stream.indirect.scatter.add.f32 [tilespmem:s0], [sflag:$0x2], $0x80, s17, s31, $0xb8;
	[tilespmem:$0x1F280] =	vst v63  }
0x21c: {  	_ =	swait.ge [sflag:s30], $0x4000  }
0x21d: {  	[sflag:s30] =	ssyncset.done $0x0  }
0x21e: {  	[sflag:s30] =	ssyncadd.s32 $0xFFFFC000  }
0x21f: {  	_ =	swait.ge [sflag:s30], $0x4000  }
0x220: {  	[sflag:s30] =	ssyncset.done $0x0  }
0x221: {  	[sflag:s30] =	ssyncadd.s32 $0xFFFFC000  }
0x222: {  	_ =	swait.ge [sflag:s30], $0x4000  }
0x223: {  	[sflag:s30] =	ssyncset.done $0x0  }
0x224: {  	[sflag:s30] =	ssyncadd.s32 $0xFFFFC000  }
0x225: {  	_ =	swait.ge [sflag:s30], $0x4000  }
0x226: {  	[sflag:s30] =	ssyncset.done $0x0  }
0x227: {  	[sflag:s30] =	ssyncadd.s32 $0xFFFFC000  }
0x228: {  	_ =	swait.ge [sflag:s30], $0x4000  }
0x229: {  	[sflag:s30] =	ssyncset.done $0x0  }
0x22a: {  	[sflag:s30] =	ssyncadd.s32 $0xFFFFC000  }
0x22b: {  	_ =	swait.ge [sflag:s30], $0x4000  }
0x22c: {  	[sflag:s30] =	ssyncset.done $0x0  }
0x22d: {  	[sflag:s30] =	ssyncadd.s32 $0xFFFFC000  }
0x22e: {  	_ =	swait.ge [sflag:s30], $0x4000  }
0x22f: {  	[sflag:s30] =	ssyncset.done $0x0  }
0x230: {  	[sflag:s30] =	ssyncadd.s32 $0xFFFFC000  }
0x231: {  	_ =	swait.ge [sflag:s30], $0x4000  }
0x232: {  	s15 =	simm.s32 $0x400;
	s16 =	simm.s32 $0x2000;
	[sflag:s30] =	ssyncset.done $0x0  }
.LBB2_10:
0x233: {  	s17 =	sadd.s32 $0x200, s15  }
0x234: {  	[sflag:s30] =	ssyncadd.s32 $0xFFFFC000;
	s14 =	smov.u32 s16;
	s13 =	sadd.s32 $0x1000, s16  }
0x235: {  	[spmem:s1] =	stream.indirect.scatter.add.f32 [tilespmem:s0], [sflag:$0x2], $0x80, s17, s31, $0xb8;
	[tilespmem:$0x1F280] =	vst v63  }
0x236: {  	p1 =	seq.s32 s16, $0xB000;
	s16 =	sadd.s32 $0x280, s15  }
0x237: {  	[spmem:s1] =	stream.indirect.scatter.add.f32 [tilespmem:s0], [sflag:$0x2], $0x80, s16, s31, $0xb8;
	[tilespmem:$0x1F280] =	vst v63  }
0x238: {  	s16 =	sadd.s32 $0x300, s15  }
0x239: {  	[spmem:s1] =	stream.indirect.scatter.add.f32 [tilespmem:s0], [sflag:$0x2], $0x80, s16, s31, $0xb8;
	[tilespmem:$0x1F280] =	vst v63  }
0x23a: {  	s16 =	sadd.s32 $0x380, s15  }
0x23b: {  	[spmem:s1] =	stream.indirect.scatter.add.f32 [tilespmem:s0], [sflag:$0x2], $0x80, s16, s31, $0xb8;
	[tilespmem:$0x1F280] =	vst v63  }
0x23c: {  	s16 =	sadd.s32 $0x400, s15  }
0x23d: {  	[spmem:s1] =	stream.indirect.scatter.add.f32 [tilespmem:s0], [sflag:$0x2], $0x80, s16, s31, $0xb8;
	[tilespmem:$0x1F280] =	vst v63  }
0x23e: {  	s16 =	sadd.s32 $0x480, s15  }
0x23f: {  	[spmem:s1] =	stream.indirect.scatter.add.f32 [tilespmem:s0], [sflag:$0x2], $0x80, s16, s31, $0xb8;
	[tilespmem:$0x1F280] =	vst v63  }
0x240: {  	s16 =	sadd.s32 $0x500, s15  }
0x241: {  	[spmem:s1] =	stream.indirect.scatter.add.f32 [tilespmem:s0], [sflag:$0x2], $0x80, s16, s31, $0xb8;
	[tilespmem:$0x1F280] =	vst v63  }
0x242: {  	s15 =	sadd.s32 $0x580, s15  }
0x243: {  	[spmem:s1] =	stream.indirect.scatter.add.f32 [tilespmem:s0], [sflag:$0x2], $0x80, s15, s31, $0xb8;
	[tilespmem:$0x1F280] =	vst v63  }
0x244: {  	_ =	swait.ge [sflag:s30], $0x4000  }
0x245: {  	[sflag:s30] =	ssyncset.done $0x0  }
0x246: {  	[sflag:s30] =	ssyncadd.s32 $0xFFFFC000  }
0x247: {  	_ =	swait.ge [sflag:s30], $0x4000  }
0x248: {  	[sflag:s30] =	ssyncset.done $0x0  }
0x249: {  	[sflag:s30] =	ssyncadd.s32 $0xFFFFC000  }
0x24a: {  	_ =	swait.ge [sflag:s30], $0x4000  }
0x24b: {  	[sflag:s30] =	ssyncset.done $0x0  }
0x24c: {  	[sflag:s30] =	ssyncadd.s32 $0xFFFFC000  }
0x24d: {  	_ =	swait.ge [sflag:s30], $0x4000  }
0x24e: {  	[sflag:s30] =	ssyncset.done $0x0  }
0x24f: {  	[sflag:s30] =	ssyncadd.s32 $0xFFFFC000  }
0x250: {  	_ =	swait.ge [sflag:s30], $0x4000  }
0x251: {  	[sflag:s30] =	ssyncset.done $0x0  }
0x252: {  	[sflag:s30] =	ssyncadd.s32 $0xFFFFC000  }
0x253: {  	_ =	swait.ge [sflag:s30], $0x4000  }
0x254: {  	[sflag:s30] =	ssyncset.done $0x0  }
0x255: {  	[sflag:s30] =	ssyncadd.s32 $0xFFFFC000  }
.Ltmp7:
0x256: {  	_ =	swait.ge [sflag:s30], $0x4000;
	(pc) =	sbr.rel @!p1 .LBB2_10-.Ltmp7, $4  }
0x257: {  	[sflag:s30] =	ssyncset.done $0x0  }
0x258: {  	[sflag:s30] =	ssyncadd.s32 $0xFFFFC000  }
0x259: {  	_ =	swait.ge [sflag:s30], $0x4000  }
0x25a: {  	s16 =	smov.u32 s13;
	s15 =	sshra.s32 s14, $0x2;
	[sflag:s30] =	ssyncset.done $0x0  }
0x25b: {  	s13 =	sadd.s32 $0x200, s15;
	[sflag:s30] =	ssyncadd.s32 $0xFFFFC000  }
0x25c: {  	[spmem:s1] =	stream.indirect.scatter.add.f32 [tilespmem:s0], [sflag:$0x2], $0x80, s13, s31, $0xb8;
	[tilespmem:$0x1F280] =	vst v63  }
0x25d: {  	s17 =	sadd.s32 $0x280, s15  }
0x25e: {  	[spmem:s1] =	stream.indirect.scatter.add.f32 [tilespmem:s0], [sflag:$0x2], $0x80, s17, s31, $0xb8;
	[tilespmem:$0x1F280] =	vst v63  }
0x25f: {  	s14 =	sadd.s32 $0x300, s15  }
0x260: {  	[spmem:s1] =	stream.indirect.scatter.add.f32 [tilespmem:s0], [sflag:$0x2], $0x80, s14, s31, $0xb8;
	[tilespmem:$0x1F280] =	vst v63  }
0x261: {  	s16 =	sadd.s32 $0x380, s15  }
0x262: {  	[spmem:s1] =	stream.indirect.scatter.add.f32 [tilespmem:s0], [sflag:$0x2], $0x80, s16, s31, $0xb8;
	[tilespmem:$0x1F280] =	vst v63  }
0x263: {  	s17 =	sadd.s32 $0x400, s15  }
0x264: {  	[spmem:s1] =	stream.indirect.scatter.add.f32 [tilespmem:s0], [sflag:$0x2], $0x80, s17, s31, $0xb8;
	[tilespmem:$0x1F280] =	vst v63  }
0x265: {  	s14 =	sadd.s32 $0x480, s15  }
0x266: {  	[spmem:s1] =	stream.indirect.scatter.add.f32 [tilespmem:s0], [sflag:$0x2], $0x80, s14, s31, $0xb8;
	[tilespmem:$0x1F280] =	vst v63  }
0x267: {  	s16 =	sadd.s32 $0x500, s15  }
0x268: {  	[spmem:s1] =	stream.indirect.scatter.add.f32 [tilespmem:s0], [sflag:$0x2], $0x80, s16, s31, $0xb8;
	[tilespmem:$0x1F280] =	vst v63  }
0x269: {  	s17 =	sadd.s32 $0x580, s15  }
0x26a: {  	[spmem:s1] =	stream.indirect.scatter.add.f32 [tilespmem:s0], [sflag:$0x2], $0x80, s17, s31, $0xb8;
	[tilespmem:$0x1F280] =	vst v63  }
0x26b: {  	_ =	swait.ge [sflag:s30], $0x4000  }
0x26c: {  	[sflag:s30] =	ssyncset.done $0x0  }
0x26d: {  	[sflag:s30] =	ssyncadd.s32 $0xFFFFC000  }
0x26e: {  	_ =	swait.ge [sflag:s30], $0x4000  }
0x26f: {  	[sflag:s30] =	ssyncset.done $0x0  }
0x270: {  	[sflag:s30] =	ssyncadd.s32 $0xFFFFC000  }
0x271: {  	_ =	swait.ge [sflag:s30], $0x4000  }
0x272: {  	[sflag:s30] =	ssyncset.done $0x0  }
0x273: {  	[sflag:s30] =	ssyncadd.s32 $0xFFFFC000  }
0x274: {  	_ =	swait.ge [sflag:s30], $0x4000  }
0x275: {  	[sflag:s30] =	ssyncset.done $0x0  }
0x276: {  	[sflag:s30] =	ssyncadd.s32 $0xFFFFC000  }
0x277: {  	_ =	swait.ge [sflag:s30], $0x4000  }
0x278: {  	[sflag:s30] =	ssyncset.done $0x0  }
0x279: {  	[sflag:s30] =	ssyncadd.s32 $0xFFFFC000  }
0x27a: {  	_ =	swait.ge [sflag:s30], $0x4000  }
0x27b: {  	[sflag:s30] =	ssyncset.done $0x0  }
0x27c: {  	[sflag:s30] =	ssyncadd.s32 $0xFFFFC000  }
0x27d: {  	_ =	swait.ge [sflag:s30], $0x4000  }
.Ltmp8:
0x27e: {  	[sflag:s30] =	ssyncset.done $0x0;
	(pc) =	sbr.rel .LBB2_15-.Ltmp8, $4  }
0x27f: {  	[sflag:s30] =	ssyncadd.s32 $0xFFFFC000  }
0x280: {  	_ =	swait.ge [sflag:s30], $0x4000  }
0x281: {  	[sflag:s30] =	ssyncset.done $0x0  }
0x282: {  	[sflag:s30] =	ssyncadd.s32 $0xFFFFC000  }
.LBB2_12:
0x283: {  	[spmem:s1] =	stream.indirect.scatter.add.f32 [tilespmem:s0], [sflag:$0x2], $0x80, s13, s31, $0xb8;
	[tilespmem:$0x1F280] =	vst v63  }
0x284: {  	s15 =	simm.s32 $0x280  }
0x285: {  	[spmem:s1] =	stream.indirect.scatter.add.f32 [tilespmem:s0], [sflag:$0x2], $0x80, s15, s31, $0xb8;
	[tilespmem:$0x1F280] =	vst v63  }
0x286: {  	s16 =	simm.s32 $0x300  }
0x287: {  	[spmem:s1] =	stream.indirect.scatter.add.f32 [tilespmem:s0], [sflag:$0x2], $0x80, s16, s31, $0xb8;
	[tilespmem:$0x1F280] =	vst v63  }
0x288: {  	s17 =	simm.s32 $0x380  }
0x289: {  	[spmem:s1] =	stream.indirect.scatter.add.f32 [tilespmem:s0], [sflag:$0x2], $0x80, s17, s31, $0xb8;
	[tilespmem:$0x1F280] =	vst v63  }
0x28a: {  	s14 =	simm.s32 $0x400  }
0x28b: {  	[spmem:s1] =	stream.indirect.scatter.add.f32 [tilespmem:s0], [sflag:$0x2], $0x80, s14, s31, $0xb8;
	[tilespmem:$0x1F280] =	vst v63  }
0x28c: {  	s15 =	simm.s32 $0x480  }
0x28d: {  	[spmem:s1] =	stream.indirect.scatter.add.f32 [tilespmem:s0], [sflag:$0x2], $0x80, s15, s31, $0xb8;
	[tilespmem:$0x1F280] =	vst v63  }
0x28e: {  	s16 =	simm.s32 $0x500  }
0x28f: {  	[spmem:s1] =	stream.indirect.scatter.add.f32 [tilespmem:s0], [sflag:$0x2], $0x80, s16, s31, $0xb8;
	[tilespmem:$0x1F280] =	vst v63  }
0x290: {  	s17 =	simm.s32 $0x580  }
0x291: {  	[spmem:s1] =	stream.indirect.scatter.add.f32 [tilespmem:s0], [sflag:$0x2], $0x80, s17, s31, $0xb8;
	[tilespmem:$0x1F280] =	vst v63  }
0x292: {  	_ =	swait.ge [sflag:s30], $0x4000  }
0x293: {  	[sflag:s30] =	ssyncset.done $0x0  }
0x294: {  	[sflag:s30] =	ssyncadd.s32 $0xFFFFC000  }
0x295: {  	_ =	swait.ge [sflag:s30], $0x4000  }
0x296: {  	[sflag:s30] =	ssyncset.done $0x0  }
0x297: {  	[sflag:s30] =	ssyncadd.s32 $0xFFFFC000  }
0x298: {  	_ =	swait.ge [sflag:s30], $0x4000  }
0x299: {  	[sflag:s30] =	ssyncset.done $0x0  }
0x29a: {  	[sflag:s30] =	ssyncadd.s32 $0xFFFFC000  }
0x29b: {  	_ =	swait.ge [sflag:s30], $0x4000  }
0x29c: {  	[sflag:s30] =	ssyncset.done $0x0  }
0x29d: {  	[sflag:s30] =	ssyncadd.s32 $0xFFFFC000  }
0x29e: {  	_ =	swait.ge [sflag:s30], $0x4000  }
0x29f: {  	[sflag:s30] =	ssyncset.done $0x0  }
0x2a0: {  	[sflag:s30] =	ssyncadd.s32 $0xFFFFC000  }
0x2a1: {  	_ =	swait.ge [sflag:s30], $0x4000  }
0x2a2: {  	[sflag:s30] =	ssyncset.done $0x0  }
0x2a3: {  	[sflag:s30] =	ssyncadd.s32 $0xFFFFC000  }
0x2a4: {  	_ =	swait.ge [sflag:s30], $0x4000  }
0x2a5: {  	[sflag:s30] =	ssyncset.done $0x0  }
0x2a6: {  	[sflag:s30] =	ssyncadd.s32 $0xFFFFC000  }
0x2a7: {  	_ =	swait.ge [sflag:s30], $0x4000  }
0x2a8: {  	s15 =	simm.s32 $0x400;
	s16 =	simm.s32 $0x2000;
	[sflag:s30] =	ssyncset.done $0x0  }
.LBB2_13:
0x2a9: {  	s17 =	sadd.s32 $0x200, s15  }
0x2aa: {  	[sflag:s30] =	ssyncadd.s32 $0xFFFFC000;
	s14 =	smov.u32 s16;
	s13 =	sadd.s32 $0x1000, s16  }
0x2ab: {  	[spmem:s1] =	stream.indirect.scatter.add.f32 [tilespmem:s0], [sflag:$0x2], $0x80, s17, s31, $0xb8;
	[tilespmem:$0x1F280] =	vst v63  }
0x2ac: {  	p1 =	sne.s32 s16, $0x7000;
	s16 =	sadd.s32 $0x280, s15  }
0x2ad: {  	[spmem:s1] =	stream.indirect.scatter.add.f32 [tilespmem:s0], [sflag:$0x2], $0x80, s16, s31, $0xb8;
	[tilespmem:$0x1F280] =	vst v63  }
0x2ae: {  	s16 =	sadd.s32 $0x300, s15  }
0x2af: {  	[spmem:s1] =	stream.indirect.scatter.add.f32 [tilespmem:s0], [sflag:$0x2], $0x80, s16, s31, $0xb8;
	[tilespmem:$0x1F280] =	vst v63  }
0x2b0: {  	s16 =	sadd.s32 $0x380, s15  }
0x2b1: {  	[spmem:s1] =	stream.indirect.scatter.add.f32 [tilespmem:s0], [sflag:$0x2], $0x80, s16, s31, $0xb8;
	[tilespmem:$0x1F280] =	vst v63  }
0x2b2: {  	s16 =	sadd.s32 $0x400, s15  }
0x2b3: {  	[spmem:s1] =	stream.indirect.scatter.add.f32 [tilespmem:s0], [sflag:$0x2], $0x80, s16, s31, $0xb8;
	[tilespmem:$0x1F280] =	vst v63  }
0x2b4: {  	s16 =	sadd.s32 $0x480, s15  }
0x2b5: {  	[spmem:s1] =	stream.indirect.scatter.add.f32 [tilespmem:s0], [sflag:$0x2], $0x80, s16, s31, $0xb8;
	[tilespmem:$0x1F280] =	vst v63  }
0x2b6: {  	s16 =	sadd.s32 $0x500, s15  }
0x2b7: {  	[spmem:s1] =	stream.indirect.scatter.add.f32 [tilespmem:s0], [sflag:$0x2], $0x80, s16, s31, $0xb8;
	[tilespmem:$0x1F280] =	vst v63  }
0x2b8: {  	s15 =	sadd.s32 $0x580, s15  }
0x2b9: {  	[spmem:s1] =	stream.indirect.scatter.add.f32 [tilespmem:s0], [sflag:$0x2], $0x80, s15, s31, $0xb8;
	[tilespmem:$0x1F280] =	vst v63  }
0x2ba: {  	_ =	swait.ge [sflag:s30], $0x4000  }
0x2bb: {  	[sflag:s30] =	ssyncset.done $0x0  }
0x2bc: {  	[sflag:s30] =	ssyncadd.s32 $0xFFFFC000  }
0x2bd: {  	_ =	swait.ge [sflag:s30], $0x4000  }
0x2be: {  	[sflag:s30] =	ssyncset.done $0x0  }
0x2bf: {  	[sflag:s30] =	ssyncadd.s32 $0xFFFFC000  }
0x2c0: {  	_ =	swait.ge [sflag:s30], $0x4000  }
0x2c1: {  	[sflag:s30] =	ssyncset.done $0x0  }
0x2c2: {  	[sflag:s30] =	ssyncadd.s32 $0xFFFFC000  }
0x2c3: {  	_ =	swait.ge [sflag:s30], $0x4000  }
0x2c4: {  	[sflag:s30] =	ssyncset.done $0x0  }
0x2c5: {  	[sflag:s30] =	ssyncadd.s32 $0xFFFFC000  }
0x2c6: {  	_ =	swait.ge [sflag:s30], $0x4000  }
0x2c7: {  	[sflag:s30] =	ssyncset.done $0x0  }
0x2c8: {  	[sflag:s30] =	ssyncadd.s32 $0xFFFFC000  }
0x2c9: {  	_ =	swait.ge [sflag:s30], $0x4000  }
0x2ca: {  	[sflag:s30] =	ssyncset.done $0x0  }
0x2cb: {  	[sflag:s30] =	ssyncadd.s32 $0xFFFFC000  }
.Ltmp9:
0x2cc: {  	_ =	swait.ge [sflag:s30], $0x4000;
	(pc) =	sbr.rel @p1 .LBB2_13-.Ltmp9, $4  }
0x2cd: {  	[sflag:s30] =	ssyncset.done $0x0  }
0x2ce: {  	[sflag:s30] =	ssyncadd.s32 $0xFFFFC000  }
0x2cf: {  	_ =	swait.ge [sflag:s30], $0x4000  }
0x2d0: {  	s16 =	smov.u32 s13;
	s15 =	sshra.s32 s14, $0x2;
	[sflag:s30] =	ssyncset.done $0x0  }
.Ltmp10:
0x2d1: {  	_ = 	snop;
	(pc) =	sbr.rel .LBB2_14-.Ltmp10, $1  }
0x2d2: {  	_ =	sdelay $0x3  }
.LBB2_16:
0x2d3: {  	_ =	sfence.sel $0x180000  }
0x2d4: {  	[bflag:$0x0] =	sbarrier.arrive $0xFFFF  }
0x2d5: {  	_ =	strace $0x90000047  }
0x2d6: {  	s0 =	stileid.u32;
	[bflag:$0x2] =	sbarrier.arrive $0xFFFF  }
0x2d7: {  	p0 =	sne.s32 s0, $0x0;
	s0 =	rddreg [dreg:$0x3]  }
0x2d8: {  	s0 =	sadd.s32 @!p0 $0x100000, s0  }
0x2d9: {  	[sflag:s0] =	ssyncadd.tile.s32 @!p0 $0x1;
	_ =	shalt  }
.Lfunc_end2:
_tile_overlayer_lowered:
.L_overlay_start_2:
0x2da: {  	(tag) =	ssettag $0x2  }
0x2db: {  	s0 =	rddreg [dreg:$0x0];
	s2 =	stileid.u32  }
0x2dc: {  	s1 =	rddreg [dreg:$0x1];
	p0 =	sne.s32 s2, $0x0  }
0x2dd: {  	s3 =	rddreg [dreg:$0x2];
	[bflag:$0x3] =	sbarrier.arrive $0xFFFF;
	s2 =	simm.s32 @!p0 $0x1C04  }
0x2de: {  	[timem:s3], [sflag:s2] =	dma.local @!p0 [hbm:s0], s1  }
0x2df: {  	s0 =	simm.s32 @!p0 $0x4  }
0x2e0: {  	_ =	swait.ge @!p0 [sflag:s0], s1  }
0x2e1: {  	s1 =	ssub.s32 @!p0 $0x0, s1;
	[sflag:s0] =	ssyncset.done @!p0 $0x0  }
0x2e2: {  	[sflag:s0] =	ssyncadd.s32 @!p0 s1  }
0x2e3: {  	[bflag:$0x3] =	sbarrier.arrive $0xFFFF  }
0x2e4: {  	_ =	shalt  }

</sc_bundles>
